<compile_context>
chip_gen: v7x
topology: tpu7x:2x2x1
jax: 0.10.2.dev20260603
libtpu: 0.0.44.dev20260713+nightly
codegen_flags: <defaults>
</compile_context>

<pallas_src>
import functools

import jax
import jax.numpy as jnp
from jax import lax
from jax.experimental import pallas as pl
from jax.experimental.pallas import tpu as pltpu
from jax.experimental.pallas import tpu_sc as plsc

EMBED_DIM = 64
NC = 2
NS = 16
NW = NC * NS
ROWS, SEQ = 4096, 50
SEQ_AL = 56
SRC_PAD = 128
R_PER_W = ROWS // NW
G = 8
NGROUP = R_PER_W // G

_mesh = plsc.VectorSubcoreMesh(core_axis_name="c", subcore_axis_name="s")


@functools.partial(
    pl.kernel,
    mesh=_mesh,
    out_type=jax.ShapeDtypeStruct((ROWS, SEQ, EMBED_DIM), jnp.float32),
    scratch_types=[
        pltpu.VMEM((R_PER_W, SRC_PAD), jnp.int32),
        pltpu.VMEM((2, G, SEQ_AL, EMBED_DIM), jnp.float32),
        pltpu.SemaphoreType.DMA,
        pltpu.SemaphoreType.DMA,
        pltpu.SemaphoreType.DMA,
        pltpu.SemaphoreType.DMA,
    ],
    compiler_params=pltpu.CompilerParams(use_tc_tiling_on_sc=False),
)
def _embed(src_hbm, table_hbm, out_hbm, idx_v, rows_v, gsem0, gsem1, esem0, esem1):
    wid = lax.axis_index("s") * NC + lax.axis_index("c")
    rbase = wid * R_PER_W

    pltpu.sync_copy(src_hbm.at[pl.ds(rbase, R_PER_W)], idx_v)

    gsems = (gsem0, gsem1)
    esems = (esem0, esem1)

    def group_start(c, buf):
        for j in range(G):
            pltpu.async_copy(
                table_hbm.at[idx_v.at[c * G + j, pl.ds(0, SEQ_AL)]],
                rows_v.at[buf, j],
                gsems[buf],
            )

    def group_wait(buf):
        for j in range(G):
            pltpu.make_async_copy(
                table_hbm.at[pl.ds(0, SEQ_AL)], rows_v.at[buf, j], gsems[buf]
            ).wait()

    def emit(c, buf):
        for j in range(G):
            pltpu.async_copy(
                rows_v.at[buf, pl.ds(j, 1), pl.ds(0, SEQ)],
                out_hbm.at[pl.ds(rbase + c * G + j, 1)],
                esems[buf],
            )
        pltpu.make_async_copy(
            out_hbm.at[pl.ds(0, G)],
            rows_v.at[buf, :, pl.ds(0, SEQ)],
            esems[buf],
        ).wait()

    group_start(0, 0)

    @pl.loop(0, NGROUP - 2, step=2)
    def _(g):
        group_start(g + 1, 1)
        group_wait(0)
        emit(g, 0)
        group_start(g + 2, 0)
        group_wait(1)
        emit(g + 1, 1)

    group_start(NGROUP - 1, 1)
    group_wait(0)
    emit(NGROUP - 2, 0)
    group_wait(1)
    emit(NGROUP - 1, 1)


def kernel(src, table):
    src_p = jnp.pad(src.astype(jnp.int32), ((0, 0), (0, SRC_PAD - SEQ)))
    return _embed(src_p, table)

# --- scband reference (transcript-rebuilt; emitter-appended) ---
"""Pipeline reference for scband-embedding-77163382440278 (READ-ONLY COPY).

The authoritative reference and input builder live on the scoring server;
editing this copy changes nothing except your own understanding.
"""

import jax, jax.numpy as jnp
import numpy as np

VOCAB = 100000
EMBED_DIM = 64

def setup_inputs(seed: int = 0) -> dict:
    key = jax.random.key(seed)
    k1, k2 = jax.random.split(key)
    src = jax.random.randint(k1, (4096, 50), 0, VOCAB, dtype=jnp.int64) if jax.config.jax_enable_x64 else jax.random.randint(k1, (4096, 50), 0, VOCAB, dtype=jnp.int32)
    table = jax.random.normal(k2, (VOCAB, EMBED_DIM), dtype=jnp.float32) * 0.02
    return {"src": src, "table": table}

def reference(src, table):
    # Faithful translation of Embedding.embed: gather embedding vector for
    # each token index (Word2Vec wv lookup == row gather from embedding matrix).
    return jnp.take(table, src, axis=0)

if __name__ == "__main__":
    import jax
    _d = setup_inputs()
    print(jax.jit(kernel)(*tuple(_d.values())))

</pallas_src>

<mosaic_0001>
#map = affine_map<(d0, d1) -> (0, 0)>
#map1 = affine_map<(d0, d1) -> (0, 0, 0)>
module attributes {stable_mosaic.version = 14 : i64} {
  func.func @_embed(%arg0: i32, %arg1: i32, %arg2: memref<4096x128xi32, #tpu.memory_space<hbm>>, %arg3: memref<100000x64xf32, #tpu.memory_space<hbm>>, %arg4: memref<4096x50x64xf32, #tpu.memory_space<hbm>>, %arg5: memref<128x128xi32, #tpu.memory_space<vmem>>, %arg6: memref<2x8x56x64xf32, #tpu.memory_space<vmem>>, %arg7: memref<!tpu.dma_semaphore, #tpu.memory_space<semaphore_mem>>, %arg8: memref<!tpu.dma_semaphore, #tpu.memory_space<semaphore_mem>>, %arg9: memref<!tpu.dma_semaphore, #tpu.memory_space<semaphore_mem>>, %arg10: memref<!tpu.dma_semaphore, #tpu.memory_space<semaphore_mem>>) attributes {dimension_semantics = [#tpu.dimension_semantics<core_parallel>, #tpu.dimension_semantics<subcore_parallel>], iteration_bounds = array<i64: 2, 16>, scalar_prefetch = 0 : i64, scratch_operands = 6 : i64, tpu.core_type = #tpu.core_type<sc_vector_subcore>, window_params = [{transform_indices = #map}, {transform_indices = #map}, {transform_indices = #map1}]} {
    %mul3A = arith.constant 2 : i32
    %mul3A_0 = arith.muli %arg1, %mul3A : i32
    %add3A = arith.addi %mul3A_0, %arg0 : i32
    %mul3A_1 = arith.constant 128 : i32
    %mul3A_2 = arith.muli %add3A, %mul3A_1 : i32
    "tpu.region"() ({
      %run_scoped3A = tpu.sem_alloc : memref<!tpu.dma_semaphore, #tpu.memory_space<semaphore_mem>>
      %dma_start3A_843 = arith.constant 0 : i32
      %dma_start3A_844 = tpu.memref_slice %arg2[%mul3A_2, %dma_start3A_843] : memref<4096x128xi32, #tpu.memory_space<hbm>> -> memref<128x128xi32, #tpu.memory_space<hbm>>
      %dma_start3A_845 = arith.constant 0 : i32
      %dma_start3A_846 = tpu.memref_slice %arg2[%mul3A_2, %dma_start3A_845] : memref<4096x128xi32, #tpu.memory_space<hbm>> -> memref<128x128xi32, #tpu.memory_space<hbm>>
      tpu.enqueue_dma source(%dma_start3A_846 : memref<128x128xi32, #tpu.memory_space<hbm>>) target(%arg5 : memref<128x128xi32, #tpu.memory_space<vmem>>) target_semaphore(%run_scoped3A : memref<!tpu.dma_semaphore, #tpu.memory_space<semaphore_mem>>)
      %dma_wait3A_847 = arith.constant 0 : i32
      %dma_wait3A_848 = tpu.memref_slice %arg2[%mul3A_2, %dma_wait3A_847] : memref<4096x128xi32, #tpu.memory_space<hbm>> -> memref<128x128xi32, #tpu.memory_space<hbm>>
      %dma_wait3A_849 = arith.constant 0 : i32
      %dma_wait3A_850 = tpu.memref_slice %arg2[%mul3A_2, %dma_wait3A_849] : memref<4096x128xi32, #tpu.memory_space<hbm>> -> memref<128x128xi32, #tpu.memory_space<hbm>>
      tpu.wait_dma2 semaphore(%run_scoped3A : memref<!tpu.dma_semaphore, #tpu.memory_space<semaphore_mem>>) src(%dma_wait3A_850 : memref<128x128xi32, #tpu.memory_space<hbm>>) dst(%arg5 : memref<128x128xi32, #tpu.memory_space<vmem>>)
      tpu.yield
    }) : () -> ()
    %dma_start3A = arith.constant 0 : i32
    %dma_start3A_3 = arith.constant 0 : i32
    %dma_start3A_4 = arith.constant 0 : i32
    %dma_start3A_5 = arith.constant 0 : i32
    %dma_start3A_6 = arith.constant 0 : i32
    %dma_start3A_7 = tpu.memref_slice %arg6[%dma_start3A_3, %dma_start3A_4, %dma_start3A_5, %dma_start3A_6] : memref<2x8x56x64xf32, #tpu.memory_space<vmem>> -> memref<1x1x56x64xf32, #tpu.memory_space<vmem>>
    %dma_start3A_8 = tpu.memref_squeeze %dma_start3A_7 : memref<1x1x56x64xf32, #tpu.memory_space<vmem>> -> memref<56x64xf32, #tpu.memory_space<vmem>>
    %dma_start3A_9 = arith.constant 0 : i32
    %dma_start3A_10 = tpu.memref_slice %arg5[%dma_start3A, %dma_start3A_9] : memref<128x128xi32, #tpu.memory_space<vmem>> -> memref<1x56xi32, #tpu.memory_space<vmem>>
    %dma_start3A_11 = tpu.memref_squeeze %dma_start3A_10 : memref<1x56xi32, #tpu.memory_space<vmem>> -> memref<56xi32, #tpu.memory_space<vmem>>
    %dma_start3A_12 = arith.constant 0 : i32
    %dma_start3A_13 = arith.constant 0 : i32
    %dma_start3A_14 = tpu.memref_slice %arg3[%dma_start3A_12, %dma_start3A_13] : memref<100000x64xf32, #tpu.memory_space<hbm>> -> memref<100000x64xf32, #tpu.memory_space<hbm>>
    tpu.enqueue_indirect_dma source(%dma_start3A_14 : memref<100000x64xf32, #tpu.memory_space<hbm>>) target(%dma_start3A_8 : memref<56x64xf32, #tpu.memory_space<vmem>>) offsets(%dma_start3A_11 : memref<56xi32, #tpu.memory_space<vmem>>) semaphore(%arg7 : memref<!tpu.dma_semaphore, #tpu.memory_space<semaphore_mem>>)
    %dma_start3A_15 = arith.constant 1 : i32
    %dma_start3A_16 = arith.constant 0 : i32
    %dma_start3A_17 = arith.constant 1 : i32
    %dma_start3A_18 = arith.constant 0 : i32
    %dma_start3A_19 = arith.constant 0 : i32
    %dma_start3A_20 = tpu.memref_slice %arg6[%dma_start3A_16, %dma_start3A_17, %dma_start3A_18, %dma_start3A_19] : memref<2x8x56x64xf32, #tpu.memory_space<vmem>> -> memref<1x1x56x64xf32, #tpu.memory_space<vmem>>
    %dma_start3A_21 = tpu.memref_squeeze %dma_start3A_20 : memref<1x1x56x64xf32, #tpu.memory_space<vmem>> -> memref<56x64xf32, #tpu.memory_space<vmem>>
    %dma_start3A_22 = arith.constant 0 : i32
    %dma_start3A_23 = tpu.memref_slice %arg5[%dma_start3A_15, %dma_start3A_22] : memref<128x128xi32, #tpu.memory_space<vmem>> -> memref<1x56xi32, #tpu.memory_space<vmem>>
    %dma_start3A_24 = tpu.memref_squeeze %dma_start3A_23 : memref<1x56xi32, #tpu.memory_space<vmem>> -> memref<56xi32, #tpu.memory_space<vmem>>
    %dma_start3A_25 = arith.constant 0 : i32
    %dma_start3A_26 = arith.constant 0 : i32
    %dma_start3A_27 = tpu.memref_slice %arg3[%dma_start3A_25, %dma_start3A_26] : memref<100000x64xf32, #tpu.memory_space<hbm>> -> memref<100000x64xf32, #tpu.memory_space<hbm>>
    tpu.enqueue_indirect_dma source(%dma_start3A_27 : memref<100000x64xf32, #tpu.memory_space<hbm>>) target(%dma_start3A_21 : memref<56x64xf32, #tpu.memory_space<vmem>>) offsets(%dma_start3A_24 : memref<56xi32, #tpu.memory_space<vmem>>) semaphore(%arg7 : memref<!tpu.dma_semaphore, #tpu.memory_space<semaphore_mem>>)
    %dma_start3A_28 = arith.constant 2 : i32
    %dma_start3A_29 = arith.constant 0 : i32
    %dma_start3A_30 = arith.constant 2 : i32
    %dma_start3A_31 = arith.constant 0 : i32
    %dma_start3A_32 = arith.constant 0 : i32
    %dma_start3A_33 = tpu.memref_slice %arg6[%dma_start3A_29, %dma_start3A_30, %dma_start3A_31, %dma_start3A_32] : memref<2x8x56x64xf32, #tpu.memory_space<vmem>> -> memref<1x1x56x64xf32, #tpu.memory_space<vmem>>
    %dma_start3A_34 = tpu.memref_squeeze %dma_start3A_33 : memref<1x1x56x64xf32, #tpu.memory_space<vmem>> -> memref<56x64xf32, #tpu.memory_space<vmem>>
    %dma_start3A_35 = arith.constant 0 : i32
    %dma_start3A_36 = tpu.memref_slice %arg5[%dma_start3A_28, %dma_start3A_35] : memref<128x128xi32, #tpu.memory_space<vmem>> -> memref<1x56xi32, #tpu.memory_space<vmem>>
    %dma_start3A_37 = tpu.memref_squeeze %dma_start3A_36 : memref<1x56xi32, #tpu.memory_space<vmem>> -> memref<56xi32, #tpu.memory_space<vmem>>
    %dma_start3A_38 = arith.constant 0 : i32
    %dma_start3A_39 = arith.constant 0 : i32
    %dma_start3A_40 = tpu.memref_slice %arg3[%dma_start3A_38, %dma_start3A_39] : memref<100000x64xf32, #tpu.memory_space<hbm>> -> memref<100000x64xf32, #tpu.memory_space<hbm>>
    tpu.enqueue_indirect_dma source(%dma_start3A_40 : memref<100000x64xf32, #tpu.memory_space<hbm>>) target(%dma_start3A_34 : memref<56x64xf32, #tpu.memory_space<vmem>>) offsets(%dma_start3A_37 : memref<56xi32, #tpu.memory_space<vmem>>) semaphore(%arg7 : memref<!tpu.dma_semaphore, #tpu.memory_space<semaphore_mem>>)
    %dma_start3A_41 = arith.constant 3 : i32
    %dma_start3A_42 = arith.constant 0 : i32
    %dma_start3A_43 = arith.constant 3 : i32
    %dma_start3A_44 = arith.constant 0 : i32
    %dma_start3A_45 = arith.constant 0 : i32
    %dma_start3A_46 = tpu.memref_slice %arg6[%dma_start3A_42, %dma_start3A_43, %dma_start3A_44, %dma_start3A_45] : memref<2x8x56x64xf32, #tpu.memory_space<vmem>> -> memref<1x1x56x64xf32, #tpu.memory_space<vmem>>
    %dma_start3A_47 = tpu.memref_squeeze %dma_start3A_46 : memref<1x1x56x64xf32, #tpu.memory_space<vmem>> -> memref<56x64xf32, #tpu.memory_space<vmem>>
    %dma_start3A_48 = arith.constant 0 : i32
    %dma_start3A_49 = tpu.memref_slice %arg5[%dma_start3A_41, %dma_start3A_48] : memref<128x128xi32, #tpu.memory_space<vmem>> -> memref<1x56xi32, #tpu.memory_space<vmem>>
    %dma_start3A_50 = tpu.memref_squeeze %dma_start3A_49 : memref<1x56xi32, #tpu.memory_space<vmem>> -> memref<56xi32, #tpu.memory_space<vmem>>
    %dma_start3A_51 = arith.constant 0 : i32
    %dma_start3A_52 = arith.constant 0 : i32
    %dma_start3A_53 = tpu.memref_slice %arg3[%dma_start3A_51, %dma_start3A_52] : memref<100000x64xf32, #tpu.memory_space<hbm>> -> memref<100000x64xf32, #tpu.memory_space<hbm>>
    tpu.enqueue_indirect_dma source(%dma_start3A_53 : memref<100000x64xf32, #tpu.memory_space<hbm>>) target(%dma_start3A_47 : memref<56x64xf32, #tpu.memory_space<vmem>>) offsets(%dma_start3A_50 : memref<56xi32, #tpu.memory_space<vmem>>) semaphore(%arg7 : memref<!tpu.dma_semaphore, #tpu.memory_space<semaphore_mem>>)
    %dma_start3A_54 = arith.constant 4 : i32
    %dma_start3A_55 = arith.constant 0 : i32
    %dma_start3A_56 = arith.constant 4 : i32
    %dma_start3A_57 = arith.constant 0 : i32
    %dma_start3A_58 = arith.constant 0 : i32
    %dma_start3A_59 = tpu.memref_slice %arg6[%dma_start3A_55, %dma_start3A_56, %dma_start3A_57, %dma_start3A_58] : memref<2x8x56x64xf32, #tpu.memory_space<vmem>> -> memref<1x1x56x64xf32, #tpu.memory_space<vmem>>
    %dma_start3A_60 = tpu.memref_squeeze %dma_start3A_59 : memref<1x1x56x64xf32, #tpu.memory_space<vmem>> -> memref<56x64xf32, #tpu.memory_space<vmem>>
    %dma_start3A_61 = arith.constant 0 : i32
    %dma_start3A_62 = tpu.memref_slice %arg5[%dma_start3A_54, %dma_start3A_61] : memref<128x128xi32, #tpu.memory_space<vmem>> -> memref<1x56xi32, #tpu.memory_space<vmem>>
    %dma_start3A_63 = tpu.memref_squeeze %dma_start3A_62 : memref<1x56xi32, #tpu.memory_space<vmem>> -> memref<56xi32, #tpu.memory_space<vmem>>
    %dma_start3A_64 = arith.constant 0 : i32
    %dma_start3A_65 = arith.constant 0 : i32
    %dma_start3A_66 = tpu.memref_slice %arg3[%dma_start3A_64, %dma_start3A_65] : memref<100000x64xf32, #tpu.memory_space<hbm>> -> memref<100000x64xf32, #tpu.memory_space<hbm>>
    tpu.enqueue_indirect_dma source(%dma_start3A_66 : memref<100000x64xf32, #tpu.memory_space<hbm>>) target(%dma_start3A_60 : memref<56x64xf32, #tpu.memory_space<vmem>>) offsets(%dma_start3A_63 : memref<56xi32, #tpu.memory_space<vmem>>) semaphore(%arg7 : memref<!tpu.dma_semaphore, #tpu.memory_space<semaphore_mem>>)
    %dma_start3A_67 = arith.constant 5 : i32
    %dma_start3A_68 = arith.constant 0 : i32
    %dma_start3A_69 = arith.constant 5 : i32
    %dma_start3A_70 = arith.constant 0 : i32
    %dma_start3A_71 = arith.constant 0 : i32
    %dma_start3A_72 = tpu.memref_slice %arg6[%dma_start3A_68, %dma_start3A_69, %dma_start3A_70, %dma_start3A_71] : memref<2x8x56x64xf32, #tpu.memory_space<vmem>> -> memref<1x1x56x64xf32, #tpu.memory_space<vmem>>
    %dma_start3A_73 = tpu.memref_squeeze %dma_start3A_72 : memref<1x1x56x64xf32, #tpu.memory_space<vmem>> -> memref<56x64xf32, #tpu.memory_space<vmem>>
    %dma_start3A_74 = arith.constant 0 : i32
    %dma_start3A_75 = tpu.memref_slice %arg5[%dma_start3A_67, %dma_start3A_74] : memref<128x128xi32, #tpu.memory_space<vmem>> -> memref<1x56xi32, #tpu.memory_space<vmem>>
    %dma_start3A_76 = tpu.memref_squeeze %dma_start3A_75 : memref<1x56xi32, #tpu.memory_space<vmem>> -> memref<56xi32, #tpu.memory_space<vmem>>
    %dma_start3A_77 = arith.constant 0 : i32
    %dma_start3A_78 = arith.constant 0 : i32
    %dma_start3A_79 = tpu.memref_slice %arg3[%dma_start3A_77, %dma_start3A_78] : memref<100000x64xf32, #tpu.memory_space<hbm>> -> memref<100000x64xf32, #tpu.memory_space<hbm>>
    tpu.enqueue_indirect_dma source(%dma_start3A_79 : memref<100000x64xf32, #tpu.memory_space<hbm>>) target(%dma_start3A_73 : memref<56x64xf32, #tpu.memory_space<vmem>>) offsets(%dma_start3A_76 : memref<56xi32, #tpu.memory_space<vmem>>) semaphore(%arg7 : memref<!tpu.dma_semaphore, #tpu.memory_space<semaphore_mem>>)
    %dma_start3A_80 = arith.constant 6 : i32
    %dma_start3A_81 = arith.constant 0 : i32
    %dma_start3A_82 = arith.constant 6 : i32
    %dma_start3A_83 = arith.constant 0 : i32
    %dma_start3A_84 = arith.constant 0 : i32
    %dma_start3A_85 = tpu.memref_slice %arg6[%dma_start3A_81, %dma_start3A_82, %dma_start3A_83, %dma_start3A_84] : memref<2x8x56x64xf32, #tpu.memory_space<vmem>> -> memref<1x1x56x64xf32, #tpu.memory_space<vmem>>
    %dma_start3A_86 = tpu.memref_squeeze %dma_start3A_85 : memref<1x1x56x64xf32, #tpu.memory_space<vmem>> -> memref<56x64xf32, #tpu.memory_space<vmem>>
    %dma_start3A_87 = arith.constant 0 : i32
    %dma_start3A_88 = tpu.memref_slice %arg5[%dma_start3A_80, %dma_start3A_87] : memref<128x128xi32, #tpu.memory_space<vmem>> -> memref<1x56xi32, #tpu.memory_space<vmem>>
    %dma_start3A_89 = tpu.memref_squeeze %dma_start3A_88 : memref<1x56xi32, #tpu.memory_space<vmem>> -> memref<56xi32, #tpu.memory_space<vmem>>
    %dma_start3A_90 = arith.constant 0 : i32
    %dma_start3A_91 = arith.constant 0 : i32
    %dma_start3A_92 = tpu.memref_slice %arg3[%dma_start3A_90, %dma_start3A_91] : memref<100000x64xf32, #tpu.memory_space<hbm>> -> memref<100000x64xf32, #tpu.memory_space<hbm>>
    tpu.enqueue_indirect_dma source(%dma_start3A_92 : memref<100000x64xf32, #tpu.memory_space<hbm>>) target(%dma_start3A_86 : memref<56x64xf32, #tpu.memory_space<vmem>>) offsets(%dma_start3A_89 : memref<56xi32, #tpu.memory_space<vmem>>) semaphore(%arg7 : memref<!tpu.dma_semaphore, #tpu.memory_space<semaphore_mem>>)
    %dma_start3A_93 = arith.constant 7 : i32
    %dma_start3A_94 = arith.constant 0 : i32
    %dma_start3A_95 = arith.constant 7 : i32
    %dma_start3A_96 = arith.constant 0 : i32
    %dma_start3A_97 = arith.constant 0 : i32
    %dma_start3A_98 = tpu.memref_slice %arg6[%dma_start3A_94, %dma_start3A_95, %dma_start3A_96, %dma_start3A_97] : memref<2x8x56x64xf32, #tpu.memory_space<vmem>> -> memref<1x1x56x64xf32, #tpu.memory_space<vmem>>
    %dma_start3A_99 = tpu.memref_squeeze %dma_start3A_98 : memref<1x1x56x64xf32, #tpu.memory_space<vmem>> -> memref<56x64xf32, #tpu.memory_space<vmem>>
    %dma_start3A_100 = arith.constant 0 : i32
    %dma_start3A_101 = tpu.memref_slice %arg5[%dma_start3A_93, %dma_start3A_100] : memref<128x128xi32, #tpu.memory_space<vmem>> -> memref<1x56xi32, #tpu.memory_space<vmem>>
    %dma_start3A_102 = tpu.memref_squeeze %dma_start3A_101 : memref<1x56xi32, #tpu.memory_space<vmem>> -> memref<56xi32, #tpu.memory_space<vmem>>
    %dma_start3A_103 = arith.constant 0 : i32
    %dma_start3A_104 = arith.constant 0 : i32
    %dma_start3A_105 = tpu.memref_slice %arg3[%dma_start3A_103, %dma_start3A_104] : memref<100000x64xf32, #tpu.memory_space<hbm>> -> memref<100000x64xf32, #tpu.memory_space<hbm>>
    tpu.enqueue_indirect_dma source(%dma_start3A_105 : memref<100000x64xf32, #tpu.memory_space<hbm>>) target(%dma_start3A_99 : memref<56x64xf32, #tpu.memory_space<vmem>>) offsets(%dma_start3A_102 : memref<56xi32, #tpu.memory_space<vmem>>) semaphore(%arg7 : memref<!tpu.dma_semaphore, #tpu.memory_space<semaphore_mem>>)
    %scan3A = arith.constant 0 : i32
    %scan3A_106 = arith.constant 7 : i32
    %scan3A_107 = arith.addi %scan3A, %scan3A_106 : i32
    %scan3A_108 = arith.constant 1 : i32
    scf.for %scan3A_843 = %scan3A to %scan3A_107 step %scan3A_108  : i32 {
      %mul3A_844 = arith.constant 2 : i32
      %mul3A_845 = arith.muli %scan3A_843, %mul3A_844 : i32
      %add3A_846 = arith.constant 0 : i32
      %add3A_847 = arith.addi %add3A_846, %mul3A_845 : i32
      %add3A_848 = arith.constant 1 : i32
      %add3A_849 = arith.addi %add3A_847, %add3A_848 : i32
      %mul3A_850 = arith.constant 8 : i32
      %mul3A_851 = arith.muli %add3A_849, %mul3A_850 : i32
      %add3A_852 = arith.constant 0 : i32
      %add3A_853 = arith.addi %mul3A_851, %add3A_852 : i32
      %dma_start3A_854 = arith.constant 1 : i32
      %dma_start3A_855 = arith.constant 0 : i32
      %dma_start3A_856 = arith.constant 0 : i32
      %dma_start3A_857 = arith.constant 0 : i32
      %dma_start3A_858 = tpu.memref_slice %arg6[%dma_start3A_854, %dma_start3A_855, %dma_start3A_856, %dma_start3A_857] : memref<2x8x56x64xf32, #tpu.memory_space<vmem>> -> memref<1x1x56x64xf32, #tpu.memory_space<vmem>>
      %dma_start3A_859 = tpu.memref_squeeze %dma_start3A_858 : memref<1x1x56x64xf32, #tpu.memory_space<vmem>> -> memref<56x64xf32, #tpu.memory_space<vmem>>
      %dma_start3A_860 = arith.constant 0 : i32
      %dma_start3A_861 = tpu.memref_slice %arg5[%add3A_853, %dma_start3A_860] : memref<128x128xi32, #tpu.memory_space<vmem>> -> memref<1x56xi32, #tpu.memory_space<vmem>>
      %dma_start3A_862 = tpu.memref_squeeze %dma_start3A_861 : memref<1x56xi32, #tpu.memory_space<vmem>> -> memref<56xi32, #tpu.memory_space<vmem>>
      %dma_start3A_863 = arith.constant 0 : i32
      %dma_start3A_864 = arith.constant 0 : i32
      %dma_start3A_865 = tpu.memref_slice %arg3[%dma_start3A_863, %dma_start3A_864] : memref<100000x64xf32, #tpu.memory_space<hbm>> -> memref<100000x64xf32, #tpu.memory_space<hbm>>
      tpu.enqueue_indirect_dma source(%dma_start3A_865 : memref<100000x64xf32, #tpu.memory_space<hbm>>) target(%dma_start3A_859 : memref<56x64xf32, #tpu.memory_space<vmem>>) offsets(%dma_start3A_862 : memref<56xi32, #tpu.memory_space<vmem>>) semaphore(%arg8 : memref<!tpu.dma_semaphore, #tpu.memory_space<semaphore_mem>>)
      %mul3A_866 = arith.constant 8 : i32
      %mul3A_867 = arith.muli %add3A_849, %mul3A_866 : i32
      %add3A_868 = arith.constant 1 : i32
      %add3A_869 = arith.addi %mul3A_867, %add3A_868 : i32
      %dma_start3A_870 = arith.constant 1 : i32
      %dma_start3A_871 = arith.constant 1 : i32
      %dma_start3A_872 = arith.constant 0 : i32
      %dma_start3A_873 = arith.constant 0 : i32
      %dma_start3A_874 = tpu.memref_slice %arg6[%dma_start3A_870, %dma_start3A_871, %dma_start3A_872, %dma_start3A_873] : memref<2x8x56x64xf32, #tpu.memory_space<vmem>> -> memref<1x1x56x64xf32, #tpu.memory_space<vmem>>
      %dma_start3A_875 = tpu.memref_squeeze %dma_start3A_874 : memref<1x1x56x64xf32, #tpu.memory_space<vmem>> -> memref<56x64xf32, #tpu.memory_space<vmem>>
      %dma_start3A_876 = arith.constant 0 : i32
      %dma_start3A_877 = tpu.memref_slice %arg5[%add3A_869, %dma_start3A_876] : memref<128x128xi32, #tpu.memory_space<vmem>> -> memref<1x56xi32, #tpu.memory_space<vmem>>
      %dma_start3A_878 = tpu.memref_squeeze %dma_start3A_877 : memref<1x56xi32, #tpu.memory_space<vmem>> -> memref<56xi32, #tpu.memory_space<vmem>>
      %dma_start3A_879 = arith.constant 0 : i32
      %dma_start3A_880 = arith.constant 0 : i32
      %dma_start3A_881 = tpu.memref_slice %arg3[%dma_start3A_879, %dma_start3A_880] : memref<100000x64xf32, #tpu.memory_space<hbm>> -> memref<100000x64xf32, #tpu.memory_space<hbm>>
      tpu.enqueue_indirect_dma source(%dma_start3A_881 : memref<100000x64xf32, #tpu.memory_space<hbm>>) target(%dma_start3A_875 : memref<56x64xf32, #tpu.memory_space<vmem>>) offsets(%dma_start3A_878 : memref<56xi32, #tpu.memory_space<vmem>>) semaphore(%arg8 : memref<!tpu.dma_semaphore, #tpu.memory_space<semaphore_mem>>)
      %mul3A_882 = arith.constant 8 : i32
      %mul3A_883 = arith.muli %add3A_849, %mul3A_882 : i32
      %add3A_884 = arith.constant 2 : i32
      %add3A_885 = arith.addi %mul3A_883, %add3A_884 : i32
      %dma_start3A_886 = arith.constant 1 : i32
      %dma_start3A_887 = arith.constant 2 : i32
      %dma_start3A_888 = arith.constant 0 : i32
      %dma_start3A_889 = arith.constant 0 : i32
      %dma_start3A_890 = tpu.memref_slice %arg6[%dma_start3A_886, %dma_start3A_887, %dma_start3A_888, %dma_start3A_889] : memref<2x8x56x64xf32, #tpu.memory_space<vmem>> -> memref<1x1x56x64xf32, #tpu.memory_space<vmem>>
      %dma_start3A_891 = tpu.memref_squeeze %dma_start3A_890 : memref<1x1x56x64xf32, #tpu.memory_space<vmem>> -> memref<56x64xf32, #tpu.memory_space<vmem>>
      %dma_start3A_892 = arith.constant 0 : i32
      %dma_start3A_893 = tpu.memref_slice %arg5[%add3A_885, %dma_start3A_892] : memref<128x128xi32, #tpu.memory_space<vmem>> -> memref<1x56xi32, #tpu.memory_space<vmem>>
      %dma_start3A_894 = tpu.memref_squeeze %dma_start3A_893 : memref<1x56xi32, #tpu.memory_space<vmem>> -> memref<56xi32, #tpu.memory_space<vmem>>
      %dma_start3A_895 = arith.constant 0 : i32
      %dma_start3A_896 = arith.constant 0 : i32
      %dma_start3A_897 = tpu.memref_slice %arg3[%dma_start3A_895, %dma_start3A_896] : memref<100000x64xf32, #tpu.memory_space<hbm>> -> memref<100000x64xf32, #tpu.memory_space<hbm>>
      tpu.enqueue_indirect_dma source(%dma_start3A_897 : memref<100000x64xf32, #tpu.memory_space<hbm>>) target(%dma_start3A_891 : memref<56x64xf32, #tpu.memory_space<vmem>>) offsets(%dma_start3A_894 : memref<56xi32, #tpu.memory_space<vmem>>) semaphore(%arg8 : memref<!tpu.dma_semaphore, #tpu.memory_space<semaphore_mem>>)
      %mul3A_898 = arith.constant 8 : i32
      %mul3A_899 = arith.muli %add3A_849, %mul3A_898 : i32
      %add3A_900 = arith.constant 3 : i32
      %add3A_901 = arith.addi %mul3A_899, %add3A_900 : i32
      %dma_start3A_902 = arith.constant 1 : i32
      %dma_start3A_903 = arith.constant 3 : i32
      %dma_start3A_904 = arith.constant 0 : i32
      %dma_start3A_905 = arith.constant 0 : i32
      %dma_start3A_906 = tpu.memref_slice %arg6[%dma_start3A_902, %dma_start3A_903, %dma_start3A_904, %dma_start3A_905] : memref<2x8x56x64xf32, #tpu.memory_space<vmem>> -> memref<1x1x56x64xf32, #tpu.memory_space<vmem>>
      %dma_start3A_907 = tpu.memref_squeeze %dma_start3A_906 : memref<1x1x56x64xf32, #tpu.memory_space<vmem>> -> memref<56x64xf32, #tpu.memory_space<vmem>>
      %dma_start3A_908 = arith.constant 0 : i32
      %dma_start3A_909 = tpu.memref_slice %arg5[%add3A_901, %dma_start3A_908] : memref<128x128xi32, #tpu.memory_space<vmem>> -> memref<1x56xi32, #tpu.memory_space<vmem>>
      %dma_start3A_910 = tpu.memref_squeeze %dma_start3A_909 : memref<1x56xi32, #tpu.memory_space<vmem>> -> memref<56xi32, #tpu.memory_space<vmem>>
      %dma_start3A_911 = arith.constant 0 : i32
      %dma_start3A_912 = arith.constant 0 : i32
      %dma_start3A_913 = tpu.memref_slice %arg3[%dma_start3A_911, %dma_start3A_912] : memref<100000x64xf32, #tpu.memory_space<hbm>> -> memref<100000x64xf32, #tpu.memory_space<hbm>>
      tpu.enqueue_indirect_dma source(%dma_start3A_913 : memref<100000x64xf32, #tpu.memory_space<hbm>>) target(%dma_start3A_907 : memref<56x64xf32, #tpu.memory_space<vmem>>) offsets(%dma_start3A_910 : memref<56xi32, #tpu.memory_space<vmem>>) semaphore(%arg8 : memref<!tpu.dma_semaphore, #tpu.memory_space<semaphore_mem>>)
      %mul3A_914 = arith.constant 8 : i32
      %mul3A_915 = arith.muli %add3A_849, %mul3A_914 : i32
      %add3A_916 = arith.constant 4 : i32
      %add3A_917 = arith.addi %mul3A_915, %add3A_916 : i32
      %dma_start3A_918 = arith.constant 1 : i32
      %dma_start3A_919 = arith.constant 4 : i32
      %dma_start3A_920 = arith.constant 0 : i32
      %dma_start3A_921 = arith.constant 0 : i32
      %dma_start3A_922 = tpu.memref_slice %arg6[%dma_start3A_918, %dma_start3A_919, %dma_start3A_920, %dma_start3A_921] : memref<2x8x56x64xf32, #tpu.memory_space<vmem>> -> memref<1x1x56x64xf32, #tpu.memory_space<vmem>>
      %dma_start3A_923 = tpu.memref_squeeze %dma_start3A_922 : memref<1x1x56x64xf32, #tpu.memory_space<vmem>> -> memref<56x64xf32, #tpu.memory_space<vmem>>
      %dma_start3A_924 = arith.constant 0 : i32
      %dma_start3A_925 = tpu.memref_slice %arg5[%add3A_917, %dma_start3A_924] : memref<128x128xi32, #tpu.memory_space<vmem>> -> memref<1x56xi32, #tpu.memory_space<vmem>>
      %dma_start3A_926 = tpu.memref_squeeze %dma_start3A_925 : memref<1x56xi32, #tpu.memory_space<vmem>> -> memref<56xi32, #tpu.memory_space<vmem>>
      %dma_start3A_927 = arith.constant 0 : i32
      %dma_start3A_928 = arith.constant 0 : i32
      %dma_start3A_929 = tpu.memref_slice %arg3[%dma_start3A_927, %dma_start3A_928] : memref<100000x64xf32, #tpu.memory_space<hbm>> -> memref<100000x64xf32, #tpu.memory_space<hbm>>
      tpu.enqueue_indirect_dma source(%dma_start3A_929 : memref<100000x64xf32, #tpu.memory_space<hbm>>) target(%dma_start3A_923 : memref<56x64xf32, #tpu.memory_space<vmem>>) offsets(%dma_start3A_926 : memref<56xi32, #tpu.memory_space<vmem>>) semaphore(%arg8 : memref<!tpu.dma_semaphore, #tpu.memory_space<semaphore_mem>>)
      %mul3A_930 = arith.constant 8 : i32
      %mul3A_931 = arith.muli %add3A_849, %mul3A_930 : i32
      %add3A_932 = arith.constant 5 : i32
      %add3A_933 = arith.addi %mul3A_931, %add3A_932 : i32
      %dma_start3A_934 = arith.constant 1 : i32
      %dma_start3A_935 = arith.constant 5 : i32
      %dma_start3A_936 = arith.constant 0 : i32
      %dma_start3A_937 = arith.constant 0 : i32
      %dma_start3A_938 = tpu.memref_slice %arg6[%dma_start3A_934, %dma_start3A_935, %dma_start3A_936, %dma_start3A_937] : memref<2x8x56x64xf32, #tpu.memory_space<vmem>> -> memref<1x1x56x64xf32, #tpu.memory_space<vmem>>
      %dma_start3A_939 = tpu.memref_squeeze %dma_start3A_938 : memref<1x1x56x64xf32, #tpu.memory_space<vmem>> -> memref<56x64xf32, #tpu.memory_space<vmem>>
      %dma_start3A_940 = arith.constant 0 : i32
      %dma_start3A_941 = tpu.memref_slice %arg5[%add3A_933, %dma_start3A_940] : memref<128x128xi32, #tpu.memory_space<vmem>> -> memref<1x56xi32, #tpu.memory_space<vmem>>
      %dma_start3A_942 = tpu.memref_squeeze %dma_start3A_941 : memref<1x56xi32, #tpu.memory_space<vmem>> -> memref<56xi32, #tpu.memory_space<vmem>>
      %dma_start3A_943 = arith.constant 0 : i32
      %dma_start3A_944 = arith.constant 0 : i32
      %dma_start3A_945 = tpu.memref_slice %arg3[%dma_start3A_943, %dma_start3A_944] : memref<100000x64xf32, #tpu.memory_space<hbm>> -> memref<100000x64xf32, #tpu.memory_space<hbm>>
      tpu.enqueue_indirect_dma source(%dma_start3A_945 : memref<100000x64xf32, #tpu.memory_space<hbm>>) target(%dma_start3A_939 : memref<56x64xf32, #tpu.memory_space<vmem>>) offsets(%dma_start3A_942 : memref<56xi32, #tpu.memory_space<vmem>>) semaphore(%arg8 : memref<!tpu.dma_semaphore, #tpu.memory_space<semaphore_mem>>)
      %mul3A_946 = arith.constant 8 : i32
      %mul3A_947 = arith.muli %add3A_849, %mul3A_946 : i32
      %add3A_948 = arith.constant 6 : i32
      %add3A_949 = arith.addi %mul3A_947, %add3A_948 : i32
      %dma_start3A_950 = arith.constant 1 : i32
      %dma_start3A_951 = arith.constant 6 : i32
      %dma_start3A_952 = arith.constant 0 : i32
      %dma_start3A_953 = arith.constant 0 : i32
      %dma_start3A_954 = tpu.memref_slice %arg6[%dma_start3A_950, %dma_start3A_951, %dma_start3A_952, %dma_start3A_953] : memref<2x8x56x64xf32, #tpu.memory_space<vmem>> -> memref<1x1x56x64xf32, #tpu.memory_space<vmem>>
      %dma_start3A_955 = tpu.memref_squeeze %dma_start3A_954 : memref<1x1x56x64xf32, #tpu.memory_space<vmem>> -> memref<56x64xf32, #tpu.memory_space<vmem>>
      %dma_start3A_956 = arith.constant 0 : i32
      %dma_start3A_957 = tpu.memref_slice %arg5[%add3A_949, %dma_start3A_956] : memref<128x128xi32, #tpu.memory_space<vmem>> -> memref<1x56xi32, #tpu.memory_space<vmem>>
      %dma_start3A_958 = tpu.memref_squeeze %dma_start3A_957 : memref<1x56xi32, #tpu.memory_space<vmem>> -> memref<56xi32, #tpu.memory_space<vmem>>
      %dma_start3A_959 = arith.constant 0 : i32
      %dma_start3A_960 = arith.constant 0 : i32
      %dma_start3A_961 = tpu.memref_slice %arg3[%dma_start3A_959, %dma_start3A_960] : memref<100000x64xf32, #tpu.memory_space<hbm>> -> memref<100000x64xf32, #tpu.memory_space<hbm>>
      tpu.enqueue_indirect_dma source(%dma_start3A_961 : memref<100000x64xf32, #tpu.memory_space<hbm>>) target(%dma_start3A_955 : memref<56x64xf32, #tpu.memory_space<vmem>>) offsets(%dma_start3A_958 : memref<56xi32, #tpu.memory_space<vmem>>) semaphore(%arg8 : memref<!tpu.dma_semaphore, #tpu.memory_space<semaphore_mem>>)
      %mul3A_962 = arith.constant 8 : i32
      %mul3A_963 = arith.muli %add3A_849, %mul3A_962 : i32
      %add3A_964 = arith.constant 7 : i32
      %add3A_965 = arith.addi %mul3A_963, %add3A_964 : i32
      %dma_start3A_966 = arith.constant 1 : i32
      %dma_start3A_967 = arith.constant 7 : i32
      %dma_start3A_968 = arith.constant 0 : i32
      %dma_start3A_969 = arith.constant 0 : i32
      %dma_start3A_970 = tpu.memref_slice %arg6[%dma_start3A_966, %dma_start3A_967, %dma_start3A_968, %dma_start3A_969] : memref<2x8x56x64xf32, #tpu.memory_space<vmem>> -> memref<1x1x56x64xf32, #tpu.memory_space<vmem>>
      %dma_start3A_971 = tpu.memref_squeeze %dma_start3A_970 : memref<1x1x56x64xf32, #tpu.memory_space<vmem>> -> memref<56x64xf32, #tpu.memory_space<vmem>>
      %dma_start3A_972 = arith.constant 0 : i32
      %dma_start3A_973 = tpu.memref_slice %arg5[%add3A_965, %dma_start3A_972] : memref<128x128xi32, #tpu.memory_space<vmem>> -> memref<1x56xi32, #tpu.memory_space<vmem>>
      %dma_start3A_974 = tpu.memref_squeeze %dma_start3A_973 : memref<1x56xi32, #tpu.memory_space<vmem>> -> memref<56xi32, #tpu.memory_space<vmem>>
      %dma_start3A_975 = arith.constant 0 : i32
      %dma_start3A_976 = arith.constant 0 : i32
      %dma_start3A_977 = tpu.memref_slice %arg3[%dma_start3A_975, %dma_start3A_976] : memref<100000x64xf32, #tpu.memory_space<hbm>> -> memref<100000x64xf32, #tpu.memory_space<hbm>>
      tpu.enqueue_indirect_dma source(%dma_start3A_977 : memref<100000x64xf32, #tpu.memory_space<hbm>>) target(%dma_start3A_971 : memref<56x64xf32, #tpu.memory_space<vmem>>) offsets(%dma_start3A_974 : memref<56xi32, #tpu.memory_space<vmem>>) semaphore(%arg8 : memref<!tpu.dma_semaphore, #tpu.memory_space<semaphore_mem>>)
      %dma_wait3A_978 = arith.constant 0 : i32
      %dma_wait3A_979 = arith.constant 0 : i32
      %dma_wait3A_980 = arith.constant 0 : i32
      %dma_wait3A_981 = arith.constant 0 : i32
      %dma_wait3A_982 = tpu.memref_slice %arg6[%dma_wait3A_978, %dma_wait3A_979, %dma_wait3A_980, %dma_wait3A_981] : memref<2x8x56x64xf32, #tpu.memory_space<vmem>> -> memref<1x1x56x64xf32, #tpu.memory_space<vmem>>
      %dma_wait3A_983 = tpu.memref_squeeze %dma_wait3A_982 : memref<1x1x56x64xf32, #tpu.memory_space<vmem>> -> memref<56x64xf32, #tpu.memory_space<vmem>>
      %dma_wait3A_984 = arith.constant 0 : i32
      %dma_wait3A_985 = arith.constant 0 : i32
      %dma_wait3A_986 = tpu.memref_slice %arg3[%dma_wait3A_984, %dma_wait3A_985] : memref<100000x64xf32, #tpu.memory_space<hbm>> -> memref<56x64xf32, #tpu.memory_space<hbm>>
      %dma_wait3A_987 = arith.constant 0 : i32
      %dma_wait3A_988 = arith.constant 0 : i32
      %dma_wait3A_989 = tpu.memref_slice %arg6[%dma_wait3A_978, %dma_wait3A_979, %dma_wait3A_987, %dma_wait3A_988] : memref<2x8x56x64xf32, #tpu.memory_space<vmem>> -> memref<1x1x56x64xf32, #tpu.memory_space<vmem>>
      %dma_wait3A_990 = tpu.memref_squeeze %dma_wait3A_989 : memref<1x1x56x64xf32, #tpu.memory_space<vmem>> -> memref<56x64xf32, #tpu.memory_space<vmem>>
      %dma_wait3A_991 = arith.constant 0 : i32
      %dma_wait3A_992 = arith.constant 0 : i32
      %dma_wait3A_993 = tpu.memref_slice %arg3[%dma_wait3A_991, %dma_wait3A_992] : memref<100000x64xf32, #tpu.memory_space<hbm>> -> memref<56x64xf32, #tpu.memory_space<hbm>>
      tpu.wait_dma2 semaphore(%arg7 : memref<!tpu.dma_semaphore, #tpu.memory_space<semaphore_mem>>) src(%dma_wait3A_993 : memref<56x64xf32, #tpu.memory_space<hbm>>) dst(%dma_wait3A_990 : memref<56x64xf32, #tpu.memory_space<vmem>>)
      %dma_wait3A_994 = arith.constant 0 : i32
      %dma_wait3A_995 = arith.constant 1 : i32
      %dma_wait3A_996 = arith.constant 0 : i32
      %dma_wait3A_997 = arith.constant 0 : i32
      %dma_wait3A_998 = tpu.memref_slice %arg6[%dma_wait3A_994, %dma_wait3A_995, %dma_wait3A_996, %dma_wait3A_997] : memref<2x8x56x64xf32, #tpu.memory_space<vmem>> -> memref<1x1x56x64xf32, #tpu.memory_space<vmem>>
      %dma_wait3A_999 = tpu.memref_squeeze %dma_wait3A_998 : memref<1x1x56x64xf32, #tpu.memory_space<vmem>> -> memref<56x64xf32, #tpu.memory_space<vmem>>
      %dma_wait3A_1000 = arith.constant 0 : i32
      %dma_wait3A_1001 = arith.constant 0 : i32
      %dma_wait3A_1002 = tpu.memref_slice %arg3[%dma_wait3A_1000, %dma_wait3A_1001] : memref<100000x64xf32, #tpu.memory_space<hbm>> -> memref<56x64xf32, #tpu.memory_space<hbm>>
      %dma_wait3A_1003 = arith.constant 0 : i32
      %dma_wait3A_1004 = arith.constant 0 : i32
      %dma_wait3A_1005 = tpu.memref_slice %arg6[%dma_wait3A_994, %dma_wait3A_995, %dma_wait3A_1003, %dma_wait3A_1004] : memref<2x8x56x64xf32, #tpu.memory_space<vmem>> -> memref<1x1x56x64xf32, #tpu.memory_space<vmem>>
      %dma_wait3A_1006 = tpu.memref_squeeze %dma_wait3A_1005 : memref<1x1x56x64xf32, #tpu.memory_space<vmem>> -> memref<56x64xf32, #tpu.memory_space<vmem>>
      %dma_wait3A_1007 = arith.constant 0 : i32
      %dma_wait3A_1008 = arith.constant 0 : i32
      %dma_wait3A_1009 = tpu.memref_slice %arg3[%dma_wait3A_1007, %dma_wait3A_1008] : memref<100000x64xf32, #tpu.memory_space<hbm>> -> memref<56x64xf32, #tpu.memory_space<hbm>>
      tpu.wait_dma2 semaphore(%arg7 : memref<!tpu.dma_semaphore, #tpu.memory_space<semaphore_mem>>) src(%dma_wait3A_1009 : memref<56x64xf32, #tpu.memory_space<hbm>>) dst(%dma_wait3A_1006 : memref<56x64xf32, #tpu.memory_space<vmem>>)
      %dma_wait3A_1010 = arith.constant 0 : i32
      %dma_wait3A_1011 = arith.constant 2 : i32
      %dma_wait3A_1012 = arith.constant 0 : i32
      %dma_wait3A_1013 = arith.constant 0 : i32
      %dma_wait3A_1014 = tpu.memref_slice %arg6[%dma_wait3A_1010, %dma_wait3A_1011, %dma_wait3A_1012, %dma_wait3A_1013] : memref<2x8x56x64xf32, #tpu.memory_space<vmem>> -> memref<1x1x56x64xf32, #tpu.memory_space<vmem>>
      %dma_wait3A_1015 = tpu.memref_squeeze %dma_wait3A_1014 : memref<1x1x56x64xf32, #tpu.memory_space<vmem>> -> memref<56x64xf32, #tpu.memory_space<vmem>>
      %dma_wait3A_1016 = arith.constant 0 : i32
      %dma_wait3A_1017 = arith.constant 0 : i32
      %dma_wait3A_1018 = tpu.memref_slice %arg3[%dma_wait3A_1016, %dma_wait3A_1017] : memref<100000x64xf32, #tpu.memory_space<hbm>> -> memref<56x64xf32, #tpu.memory_space<hbm>>
      %dma_wait3A_1019 = arith.constant 0 : i32
      %dma_wait3A_1020 = arith.constant 0 : i32
      %dma_wait3A_1021 = tpu.memref_slice %arg6[%dma_wait3A_1010, %dma_wait3A_1011, %dma_wait3A_1019, %dma_wait3A_1020] : memref<2x8x56x64xf32, #tpu.memory_space<vmem>> -> memref<1x1x56x64xf32, #tpu.memory_space<vmem>>
      %dma_wait3A_1022 = tpu.memref_squeeze %dma_wait3A_1021 : memref<1x1x56x64xf32, #tpu.memory_space<vmem>> -> memref<56x64xf32, #tpu.memory_space<vmem>>
      %dma_wait3A_1023 = arith.constant 0 : i32
      %dma_wait3A_1024 = arith.constant 0 : i32
      %dma_wait3A_1025 = tpu.memref_slice %arg3[%dma_wait3A_1023, %dma_wait3A_1024] : memref<100000x64xf32, #tpu.memory_space<hbm>> -> memref<56x64xf32, #tpu.memory_space<hbm>>
      tpu.wait_dma2 semaphore(%arg7 : memref<!tpu.dma_semaphore, #tpu.memory_space<semaphore_mem>>) src(%dma_wait3A_1025 : memref<56x64xf32, #tpu.memory_space<hbm>>) dst(%dma_wait3A_1022 : memref<56x64xf32, #tpu.memory_space<vmem>>)
      %dma_wait3A_1026 = arith.constant 0 : i32
      %dma_wait3A_1027 = arith.constant 3 : i32
      %dma_wait3A_1028 = arith.constant 0 : i32
      %dma_wait3A_1029 = arith.constant 0 : i32
      %dma_wait3A_1030 = tpu.memref_slice %arg6[%dma_wait3A_1026, %dma_wait3A_1027, %dma_wait3A_1028, %dma_wait3A_1029] : memref<2x8x56x64xf32, #tpu.memory_space<vmem>> -> memref<1x1x56x64xf32, #tpu.memory_space<vmem>>
      %dma_wait3A_1031 = tpu.memref_squeeze %dma_wait3A_1030 : memref<1x1x56x64xf32, #tpu.memory_space<vmem>> -> memref<56x64xf32, #tpu.memory_space<vmem>>
      %dma_wait3A_1032 = arith.constant 0 : i32
      %dma_wait3A_1033 = arith.constant 0 : i32
      %dma_wait3A_1034 = tpu.memref_slice %arg3[%dma_wait3A_1032, %dma_wait3A_1033] : memref<100000x64xf32, #tpu.memory_space<hbm>> -> memref<56x64xf32, #tpu.memory_space<hbm>>
      %dma_wait3A_1035 = arith.constant 0 : i32
      %dma_wait3A_1036 = arith.constant 0 : i32
      %dma_wait3A_1037 = tpu.memref_slice %arg6[%dma_wait3A_1026, %dma_wait3A_1027, %dma_wait3A_1035, %dma_wait3A_1036] : memref<2x8x56x64xf32, #tpu.memory_space<vmem>> -> memref<1x1x56x64xf32, #tpu.memory_space<vmem>>
      %dma_wait3A_1038 = tpu.memref_squeeze %dma_wait3A_1037 : memref<1x1x56x64xf32, #tpu.memory_space<vmem>> -> memref<56x64xf32, #tpu.memory_space<vmem>>
      %dma_wait3A_1039 = arith.constant 0 : i32
      %dma_wait3A_1040 = arith.constant 0 : i32
      %dma_wait3A_1041 = tpu.memref_slice %arg3[%dma_wait3A_1039, %dma_wait3A_1040] : memref<100000x64xf32, #tpu.memory_space<hbm>> -> memref<56x64xf32, #tpu.memory_space<hbm>>
      tpu.wait_dma2 semaphore(%arg7 : memref<!tpu.dma_semaphore, #tpu.memory_space<semaphore_mem>>) src(%dma_wait3A_1041 : memref<56x64xf32, #tpu.memory_space<hbm>>) dst(%dma_wait3A_1038 : memref<56x64xf32, #tpu.memory_space<vmem>>)
      %dma_wait3A_1042 = arith.constant 0 : i32
      %dma_wait3A_1043 = arith.constant 4 : i32
      %dma_wait3A_1044 = arith.constant 0 : i32
      %dma_wait3A_1045 = arith.constant 0 : i32
      %dma_wait3A_1046 = tpu.memref_slice %arg6[%dma_wait3A_1042, %dma_wait3A_1043, %dma_wait3A_1044, %dma_wait3A_1045] : memref<2x8x56x64xf32, #tpu.memory_space<vmem>> -> memref<1x1x56x64xf32, #tpu.memory_space<vmem>>
      %dma_wait3A_1047 = tpu.memref_squeeze %dma_wait3A_1046 : memref<1x1x56x64xf32, #tpu.memory_space<vmem>> -> memref<56x64xf32, #tpu.memory_space<vmem>>
      %dma_wait3A_1048 = arith.constant 0 : i32
      %dma_wait3A_1049 = arith.constant 0 : i32
      %dma_wait3A_1050 = tpu.memref_slice %arg3[%dma_wait3A_1048, %dma_wait3A_1049] : memref<100000x64xf32, #tpu.memory_space<hbm>> -> memref<56x64xf32, #tpu.memory_space<hbm>>
      %dma_wait3A_1051 = arith.constant 0 : i32
      %dma_wait3A_1052 = arith.constant 0 : i32
      %dma_wait3A_1053 = tpu.memref_slice %arg6[%dma_wait3A_1042, %dma_wait3A_1043, %dma_wait3A_1051, %dma_wait3A_1052] : memref<2x8x56x64xf32, #tpu.memory_space<vmem>> -> memref<1x1x56x64xf32, #tpu.memory_space<vmem>>
      %dma_wait3A_1054 = tpu.memref_squeeze %dma_wait3A_1053 : memref<1x1x56x64xf32, #tpu.memory_space<vmem>> -> memref<56x64xf32, #tpu.memory_space<vmem>>
      %dma_wait3A_1055 = arith.constant 0 : i32
      %dma_wait3A_1056 = arith.constant 0 : i32
      %dma_wait3A_1057 = tpu.memref_slice %arg3[%dma_wait3A_1055, %dma_wait3A_1056] : memref<100000x64xf32, #tpu.memory_space<hbm>> -> memref<56x64xf32, #tpu.memory_space<hbm>>
      tpu.wait_dma2 semaphore(%arg7 : memref<!tpu.dma_semaphore, #tpu.memory_space<semaphore_mem>>) src(%dma_wait3A_1057 : memref<56x64xf32, #tpu.memory_space<hbm>>) dst(%dma_wait3A_1054 : memref<56x64xf32, #tpu.memory_space<vmem>>)
      %dma_wait3A_1058 = arith.constant 0 : i32
      %dma_wait3A_1059 = arith.constant 5 : i32
      %dma_wait3A_1060 = arith.constant 0 : i32
      %dma_wait3A_1061 = arith.constant 0 : i32
      %dma_wait3A_1062 = tpu.memref_slice %arg6[%dma_wait3A_1058, %dma_wait3A_1059, %dma_wait3A_1060, %dma_wait3A_1061] : memref<2x8x56x64xf32, #tpu.memory_space<vmem>> -> memref<1x1x56x64xf32, #tpu.memory_space<vmem>>
      %dma_wait3A_1063 = tpu.memref_squeeze %dma_wait3A_1062 : memref<1x1x56x64xf32, #tpu.memory_space<vmem>> -> memref<56x64xf32, #tpu.memory_space<vmem>>
      %dma_wait3A_1064 = arith.constant 0 : i32
      %dma_wait3A_1065 = arith.constant 0 : i32
      %dma_wait3A_1066 = tpu.memref_slice %arg3[%dma_wait3A_1064, %dma_wait3A_1065] : memref<100000x64xf32, #tpu.memory_space<hbm>> -> memref<56x64xf32, #tpu.memory_space<hbm>>
      %dma_wait3A_1067 = arith.constant 0 : i32
      %dma_wait3A_1068 = arith.constant 0 : i32
      %dma_wait3A_1069 = tpu.memref_slice %arg6[%dma_wait3A_1058, %dma_wait3A_1059, %dma_wait3A_1067, %dma_wait3A_1068] : memref<2x8x56x64xf32, #tpu.memory_space<vmem>> -> memref<1x1x56x64xf32, #tpu.memory_space<vmem>>
      %dma_wait3A_1070 = tpu.memref_squeeze %dma_wait3A_1069 : memref<1x1x56x64xf32, #tpu.memory_space<vmem>> -> memref<56x64xf32, #tpu.memory_space<vmem>>
      %dma_wait3A_1071 = arith.constant 0 : i32
      %dma_wait3A_1072 = arith.constant 0 : i32
      %dma_wait3A_1073 = tpu.memref_slice %arg3[%dma_wait3A_1071, %dma_wait3A_1072] : memref<100000x64xf32, #tpu.memory_space<hbm>> -> memref<56x64xf32, #tpu.memory_space<hbm>>
      tpu.wait_dma2 semaphore(%arg7 : memref<!tpu.dma_semaphore, #tpu.memory_space<semaphore_mem>>) src(%dma_wait3A_1073 : memref<56x64xf32, #tpu.memory_space<hbm>>) dst(%dma_wait3A_1070 : memref<56x64xf32, #tpu.memory_space<vmem>>)
      %dma_wait3A_1074 = arith.constant 0 : i32
      %dma_wait3A_1075 = arith.constant 6 : i32
      %dma_wait3A_1076 = arith.constant 0 : i32
      %dma_wait3A_1077 = arith.constant 0 : i32
      %dma_wait3A_1078 = tpu.memref_slice %arg6[%dma_wait3A_1074, %dma_wait3A_1075, %dma_wait3A_1076, %dma_wait3A_1077] : memref<2x8x56x64xf32, #tpu.memory_space<vmem>> -> memref<1x1x56x64xf32, #tpu.memory_space<vmem>>
      %dma_wait3A_1079 = tpu.memref_squeeze %dma_wait3A_1078 : memref<1x1x56x64xf32, #tpu.memory_space<vmem>> -> memref<56x64xf32, #tpu.memory_space<vmem>>
      %dma_wait3A_1080 = arith.constant 0 : i32
      %dma_wait3A_1081 = arith.constant 0 : i32
      %dma_wait3A_1082 = tpu.memref_slice %arg3[%dma_wait3A_1080, %dma_wait3A_1081] : memref<100000x64xf32, #tpu.memory_space<hbm>> -> memref<56x64xf32, #tpu.memory_space<hbm>>
      %dma_wait3A_1083 = arith.constant 0 : i32
      %dma_wait3A_1084 = arith.constant 0 : i32
      %dma_wait3A_1085 = tpu.memref_slice %arg6[%dma_wait3A_1074, %dma_wait3A_1075, %dma_wait3A_1083, %dma_wait3A_1084] : memref<2x8x56x64xf32, #tpu.memory_space<vmem>> -> memref<1x1x56x64xf32, #tpu.memory_space<vmem>>
      %dma_wait3A_1086 = tpu.memref_squeeze %dma_wait3A_1085 : memref<1x1x56x64xf32, #tpu.memory_space<vmem>> -> memref<56x64xf32, #tpu.memory_space<vmem>>
      %dma_wait3A_1087 = arith.constant 0 : i32
      %dma_wait3A_1088 = arith.constant 0 : i32
      %dma_wait3A_1089 = tpu.memref_slice %arg3[%dma_wait3A_1087, %dma_wait3A_1088] : memref<100000x64xf32, #tpu.memory_space<hbm>> -> memref<56x64xf32, #tpu.memory_space<hbm>>
      tpu.wait_dma2 semaphore(%arg7 : memref<!tpu.dma_semaphore, #tpu.memory_space<semaphore_mem>>) src(%dma_wait3A_1089 : memref<56x64xf32, #tpu.memory_space<hbm>>) dst(%dma_wait3A_1086 : memref<56x64xf32, #tpu.memory_space<vmem>>)
      %dma_wait3A_1090 = arith.constant 0 : i32
      %dma_wait3A_1091 = arith.constant 7 : i32
      %dma_wait3A_1092 = arith.constant 0 : i32
      %dma_wait3A_1093 = arith.constant 0 : i32
      %dma_wait3A_1094 = tpu.memref_slice %arg6[%dma_wait3A_1090, %dma_wait3A_1091, %dma_wait3A_1092, %dma_wait3A_1093] : memref<2x8x56x64xf32, #tpu.memory_space<vmem>> -> memref<1x1x56x64xf32, #tpu.memory_space<vmem>>
      %dma_wait3A_1095 = tpu.memref_squeeze %dma_wait3A_1094 : memref<1x1x56x64xf32, #tpu.memory_space<vmem>> -> memref<56x64xf32, #tpu.memory_space<vmem>>
      %dma_wait3A_1096 = arith.constant 0 : i32
      %dma_wait3A_1097 = arith.constant 0 : i32
      %dma_wait3A_1098 = tpu.memref_slice %arg3[%dma_wait3A_1096, %dma_wait3A_1097] : memref<100000x64xf32, #tpu.memory_space<hbm>> -> memref<56x64xf32, #tpu.memory_space<hbm>>
      %dma_wait3A_1099 = arith.constant 0 : i32
      %dma_wait3A_1100 = arith.constant 0 : i32
      %dma_wait3A_1101 = tpu.memref_slice %arg6[%dma_wait3A_1090, %dma_wait3A_1091, %dma_wait3A_1099, %dma_wait3A_1100] : memref<2x8x56x64xf32, #tpu.memory_space<vmem>> -> memref<1x1x56x64xf32, #tpu.memory_space<vmem>>
      %dma_wait3A_1102 = tpu.memref_squeeze %dma_wait3A_1101 : memref<1x1x56x64xf32, #tpu.memory_space<vmem>> -> memref<56x64xf32, #tpu.memory_space<vmem>>
      %dma_wait3A_1103 = arith.constant 0 : i32
      %dma_wait3A_1104 = arith.constant 0 : i32
      %dma_wait3A_1105 = tpu.memref_slice %arg3[%dma_wait3A_1103, %dma_wait3A_1104] : memref<100000x64xf32, #tpu.memory_space<hbm>> -> memref<56x64xf32, #tpu.memory_space<hbm>>
      tpu.wait_dma2 semaphore(%arg7 : memref<!tpu.dma_semaphore, #tpu.memory_space<semaphore_mem>>) src(%dma_wait3A_1105 : memref<56x64xf32, #tpu.memory_space<hbm>>) dst(%dma_wait3A_1102 : memref<56x64xf32, #tpu.memory_space<vmem>>)
      %mul3A_1106 = arith.constant 8 : i32
      %mul3A_1107 = arith.muli %add3A_847, %mul3A_1106 : i32
      %add3A_1108 = arith.addi %mul3A_2, %mul3A_1107 : i32
      %add3A_1109 = arith.constant 0 : i32
      %add3A_1110 = arith.addi %add3A_1108, %add3A_1109 : i32
      %dma_start3A_1111 = arith.constant 0 : i32
      %dma_start3A_1112 = arith.constant 0 : i32
      %dma_start3A_1113 = arith.constant 0 : i32
      %dma_start3A_1114 = arith.constant 0 : i32
      %dma_start3A_1115 = tpu.memref_slice %arg6[%dma_start3A_1111, %dma_start3A_1112, %dma_start3A_1113, %dma_start3A_1114] : memref<2x8x56x64xf32, #tpu.memory_space<vmem>> -> memref<1x1x50x64xf32, #tpu.memory_space<vmem>>
      %dma_start3A_1116 = tpu.memref_squeeze %dma_start3A_1115 : memref<1x1x50x64xf32, #tpu.memory_space<vmem>> -> memref<1x50x64xf32, #tpu.memory_space<vmem>>
      %dma_start3A_1117 = arith.constant 0 : i32
      %dma_start3A_1118 = arith.constant 0 : i32
      %dma_start3A_1119 = tpu.memref_slice %arg4[%add3A_1110, %dma_start3A_1117, %dma_start3A_1118] : memref<4096x50x64xf32, #tpu.memory_space<hbm>> -> memref<1x50x64xf32, #tpu.memory_space<hbm>>
      %dma_start3A_1120 = arith.constant 0 : i32
      %dma_start3A_1121 = arith.constant 0 : i32
      %dma_start3A_1122 = tpu.memref_slice %arg4[%add3A_1110, %dma_start3A_1120, %dma_start3A_1121] : memref<4096x50x64xf32, #tpu.memory_space<hbm>> -> memref<1x50x64xf32, #tpu.memory_space<hbm>>
      %dma_start3A_1123 = arith.constant 0 : i32
      %dma_start3A_1124 = arith.constant 0 : i32
      %dma_start3A_1125 = arith.constant 0 : i32
      %dma_start3A_1126 = tpu.memref_slice %arg6[%dma_start3A_1111, %dma_start3A_1123, %dma_start3A_1124, %dma_start3A_1125] : memref<2x8x56x64xf32, #tpu.memory_space<vmem>> -> memref<1x1x50x64xf32, #tpu.memory_space<vmem>>
      %dma_start3A_1127 = tpu.memref_squeeze %dma_start3A_1126 : memref<1x1x50x64xf32, #tpu.memory_space<vmem>> -> memref<1x50x64xf32, #tpu.memory_space<vmem>>
      tpu.enqueue_dma source(%dma_start3A_1127 : memref<1x50x64xf32, #tpu.memory_space<vmem>>) target(%dma_start3A_1122 : memref<1x50x64xf32, #tpu.memory_space<hbm>>) target_semaphore(%arg9 : memref<!tpu.dma_semaphore, #tpu.memory_space<semaphore_mem>>)
      %mul3A_1128 = arith.constant 8 : i32
      %mul3A_1129 = arith.muli %add3A_847, %mul3A_1128 : i32
      %add3A_1130 = arith.addi %mul3A_2, %mul3A_1129 : i32
      %add3A_1131 = arith.constant 1 : i32
      %add3A_1132 = arith.addi %add3A_1130, %add3A_1131 : i32
      %dma_start3A_1133 = arith.constant 0 : i32
      %dma_start3A_1134 = arith.constant 1 : i32
      %dma_start3A_1135 = arith.constant 0 : i32
      %dma_start3A_1136 = arith.constant 0 : i32
      %dma_start3A_1137 = tpu.memref_slice %arg6[%dma_start3A_1133, %dma_start3A_1134, %dma_start3A_1135, %dma_start3A_1136] : memref<2x8x56x64xf32, #tpu.memory_space<vmem>> -> memref<1x1x50x64xf32, #tpu.memory_space<vmem>>
      %dma_start3A_1138 = tpu.memref_squeeze %dma_start3A_1137 : memref<1x1x50x64xf32, #tpu.memory_space<vmem>> -> memref<1x50x64xf32, #tpu.memory_space<vmem>>
      %dma_start3A_1139 = arith.constant 0 : i32
      %dma_start3A_1140 = arith.constant 0 : i32
      %dma_start3A_1141 = tpu.memref_slice %arg4[%add3A_1132, %dma_start3A_1139, %dma_start3A_1140] : memref<4096x50x64xf32, #tpu.memory_space<hbm>> -> memref<1x50x64xf32, #tpu.memory_space<hbm>>
      %dma_start3A_1142 = arith.constant 0 : i32
      %dma_start3A_1143 = arith.constant 0 : i32
      %dma_start3A_1144 = tpu.memref_slice %arg4[%add3A_1132, %dma_start3A_1142, %dma_start3A_1143] : memref<4096x50x64xf32, #tpu.memory_space<hbm>> -> memref<1x50x64xf32, #tpu.memory_space<hbm>>
      %dma_start3A_1145 = arith.constant 1 : i32
      %dma_start3A_1146 = arith.constant 0 : i32
      %dma_start3A_1147 = arith.constant 0 : i32
      %dma_start3A_1148 = tpu.memref_slice %arg6[%dma_start3A_1133, %dma_start3A_1145, %dma_start3A_1146, %dma_start3A_1147] : memref<2x8x56x64xf32, #tpu.memory_space<vmem>> -> memref<1x1x50x64xf32, #tpu.memory_space<vmem>>
      %dma_start3A_1149 = tpu.memref_squeeze %dma_start3A_1148 : memref<1x1x50x64xf32, #tpu.memory_space<vmem>> -> memref<1x50x64xf32, #tpu.memory_space<vmem>>
      tpu.enqueue_dma source(%dma_start3A_1149 : memref<1x50x64xf32, #tpu.memory_space<vmem>>) target(%dma_start3A_1144 : memref<1x50x64xf32, #tpu.memory_space<hbm>>) target_semaphore(%arg9 : memref<!tpu.dma_semaphore, #tpu.memory_space<semaphore_mem>>)
      %mul3A_1150 = arith.constant 8 : i32
      %mul3A_1151 = arith.muli %add3A_847, %mul3A_1150 : i32
      %add3A_1152 = arith.addi %mul3A_2, %mul3A_1151 : i32
      %add3A_1153 = arith.constant 2 : i32
      %add3A_1154 = arith.addi %add3A_1152, %add3A_1153 : i32
      %dma_start3A_1155 = arith.constant 0 : i32
      %dma_start3A_1156 = arith.constant 2 : i32
      %dma_start3A_1157 = arith.constant 0 : i32
      %dma_start3A_1158 = arith.constant 0 : i32
      %dma_start3A_1159 = tpu.memref_slice %arg6[%dma_start3A_1155, %dma_start3A_1156, %dma_start3A_1157, %dma_start3A_1158] : memref<2x8x56x64xf32, #tpu.memory_space<vmem>> -> memref<1x1x50x64xf32, #tpu.memory_space<vmem>>
      %dma_start3A_1160 = tpu.memref_squeeze %dma_start3A_1159 : memref<1x1x50x64xf32, #tpu.memory_space<vmem>> -> memref<1x50x64xf32, #tpu.memory_space<vmem>>
      %dma_start3A_1161 = arith.constant 0 : i32
      %dma_start3A_1162 = arith.constant 0 : i32
      %dma_start3A_1163 = tpu.memref_slice %arg4[%add3A_1154, %dma_start3A_1161, %dma_start3A_1162] : memref<4096x50x64xf32, #tpu.memory_space<hbm>> -> memref<1x50x64xf32, #tpu.memory_space<hbm>>
      %dma_start3A_1164 = arith.constant 0 : i32
      %dma_start3A_1165 = arith.constant 0 : i32
      %dma_start3A_1166 = tpu.memref_slice %arg4[%add3A_1154, %dma_start3A_1164, %dma_start3A_1165] : memref<4096x50x64xf32, #tpu.memory_space<hbm>> -> memref<1x50x64xf32, #tpu.memory_space<hbm>>
      %dma_start3A_1167 = arith.constant 2 : i32
      %dma_start3A_1168 = arith.constant 0 : i32
      %dma_start3A_1169 = arith.constant 0 : i32
      %dma_start3A_1170 = tpu.memref_slice %arg6[%dma_start3A_1155, %dma_start3A_1167, %dma_start3A_1168, %dma_start3A_1169] : memref<2x8x56x64xf32, #tpu.memory_space<vmem>> -> memref<1x1x50x64xf32, #tpu.memory_space<vmem>>
      %dma_start3A_1171 = tpu.memref_squeeze %dma_start3A_1170 : memref<1x1x50x64xf32, #tpu.memory_space<vmem>> -> memref<1x50x64xf32, #tpu.memory_space<vmem>>
      tpu.enqueue_dma source(%dma_start3A_1171 : memref<1x50x64xf32, #tpu.memory_space<vmem>>) target(%dma_start3A_1166 : memref<1x50x64xf32, #tpu.memory_space<hbm>>) target_semaphore(%arg9 : memref<!tpu.dma_semaphore, #tpu.memory_space<semaphore_mem>>)
      %mul3A_1172 = arith.constant 8 : i32
      %mul3A_1173 = arith.muli %add3A_847, %mul3A_1172 : i32
      %add3A_1174 = arith.addi %mul3A_2, %mul3A_1173 : i32
      %add3A_1175 = arith.constant 3 : i32
      %add3A_1176 = arith.addi %add3A_1174, %add3A_1175 : i32
      %dma_start3A_1177 = arith.constant 0 : i32
      %dma_start3A_1178 = arith.constant 3 : i32
      %dma_start3A_1179 = arith.constant 0 : i32
      %dma_start3A_1180 = arith.constant 0 : i32
      %dma_start3A_1181 = tpu.memref_slice %arg6[%dma_start3A_1177, %dma_start3A_1178, %dma_start3A_1179, %dma_start3A_1180] : memref<2x8x56x64xf32, #tpu.memory_space<vmem>> -> memref<1x1x50x64xf32, #tpu.memory_space<vmem>>
      %dma_start3A_1182 = tpu.memref_squeeze %dma_start3A_1181 : memref<1x1x50x64xf32, #tpu.memory_space<vmem>> -> memref<1x50x64xf32, #tpu.memory_space<vmem>>
      %dma_start3A_1183 = arith.constant 0 : i32
      %dma_start3A_1184 = arith.constant 0 : i32
      %dma_start3A_1185 = tpu.memref_slice %arg4[%add3A_1176, %dma_start3A_1183, %dma_start3A_1184] : memref<4096x50x64xf32, #tpu.memory_space<hbm>> -> memref<1x50x64xf32, #tpu.memory_space<hbm>>
      %dma_start3A_1186 = arith.constant 0 : i32
      %dma_start3A_1187 = arith.constant 0 : i32
      %dma_start3A_1188 = tpu.memref_slice %arg4[%add3A_1176, %dma_start3A_1186, %dma_start3A_1187] : memref<4096x50x64xf32, #tpu.memory_space<hbm>> -> memref<1x50x64xf32, #tpu.memory_space<hbm>>
      %dma_start3A_1189 = arith.constant 3 : i32
      %dma_start3A_1190 = arith.constant 0 : i32
      %dma_start3A_1191 = arith.constant 0 : i32
      %dma_start3A_1192 = tpu.memref_slice %arg6[%dma_start3A_1177, %dma_start3A_1189, %dma_start3A_1190, %dma_start3A_1191] : memref<2x8x56x64xf32, #tpu.memory_space<vmem>> -> memref<1x1x50x64xf32, #tpu.memory_space<vmem>>
      %dma_start3A_1193 = tpu.memref_squeeze %dma_start3A_1192 : memref<1x1x50x64xf32, #tpu.memory_space<vmem>> -> memref<1x50x64xf32, #tpu.memory_space<vmem>>
      tpu.enqueue_dma source(%dma_start3A_1193 : memref<1x50x64xf32, #tpu.memory_space<vmem>>) target(%dma_start3A_1188 : memref<1x50x64xf32, #tpu.memory_space<hbm>>) target_semaphore(%arg9 : memref<!tpu.dma_semaphore, #tpu.memory_space<semaphore_mem>>)
      %mul3A_1194 = arith.constant 8 : i32
      %mul3A_1195 = arith.muli %add3A_847, %mul3A_1194 : i32
      %add3A_1196 = arith.addi %mul3A_2, %mul3A_1195 : i32
      %add3A_1197 = arith.constant 4 : i32
      %add3A_1198 = arith.addi %add3A_1196, %add3A_1197 : i32
      %dma_start3A_1199 = arith.constant 0 : i32
      %dma_start3A_1200 = arith.constant 4 : i32
      %dma_start3A_1201 = arith.constant 0 : i32
      %dma_start3A_1202 = arith.constant 0 : i32
      %dma_start3A_1203 = tpu.memref_slice %arg6[%dma_start3A_1199, %dma_start3A_1200, %dma_start3A_1201, %dma_start3A_1202] : memref<2x8x56x64xf32, #tpu.memory_space<vmem>> -> memref<1x1x50x64xf32, #tpu.memory_space<vmem>>
      %dma_start3A_1204 = tpu.memref_squeeze %dma_start3A_1203 : memref<1x1x50x64xf32, #tpu.memory_space<vmem>> -> memref<1x50x64xf32, #tpu.memory_space<vmem>>
      %dma_start3A_1205 = arith.constant 0 : i32
      %dma_start3A_1206 = arith.constant 0 : i32
      %dma_start3A_1207 = tpu.memref_slice %arg4[%add3A_1198, %dma_start3A_1205, %dma_start3A_1206] : memref<4096x50x64xf32, #tpu.memory_space<hbm>> -> memref<1x50x64xf32, #tpu.memory_space<hbm>>
      %dma_start3A_1208 = arith.constant 0 : i32
      %dma_start3A_1209 = arith.constant 0 : i32
      %dma_start3A_1210 = tpu.memref_slice %arg4[%add3A_1198, %dma_start3A_1208, %dma_start3A_1209] : memref<4096x50x64xf32, #tpu.memory_space<hbm>> -> memref<1x50x64xf32, #tpu.memory_space<hbm>>
      %dma_start3A_1211 = arith.constant 4 : i32
      %dma_start3A_1212 = arith.constant 0 : i32
      %dma_start3A_1213 = arith.constant 0 : i32
      %dma_start3A_1214 = tpu.memref_slice %arg6[%dma_start3A_1199, %dma_start3A_1211, %dma_start3A_1212, %dma_start3A_1213] : memref<2x8x56x64xf32, #tpu.memory_space<vmem>> -> memref<1x1x50x64xf32, #tpu.memory_space<vmem>>
      %dma_start3A_1215 = tpu.memref_squeeze %dma_start3A_1214 : memref<1x1x50x64xf32, #tpu.memory_space<vmem>> -> memref<1x50x64xf32, #tpu.memory_space<vmem>>
      tpu.enqueue_dma source(%dma_start3A_1215 : memref<1x50x64xf32, #tpu.memory_space<vmem>>) target(%dma_start3A_1210 : memref<1x50x64xf32, #tpu.memory_space<hbm>>) target_semaphore(%arg9 : memref<!tpu.dma_semaphore, #tpu.memory_space<semaphore_mem>>)
      %mul3A_1216 = arith.constant 8 : i32
      %mul3A_1217 = arith.muli %add3A_847, %mul3A_1216 : i32
      %add3A_1218 = arith.addi %mul3A_2, %mul3A_1217 : i32
      %add3A_1219 = arith.constant 5 : i32
      %add3A_1220 = arith.addi %add3A_1218, %add3A_1219 : i32
      %dma_start3A_1221 = arith.constant 0 : i32
      %dma_start3A_1222 = arith.constant 5 : i32
      %dma_start3A_1223 = arith.constant 0 : i32
      %dma_start3A_1224 = arith.constant 0 : i32
      %dma_start3A_1225 = tpu.memref_slice %arg6[%dma_start3A_1221, %dma_start3A_1222, %dma_start3A_1223, %dma_start3A_1224] : memref<2x8x56x64xf32, #tpu.memory_space<vmem>> -> memref<1x1x50x64xf32, #tpu.memory_space<vmem>>
      %dma_start3A_1226 = tpu.memref_squeeze %dma_start3A_1225 : memref<1x1x50x64xf32, #tpu.memory_space<vmem>> -> memref<1x50x64xf32, #tpu.memory_space<vmem>>
      %dma_start3A_1227 = arith.constant 0 : i32
      %dma_start3A_1228 = arith.constant 0 : i32
      %dma_start3A_1229 = tpu.memref_slice %arg4[%add3A_1220, %dma_start3A_1227, %dma_start3A_1228] : memref<4096x50x64xf32, #tpu.memory_space<hbm>> -> memref<1x50x64xf32, #tpu.memory_space<hbm>>
      %dma_start3A_1230 = arith.constant 0 : i32
      %dma_start3A_1231 = arith.constant 0 : i32
      %dma_start3A_1232 = tpu.memref_slice %arg4[%add3A_1220, %dma_start3A_1230, %dma_start3A_1231] : memref<4096x50x64xf32, #tpu.memory_space<hbm>> -> memref<1x50x64xf32, #tpu.memory_space<hbm>>
      %dma_start3A_1233 = arith.constant 5 : i32
      %dma_start3A_1234 = arith.constant 0 : i32
      %dma_start3A_1235 = arith.constant 0 : i32
      %dma_start3A_1236 = tpu.memref_slice %arg6[%dma_start3A_1221, %dma_start3A_1233, %dma_start3A_1234, %dma_start3A_1235] : memref<2x8x56x64xf32, #tpu.memory_space<vmem>> -> memref<1x1x50x64xf32, #tpu.memory_space<vmem>>
      %dma_start3A_1237 = tpu.memref_squeeze %dma_start3A_1236 : memref<1x1x50x64xf32, #tpu.memory_space<vmem>> -> memref<1x50x64xf32, #tpu.memory_space<vmem>>
      tpu.enqueue_dma source(%dma_start3A_1237 : memref<1x50x64xf32, #tpu.memory_space<vmem>>) target(%dma_start3A_1232 : memref<1x50x64xf32, #tpu.memory_space<hbm>>) target_semaphore(%arg9 : memref<!tpu.dma_semaphore, #tpu.memory_space<semaphore_mem>>)
      %mul3A_1238 = arith.constant 8 : i32
      %mul3A_1239 = arith.muli %add3A_847, %mul3A_1238 : i32
      %add3A_1240 = arith.addi %mul3A_2, %mul3A_1239 : i32
      %add3A_1241 = arith.constant 6 : i32
      %add3A_1242 = arith.addi %add3A_1240, %add3A_1241 : i32
      %dma_start3A_1243 = arith.constant 0 : i32
      %dma_start3A_1244 = arith.constant 6 : i32
      %dma_start3A_1245 = arith.constant 0 : i32
      %dma_start3A_1246 = arith.constant 0 : i32
      %dma_start3A_1247 = tpu.memref_slice %arg6[%dma_start3A_1243, %dma_start3A_1244, %dma_start3A_1245, %dma_start3A_1246] : memref<2x8x56x64xf32, #tpu.memory_space<vmem>> -> memref<1x1x50x64xf32, #tpu.memory_space<vmem>>
      %dma_start3A_1248 = tpu.memref_squeeze %dma_start3A_1247 : memref<1x1x50x64xf32, #tpu.memory_space<vmem>> -> memref<1x50x64xf32, #tpu.memory_space<vmem>>
      %dma_start3A_1249 = arith.constant 0 : i32
      %dma_start3A_1250 = arith.constant 0 : i32
      %dma_start3A_1251 = tpu.memref_slice %arg4[%add3A_1242, %dma_start3A_1249, %dma_start3A_1250] : memref<4096x50x64xf32, #tpu.memory_space<hbm>> -> memref<1x50x64xf32, #tpu.memory_space<hbm>>
      %dma_start3A_1252 = arith.constant 0 : i32
      %dma_start3A_1253 = arith.constant 0 : i32
      %dma_start3A_1254 = tpu.memref_slice %arg4[%add3A_1242, %dma_start3A_1252, %dma_start3A_1253] : memref<4096x50x64xf32, #tpu.memory_space<hbm>> -> memref<1x50x64xf32, #tpu.memory_space<hbm>>
      %dma_start3A_1255 = arith.constant 6 : i32
      %dma_start3A_1256 = arith.constant 0 : i32
      %dma_start3A_1257 = arith.constant 0 : i32
      %dma_start3A_1258 = tpu.memref_slice %arg6[%dma_start3A_1243, %dma_start3A_1255, %dma_start3A_1256, %dma_start3A_1257] : memref<2x8x56x64xf32, #tpu.memory_space<vmem>> -> memref<1x1x50x64xf32, #tpu.memory_space<vmem>>
      %dma_start3A_1259 = tpu.memref_squeeze %dma_start3A_1258 : memref<1x1x50x64xf32, #tpu.memory_space<vmem>> -> memref<1x50x64xf32, #tpu.memory_space<vmem>>
      tpu.enqueue_dma source(%dma_start3A_1259 : memref<1x50x64xf32, #tpu.memory_space<vmem>>) target(%dma_start3A_1254 : memref<1x50x64xf32, #tpu.memory_space<hbm>>) target_semaphore(%arg9 : memref<!tpu.dma_semaphore, #tpu.memory_space<semaphore_mem>>)
      %mul3A_1260 = arith.constant 8 : i32
      %mul3A_1261 = arith.muli %add3A_847, %mul3A_1260 : i32
      %add3A_1262 = arith.addi %mul3A_2, %mul3A_1261 : i32
      %add3A_1263 = arith.constant 7 : i32
      %add3A_1264 = arith.addi %add3A_1262, %add3A_1263 : i32
      %dma_start3A_1265 = arith.constant 0 : i32
      %dma_start3A_1266 = arith.constant 7 : i32
      %dma_start3A_1267 = arith.constant 0 : i32
      %dma_start3A_1268 = arith.constant 0 : i32
      %dma_start3A_1269 = tpu.memref_slice %arg6[%dma_start3A_1265, %dma_start3A_1266, %dma_start3A_1267, %dma_start3A_1268] : memref<2x8x56x64xf32, #tpu.memory_space<vmem>> -> memref<1x1x50x64xf32, #tpu.memory_space<vmem>>
      %dma_start3A_1270 = tpu.memref_squeeze %dma_start3A_1269 : memref<1x1x50x64xf32, #tpu.memory_space<vmem>> -> memref<1x50x64xf32, #tpu.memory_space<vmem>>
      %dma_start3A_1271 = arith.constant 0 : i32
      %dma_start3A_1272 = arith.constant 0 : i32
      %dma_start3A_1273 = tpu.memref_slice %arg4[%add3A_1264, %dma_start3A_1271, %dma_start3A_1272] : memref<4096x50x64xf32, #tpu.memory_space<hbm>> -> memref<1x50x64xf32, #tpu.memory_space<hbm>>
      %dma_start3A_1274 = arith.constant 0 : i32
      %dma_start3A_1275 = arith.constant 0 : i32
      %dma_start3A_1276 = tpu.memref_slice %arg4[%add3A_1264, %dma_start3A_1274, %dma_start3A_1275] : memref<4096x50x64xf32, #tpu.memory_space<hbm>> -> memref<1x50x64xf32, #tpu.memory_space<hbm>>
      %dma_start3A_1277 = arith.constant 7 : i32
      %dma_start3A_1278 = arith.constant 0 : i32
      %dma_start3A_1279 = arith.constant 0 : i32
      %dma_start3A_1280 = tpu.memref_slice %arg6[%dma_start3A_1265, %dma_start3A_1277, %dma_start3A_1278, %dma_start3A_1279] : memref<2x8x56x64xf32, #tpu.memory_space<vmem>> -> memref<1x1x50x64xf32, #tpu.memory_space<vmem>>
      %dma_start3A_1281 = tpu.memref_squeeze %dma_start3A_1280 : memref<1x1x50x64xf32, #tpu.memory_space<vmem>> -> memref<1x50x64xf32, #tpu.memory_space<vmem>>
      tpu.enqueue_dma source(%dma_start3A_1281 : memref<1x50x64xf32, #tpu.memory_space<vmem>>) target(%dma_start3A_1276 : memref<1x50x64xf32, #tpu.memory_space<hbm>>) target_semaphore(%arg9 : memref<!tpu.dma_semaphore, #tpu.memory_space<semaphore_mem>>)
      %dma_wait3A_1282 = arith.constant 0 : i32
      %dma_wait3A_1283 = arith.constant 0 : i32
      %dma_wait3A_1284 = arith.constant 0 : i32
      %dma_wait3A_1285 = arith.constant 0 : i32
      %dma_wait3A_1286 = tpu.memref_slice %arg6[%dma_wait3A_1282, %dma_wait3A_1283, %dma_wait3A_1284, %dma_wait3A_1285] : memref<2x8x56x64xf32, #tpu.memory_space<vmem>> -> memref<1x8x50x64xf32, #tpu.memory_space<vmem>>
      %dma_wait3A_1287 = tpu.memref_squeeze %dma_wait3A_1286 : memref<1x8x50x64xf32, #tpu.memory_space<vmem>> -> memref<8x50x64xf32, #tpu.memory_space<vmem>>
      %dma_wait3A_1288 = arith.constant 0 : i32
      %dma_wait3A_1289 = arith.constant 0 : i32
      %dma_wait3A_1290 = arith.constant 0 : i32
      %dma_wait3A_1291 = tpu.memref_slice %arg4[%dma_wait3A_1288, %dma_wait3A_1289, %dma_wait3A_1290] : memref<4096x50x64xf32, #tpu.memory_space<hbm>> -> memref<8x50x64xf32, #tpu.memory_space<hbm>>
      %dma_wait3A_1292 = arith.constant 0 : i32
      %dma_wait3A_1293 = arith.constant 0 : i32
      %dma_wait3A_1294 = arith.constant 0 : i32
      %dma_wait3A_1295 = tpu.memref_slice %arg6[%dma_wait3A_1282, %dma_wait3A_1292, %dma_wait3A_1293, %dma_wait3A_1294] : memref<2x8x56x64xf32, #tpu.memory_space<vmem>> -> memref<1x8x50x64xf32, #tpu.memory_space<vmem>>
      %dma_wait3A_1296 = tpu.memref_squeeze %dma_wait3A_1295 : memref<1x8x50x64xf32, #tpu.memory_space<vmem>> -> memref<8x50x64xf32, #tpu.memory_space<vmem>>
      %dma_wait3A_1297 = arith.constant 0 : i32
      %dma_wait3A_1298 = arith.constant 0 : i32
      %dma_wait3A_1299 = arith.constant 0 : i32
      %dma_wait3A_1300 = tpu.memref_slice %arg4[%dma_wait3A_1297, %dma_wait3A_1298, %dma_wait3A_1299] : memref<4096x50x64xf32, #tpu.memory_space<hbm>> -> memref<8x50x64xf32, #tpu.memory_space<hbm>>
      tpu.wait_dma2 semaphore(%arg9 : memref<!tpu.dma_semaphore, #tpu.memory_space<semaphore_mem>>) src(%dma_wait3A_1300 : memref<8x50x64xf32, #tpu.memory_space<hbm>>) dst(%dma_wait3A_1296 : memref<8x50x64xf32, #tpu.memory_space<vmem>>)
      %add3A_1301 = arith.constant 2 : i32
      %add3A_1302 = arith.addi %add3A_847, %add3A_1301 : i32
      %mul3A_1303 = arith.constant 8 : i32
      %mul3A_1304 = arith.muli %add3A_1302, %mul3A_1303 : i32
      %add3A_1305 = arith.constant 0 : i32
      %add3A_1306 = arith.addi %mul3A_1304, %add3A_1305 : i32
      %dma_start3A_1307 = arith.constant 0 : i32
      %dma_start3A_1308 = arith.constant 0 : i32
      %dma_start3A_1309 = arith.constant 0 : i32
      %dma_start3A_1310 = arith.constant 0 : i32
      %dma_start3A_1311 = tpu.memref_slice %arg6[%dma_start3A_1307, %dma_start3A_1308, %dma_start3A_1309, %dma_start3A_1310] : memref<2x8x56x64xf32, #tpu.memory_space<vmem>> -> memref<1x1x56x64xf32, #tpu.memory_space<vmem>>
      %dma_start3A_1312 = tpu.memref_squeeze %dma_start3A_1311 : memref<1x1x56x64xf32, #tpu.memory_space<vmem>> -> memref<56x64xf32, #tpu.memory_space<vmem>>
      %dma_start3A_1313 = arith.constant 0 : i32
      %dma_start3A_1314 = tpu.memref_slice %arg5[%add3A_1306, %dma_start3A_1313] : memref<128x128xi32, #tpu.memory_space<vmem>> -> memref<1x56xi32, #tpu.memory_space<vmem>>
      %dma_start3A_1315 = tpu.memref_squeeze %dma_start3A_1314 : memref<1x56xi32, #tpu.memory_space<vmem>> -> memref<56xi32, #tpu.memory_space<vmem>>
      %dma_start3A_1316 = arith.constant 0 : i32
      %dma_start3A_1317 = arith.constant 0 : i32
      %dma_start3A_1318 = tpu.memref_slice %arg3[%dma_start3A_1316, %dma_start3A_1317] : memref<100000x64xf32, #tpu.memory_space<hbm>> -> memref<100000x64xf32, #tpu.memory_space<hbm>>
      tpu.enqueue_indirect_dma source(%dma_start3A_1318 : memref<100000x64xf32, #tpu.memory_space<hbm>>) target(%dma_start3A_1312 : memref<56x64xf32, #tpu.memory_space<vmem>>) offsets(%dma_start3A_1315 : memref<56xi32, #tpu.memory_space<vmem>>) semaphore(%arg7 : memref<!tpu.dma_semaphore, #tpu.memory_space<semaphore_mem>>)
      %mul3A_1319 = arith.constant 8 : i32
      %mul3A_1320 = arith.muli %add3A_1302, %mul3A_1319 : i32
      %add3A_1321 = arith.constant 1 : i32
      %add3A_1322 = arith.addi %mul3A_1320, %add3A_1321 : i32
      %dma_start3A_1323 = arith.constant 0 : i32
      %dma_start3A_1324 = arith.constant 1 : i32
      %dma_start3A_1325 = arith.constant 0 : i32
      %dma_start3A_1326 = arith.constant 0 : i32
      %dma_start3A_1327 = tpu.memref_slice %arg6[%dma_start3A_1323, %dma_start3A_1324, %dma_start3A_1325, %dma_start3A_1326] : memref<2x8x56x64xf32, #tpu.memory_space<vmem>> -> memref<1x1x56x64xf32, #tpu.memory_space<vmem>>
      %dma_start3A_1328 = tpu.memref_squeeze %dma_start3A_1327 : memref<1x1x56x64xf32, #tpu.memory_space<vmem>> -> memref<56x64xf32, #tpu.memory_space<vmem>>
      %dma_start3A_1329 = arith.constant 0 : i32
      %dma_start3A_1330 = tpu.memref_slice %arg5[%add3A_1322, %dma_start3A_1329] : memref<128x128xi32, #tpu.memory_space<vmem>> -> memref<1x56xi32, #tpu.memory_space<vmem>>
      %dma_start3A_1331 = tpu.memref_squeeze %dma_start3A_1330 : memref<1x56xi32, #tpu.memory_space<vmem>> -> memref<56xi32, #tpu.memory_space<vmem>>
      %dma_start3A_1332 = arith.constant 0 : i32
      %dma_start3A_1333 = arith.constant 0 : i32
      %dma_start3A_1334 = tpu.memref_slice %arg3[%dma_start3A_1332, %dma_start3A_1333] : memref<100000x64xf32, #tpu.memory_space<hbm>> -> memref<100000x64xf32, #tpu.memory_space<hbm>>
      tpu.enqueue_indirect_dma source(%dma_start3A_1334 : memref<100000x64xf32, #tpu.memory_space<hbm>>) target(%dma_start3A_1328 : memref<56x64xf32, #tpu.memory_space<vmem>>) offsets(%dma_start3A_1331 : memref<56xi32, #tpu.memory_space<vmem>>) semaphore(%arg7 : memref<!tpu.dma_semaphore, #tpu.memory_space<semaphore_mem>>)
      %mul3A_1335 = arith.constant 8 : i32
      %mul3A_1336 = arith.muli %add3A_1302, %mul3A_1335 : i32
      %add3A_1337 = arith.constant 2 : i32
      %add3A_1338 = arith.addi %mul3A_1336, %add3A_1337 : i32
      %dma_start3A_1339 = arith.constant 0 : i32
      %dma_start3A_1340 = arith.constant 2 : i32
      %dma_start3A_1341 = arith.constant 0 : i32
      %dma_start3A_1342 = arith.constant 0 : i32
      %dma_start3A_1343 = tpu.memref_slice %arg6[%dma_start3A_1339, %dma_start3A_1340, %dma_start3A_1341, %dma_start3A_1342] : memref<2x8x56x64xf32, #tpu.memory_space<vmem>> -> memref<1x1x56x64xf32, #tpu.memory_space<vmem>>
      %dma_start3A_1344 = tpu.memref_squeeze %dma_start3A_1343 : memref<1x1x56x64xf32, #tpu.memory_space<vmem>> -> memref<56x64xf32, #tpu.memory_space<vmem>>
      %dma_start3A_1345 = arith.constant 0 : i32
      %dma_start3A_1346 = tpu.memref_slice %arg5[%add3A_1338, %dma_start3A_1345] : memref<128x128xi32, #tpu.memory_space<vmem>> -> memref<1x56xi32, #tpu.memory_space<vmem>>
      %dma_start3A_1347 = tpu.memref_squeeze %dma_start3A_1346 : memref<1x56xi32, #tpu.memory_space<vmem>> -> memref<56xi32, #tpu.memory_space<vmem>>
      %dma_start3A_1348 = arith.constant 0 : i32
      %dma_start3A_1349 = arith.constant 0 : i32
      %dma_start3A_1350 = tpu.memref_slice %arg3[%dma_start3A_1348, %dma_start3A_1349] : memref<100000x64xf32, #tpu.memory_space<hbm>> -> memref<100000x64xf32, #tpu.memory_space<hbm>>
      tpu.enqueue_indirect_dma source(%dma_start3A_1350 : memref<100000x64xf32, #tpu.memory_space<hbm>>) target(%dma_start3A_1344 : memref<56x64xf32, #tpu.memory_space<vmem>>) offsets(%dma_start3A_1347 : memref<56xi32, #tpu.memory_space<vmem>>) semaphore(%arg7 : memref<!tpu.dma_semaphore, #tpu.memory_space<semaphore_mem>>)
      %mul3A_1351 = arith.constant 8 : i32
      %mul3A_1352 = arith.muli %add3A_1302, %mul3A_1351 : i32
      %add3A_1353 = arith.constant 3 : i32
      %add3A_1354 = arith.addi %mul3A_1352, %add3A_1353 : i32
      %dma_start3A_1355 = arith.constant 0 : i32
      %dma_start3A_1356 = arith.constant 3 : i32
      %dma_start3A_1357 = arith.constant 0 : i32
      %dma_start3A_1358 = arith.constant 0 : i32
      %dma_start3A_1359 = tpu.memref_slice %arg6[%dma_start3A_1355, %dma_start3A_1356, %dma_start3A_1357, %dma_start3A_1358] : memref<2x8x56x64xf32, #tpu.memory_space<vmem>> -> memref<1x1x56x64xf32, #tpu.memory_space<vmem>>
      %dma_start3A_1360 = tpu.memref_squeeze %dma_start3A_1359 : memref<1x1x56x64xf32, #tpu.memory_space<vmem>> -> memref<56x64xf32, #tpu.memory_space<vmem>>
      %dma_start3A_1361 = arith.constant 0 : i32
      %dma_start3A_1362 = tpu.memref_slice %arg5[%add3A_1354, %dma_start3A_1361] : memref<128x128xi32, #tpu.memory_space<vmem>> -> memref<1x56xi32, #tpu.memory_space<vmem>>
      %dma_start3A_1363 = tpu.memref_squeeze %dma_start3A_1362 : memref<1x56xi32, #tpu.memory_space<vmem>> -> memref<56xi32, #tpu.memory_space<vmem>>
      %dma_start3A_1364 = arith.constant 0 : i32
      %dma_start3A_1365 = arith.constant 0 : i32
      %dma_start3A_1366 = tpu.memref_slice %arg3[%dma_start3A_1364, %dma_start3A_1365] : memref<100000x64xf32, #tpu.memory_space<hbm>> -> memref<100000x64xf32, #tpu.memory_space<hbm>>
      tpu.enqueue_indirect_dma source(%dma_start3A_1366 : memref<100000x64xf32, #tpu.memory_space<hbm>>) target(%dma_start3A_1360 : memref<56x64xf32, #tpu.memory_space<vmem>>) offsets(%dma_start3A_1363 : memref<56xi32, #tpu.memory_space<vmem>>) semaphore(%arg7 : memref<!tpu.dma_semaphore, #tpu.memory_space<semaphore_mem>>)
      %mul3A_1367 = arith.constant 8 : i32
      %mul3A_1368 = arith.muli %add3A_1302, %mul3A_1367 : i32
      %add3A_1369 = arith.constant 4 : i32
      %add3A_1370 = arith.addi %mul3A_1368, %add3A_1369 : i32
      %dma_start3A_1371 = arith.constant 0 : i32
      %dma_start3A_1372 = arith.constant 4 : i32
      %dma_start3A_1373 = arith.constant 0 : i32
      %dma_start3A_1374 = arith.constant 0 : i32
      %dma_start3A_1375 = tpu.memref_slice %arg6[%dma_start3A_1371, %dma_start3A_1372, %dma_start3A_1373, %dma_start3A_1374] : memref<2x8x56x64xf32, #tpu.memory_space<vmem>> -> memref<1x1x56x64xf32, #tpu.memory_space<vmem>>
      %dma_start3A_1376 = tpu.memref_squeeze %dma_start3A_1375 : memref<1x1x56x64xf32, #tpu.memory_space<vmem>> -> memref<56x64xf32, #tpu.memory_space<vmem>>
      %dma_start3A_1377 = arith.constant 0 : i32
      %dma_start3A_1378 = tpu.memref_slice %arg5[%add3A_1370, %dma_start3A_1377] : memref<128x128xi32, #tpu.memory_space<vmem>> -> memref<1x56xi32, #tpu.memory_space<vmem>>
      %dma_start3A_1379 = tpu.memref_squeeze %dma_start3A_1378 : memref<1x56xi32, #tpu.memory_space<vmem>> -> memref<56xi32, #tpu.memory_space<vmem>>
      %dma_start3A_1380 = arith.constant 0 : i32
      %dma_start3A_1381 = arith.constant 0 : i32
      %dma_start3A_1382 = tpu.memref_slice %arg3[%dma_start3A_1380, %dma_start3A_1381] : memref<100000x64xf32, #tpu.memory_space<hbm>> -> memref<100000x64xf32, #tpu.memory_space<hbm>>
      tpu.enqueue_indirect_dma source(%dma_start3A_1382 : memref<100000x64xf32, #tpu.memory_space<hbm>>) target(%dma_start3A_1376 : memref<56x64xf32, #tpu.memory_space<vmem>>) offsets(%dma_start3A_1379 : memref<56xi32, #tpu.memory_space<vmem>>) semaphore(%arg7 : memref<!tpu.dma_semaphore, #tpu.memory_space<semaphore_mem>>)
      %mul3A_1383 = arith.constant 8 : i32
      %mul3A_1384 = arith.muli %add3A_1302, %mul3A_1383 : i32
      %add3A_1385 = arith.constant 5 : i32
      %add3A_1386 = arith.addi %mul3A_1384, %add3A_1385 : i32
      %dma_start3A_1387 = arith.constant 0 : i32
      %dma_start3A_1388 = arith.constant 5 : i32
      %dma_start3A_1389 = arith.constant 0 : i32
      %dma_start3A_1390 = arith.constant 0 : i32
      %dma_start3A_1391 = tpu.memref_slice %arg6[%dma_start3A_1387, %dma_start3A_1388, %dma_start3A_1389, %dma_start3A_1390] : memref<2x8x56x64xf32, #tpu.memory_space<vmem>> -> memref<1x1x56x64xf32, #tpu.memory_space<vmem>>
      %dma_start3A_1392 = tpu.memref_squeeze %dma_start3A_1391 : memref<1x1x56x64xf32, #tpu.memory_space<vmem>> -> memref<56x64xf32, #tpu.memory_space<vmem>>
      %dma_start3A_1393 = arith.constant 0 : i32
      %dma_start3A_1394 = tpu.memref_slice %arg5[%add3A_1386, %dma_start3A_1393] : memref<128x128xi32, #tpu.memory_space<vmem>> -> memref<1x56xi32, #tpu.memory_space<vmem>>
      %dma_start3A_1395 = tpu.memref_squeeze %dma_start3A_1394 : memref<1x56xi32, #tpu.memory_space<vmem>> -> memref<56xi32, #tpu.memory_space<vmem>>
      %dma_start3A_1396 = arith.constant 0 : i32
      %dma_start3A_1397 = arith.constant 0 : i32
      %dma_start3A_1398 = tpu.memref_slice %arg3[%dma_start3A_1396, %dma_start3A_1397] : memref<100000x64xf32, #tpu.memory_space<hbm>> -> memref<100000x64xf32, #tpu.memory_space<hbm>>
      tpu.enqueue_indirect_dma source(%dma_start3A_1398 : memref<100000x64xf32, #tpu.memory_space<hbm>>) target(%dma_start3A_1392 : memref<56x64xf32, #tpu.memory_space<vmem>>) offsets(%dma_start3A_1395 : memref<56xi32, #tpu.memory_space<vmem>>) semaphore(%arg7 : memref<!tpu.dma_semaphore, #tpu.memory_space<semaphore_mem>>)
      %mul3A_1399 = arith.constant 8 : i32
      %mul3A_1400 = arith.muli %add3A_1302, %mul3A_1399 : i32
      %add3A_1401 = arith.constant 6 : i32
      %add3A_1402 = arith.addi %mul3A_1400, %add3A_1401 : i32
      %dma_start3A_1403 = arith.constant 0 : i32
      %dma_start3A_1404 = arith.constant 6 : i32
      %dma_start3A_1405 = arith.constant 0 : i32
      %dma_start3A_1406 = arith.constant 0 : i32
      %dma_start3A_1407 = tpu.memref_slice %arg6[%dma_start3A_1403, %dma_start3A_1404, %dma_start3A_1405, %dma_start3A_1406] : memref<2x8x56x64xf32, #tpu.memory_space<vmem>> -> memref<1x1x56x64xf32, #tpu.memory_space<vmem>>
      %dma_start3A_1408 = tpu.memref_squeeze %dma_start3A_1407 : memref<1x1x56x64xf32, #tpu.memory_space<vmem>> -> memref<56x64xf32, #tpu.memory_space<vmem>>
      %dma_start3A_1409 = arith.constant 0 : i32
      %dma_start3A_1410 = tpu.memref_slice %arg5[%add3A_1402, %dma_start3A_1409] : memref<128x128xi32, #tpu.memory_space<vmem>> -> memref<1x56xi32, #tpu.memory_space<vmem>>
      %dma_start3A_1411 = tpu.memref_squeeze %dma_start3A_1410 : memref<1x56xi32, #tpu.memory_space<vmem>> -> memref<56xi32, #tpu.memory_space<vmem>>
      %dma_start3A_1412 = arith.constant 0 : i32
      %dma_start3A_1413 = arith.constant 0 : i32
      %dma_start3A_1414 = tpu.memref_slice %arg3[%dma_start3A_1412, %dma_start3A_1413] : memref<100000x64xf32, #tpu.memory_space<hbm>> -> memref<100000x64xf32, #tpu.memory_space<hbm>>
      tpu.enqueue_indirect_dma source(%dma_start3A_1414 : memref<100000x64xf32, #tpu.memory_space<hbm>>) target(%dma_start3A_1408 : memref<56x64xf32, #tpu.memory_space<vmem>>) offsets(%dma_start3A_1411 : memref<56xi32, #tpu.memory_space<vmem>>) semaphore(%arg7 : memref<!tpu.dma_semaphore, #tpu.memory_space<semaphore_mem>>)
      %mul3A_1415 = arith.constant 8 : i32
      %mul3A_1416 = arith.muli %add3A_1302, %mul3A_1415 : i32
      %add3A_1417 = arith.constant 7 : i32
      %add3A_1418 = arith.addi %mul3A_1416, %add3A_1417 : i32
      %dma_start3A_1419 = arith.constant 0 : i32
      %dma_start3A_1420 = arith.constant 7 : i32
      %dma_start3A_1421 = arith.constant 0 : i32
      %dma_start3A_1422 = arith.constant 0 : i32
      %dma_start3A_1423 = tpu.memref_slice %arg6[%dma_start3A_1419, %dma_start3A_1420, %dma_start3A_1421, %dma_start3A_1422] : memref<2x8x56x64xf32, #tpu.memory_space<vmem>> -> memref<1x1x56x64xf32, #tpu.memory_space<vmem>>
      %dma_start3A_1424 = tpu.memref_squeeze %dma_start3A_1423 : memref<1x1x56x64xf32, #tpu.memory_space<vmem>> -> memref<56x64xf32, #tpu.memory_space<vmem>>
      %dma_start3A_1425 = arith.constant 0 : i32
      %dma_start3A_1426 = tpu.memref_slice %arg5[%add3A_1418, %dma_start3A_1425] : memref<128x128xi32, #tpu.memory_space<vmem>> -> memref<1x56xi32, #tpu.memory_space<vmem>>
      %dma_start3A_1427 = tpu.memref_squeeze %dma_start3A_1426 : memref<1x56xi32, #tpu.memory_space<vmem>> -> memref<56xi32, #tpu.memory_space<vmem>>
      %dma_start3A_1428 = arith.constant 0 : i32
      %dma_start3A_1429 = arith.constant 0 : i32
      %dma_start3A_1430 = tpu.memref_slice %arg3[%dma_start3A_1428, %dma_start3A_1429] : memref<100000x64xf32, #tpu.memory_space<hbm>> -> memref<100000x64xf32, #tpu.memory_space<hbm>>
      tpu.enqueue_indirect_dma source(%dma_start3A_1430 : memref<100000x64xf32, #tpu.memory_space<hbm>>) target(%dma_start3A_1424 : memref<56x64xf32, #tpu.memory_space<vmem>>) offsets(%dma_start3A_1427 : memref<56xi32, #tpu.memory_space<vmem>>) semaphore(%arg7 : memref<!tpu.dma_semaphore, #tpu.memory_space<semaphore_mem>>)
      %dma_wait3A_1431 = arith.constant 1 : i32
      %dma_wait3A_1432 = arith.constant 0 : i32
      %dma_wait3A_1433 = arith.constant 0 : i32
      %dma_wait3A_1434 = arith.constant 0 : i32
      %dma_wait3A_1435 = tpu.memref_slice %arg6[%dma_wait3A_1431, %dma_wait3A_1432, %dma_wait3A_1433, %dma_wait3A_1434] : memref<2x8x56x64xf32, #tpu.memory_space<vmem>> -> memref<1x1x56x64xf32, #tpu.memory_space<vmem>>
      %dma_wait3A_1436 = tpu.memref_squeeze %dma_wait3A_1435 : memref<1x1x56x64xf32, #tpu.memory_space<vmem>> -> memref<56x64xf32, #tpu.memory_space<vmem>>
      %dma_wait3A_1437 = arith.constant 0 : i32
      %dma_wait3A_1438 = arith.constant 0 : i32
      %dma_wait3A_1439 = tpu.memref_slice %arg3[%dma_wait3A_1437, %dma_wait3A_1438] : memref<100000x64xf32, #tpu.memory_space<hbm>> -> memref<56x64xf32, #tpu.memory_space<hbm>>
      %dma_wait3A_1440 = arith.constant 0 : i32
      %dma_wait3A_1441 = arith.constant 0 : i32
      %dma_wait3A_1442 = tpu.memref_slice %arg6[%dma_wait3A_1431, %dma_wait3A_1432, %dma_wait3A_1440, %dma_wait3A_1441] : memref<2x8x56x64xf32, #tpu.memory_space<vmem>> -> memref<1x1x56x64xf32, #tpu.memory_space<vmem>>
      %dma_wait3A_1443 = tpu.memref_squeeze %dma_wait3A_1442 : memref<1x1x56x64xf32, #tpu.memory_space<vmem>> -> memref<56x64xf32, #tpu.memory_space<vmem>>
      %dma_wait3A_1444 = arith.constant 0 : i32
      %dma_wait3A_1445 = arith.constant 0 : i32
      %dma_wait3A_1446 = tpu.memref_slice %arg3[%dma_wait3A_1444, %dma_wait3A_1445] : memref<100000x64xf32, #tpu.memory_space<hbm>> -> memref<56x64xf32, #tpu.memory_space<hbm>>
      tpu.wait_dma2 semaphore(%arg8 : memref<!tpu.dma_semaphore, #tpu.memory_space<semaphore_mem>>) src(%dma_wait3A_1446 : memref<56x64xf32, #tpu.memory_space<hbm>>) dst(%dma_wait3A_1443 : memref<56x64xf32, #tpu.memory_space<vmem>>)
      %dma_wait3A_1447 = arith.constant 1 : i32
      %dma_wait3A_1448 = arith.constant 1 : i32
      %dma_wait3A_1449 = arith.constant 0 : i32
      %dma_wait3A_1450 = arith.constant 0 : i32
      %dma_wait3A_1451 = tpu.memref_slice %arg6[%dma_wait3A_1447, %dma_wait3A_1448, %dma_wait3A_1449, %dma_wait3A_1450] : memref<2x8x56x64xf32, #tpu.memory_space<vmem>> -> memref<1x1x56x64xf32, #tpu.memory_space<vmem>>
      %dma_wait3A_1452 = tpu.memref_squeeze %dma_wait3A_1451 : memref<1x1x56x64xf32, #tpu.memory_space<vmem>> -> memref<56x64xf32, #tpu.memory_space<vmem>>
      %dma_wait3A_1453 = arith.constant 0 : i32
      %dma_wait3A_1454 = arith.constant 0 : i32
      %dma_wait3A_1455 = tpu.memref_slice %arg3[%dma_wait3A_1453, %dma_wait3A_1454] : memref<100000x64xf32, #tpu.memory_space<hbm>> -> memref<56x64xf32, #tpu.memory_space<hbm>>
      %dma_wait3A_1456 = arith.constant 0 : i32
      %dma_wait3A_1457 = arith.constant 0 : i32
      %dma_wait3A_1458 = tpu.memref_slice %arg6[%dma_wait3A_1447, %dma_wait3A_1448, %dma_wait3A_1456, %dma_wait3A_1457] : memref<2x8x56x64xf32, #tpu.memory_space<vmem>> -> memref<1x1x56x64xf32, #tpu.memory_space<vmem>>
      %dma_wait3A_1459 = tpu.memref_squeeze %dma_wait3A_1458 : memref<1x1x56x64xf32, #tpu.memory_space<vmem>> -> memref<56x64xf32, #tpu.memory_space<vmem>>
      %dma_wait3A_1460 = arith.constant 0 : i32
      %dma_wait3A_1461 = arith.constant 0 : i32
      %dma_wait3A_1462 = tpu.memref_slice %arg3[%dma_wait3A_1460, %dma_wait3A_1461] : memref<100000x64xf32, #tpu.memory_space<hbm>> -> memref<56x64xf32, #tpu.memory_space<hbm>>
      tpu.wait_dma2 semaphore(%arg8 : memref<!tpu.dma_semaphore, #tpu.memory_space<semaphore_mem>>) src(%dma_wait3A_1462 : memref<56x64xf32, #tpu.memory_space<hbm>>) dst(%dma_wait3A_1459 : memref<56x64xf32, #tpu.memory_space<vmem>>)
      %dma_wait3A_1463 = arith.constant 1 : i32
      %dma_wait3A_1464 = arith.constant 2 : i32
      %dma_wait3A_1465 = arith.constant 0 : i32
      %dma_wait3A_1466 = arith.constant 0 : i32
      %dma_wait3A_1467 = tpu.memref_slice %arg6[%dma_wait3A_1463, %dma_wait3A_1464, %dma_wait3A_1465, %dma_wait3A_1466] : memref<2x8x56x64xf32, #tpu.memory_space<vmem>> -> memref<1x1x56x64xf32, #tpu.memory_space<vmem>>
      %dma_wait3A_1468 = tpu.memref_squeeze %dma_wait3A_1467 : memref<1x1x56x64xf32, #tpu.memory_space<vmem>> -> memref<56x64xf32, #tpu.memory_space<vmem>>
      %dma_wait3A_1469 = arith.constant 0 : i32
      %dma_wait3A_1470 = arith.constant 0 : i32
      %dma_wait3A_1471 = tpu.memref_slice %arg3[%dma_wait3A_1469, %dma_wait3A_1470] : memref<100000x64xf32, #tpu.memory_space<hbm>> -> memref<56x64xf32, #tpu.memory_space<hbm>>
      %dma_wait3A_1472 = arith.constant 0 : i32
      %dma_wait3A_1473 = arith.constant 0 : i32
      %dma_wait3A_1474 = tpu.memref_slice %arg6[%dma_wait3A_1463, %dma_wait3A_1464, %dma_wait3A_1472, %dma_wait3A_1473] : memref<2x8x56x64xf32, #tpu.memory_space<vmem>> -> memref<1x1x56x64xf32, #tpu.memory_space<vmem>>
      %dma_wait3A_1475 = tpu.memref_squeeze %dma_wait3A_1474 : memref<1x1x56x64xf32, #tpu.memory_space<vmem>> -> memref<56x64xf32, #tpu.memory_space<vmem>>
      %dma_wait3A_1476 = arith.constant 0 : i32
      %dma_wait3A_1477 = arith.constant 0 : i32
      %dma_wait3A_1478 = tpu.memref_slice %arg3[%dma_wait3A_1476, %dma_wait3A_1477] : memref<100000x64xf32, #tpu.memory_space<hbm>> -> memref<56x64xf32, #tpu.memory_space<hbm>>
      tpu.wait_dma2 semaphore(%arg8 : memref<!tpu.dma_semaphore, #tpu.memory_space<semaphore_mem>>) src(%dma_wait3A_1478 : memref<56x64xf32, #tpu.memory_space<hbm>>) dst(%dma_wait3A_1475 : memref<56x64xf32, #tpu.memory_space<vmem>>)
      %dma_wait3A_1479 = arith.constant 1 : i32
      %dma_wait3A_1480 = arith.constant 3 : i32
      %dma_wait3A_1481 = arith.constant 0 : i32
      %dma_wait3A_1482 = arith.constant 0 : i32
      %dma_wait3A_1483 = tpu.memref_slice %arg6[%dma_wait3A_1479, %dma_wait3A_1480, %dma_wait3A_1481, %dma_wait3A_1482] : memref<2x8x56x64xf32, #tpu.memory_space<vmem>> -> memref<1x1x56x64xf32, #tpu.memory_space<vmem>>
      %dma_wait3A_1484 = tpu.memref_squeeze %dma_wait3A_1483 : memref<1x1x56x64xf32, #tpu.memory_space<vmem>> -> memref<56x64xf32, #tpu.memory_space<vmem>>
      %dma_wait3A_1485 = arith.constant 0 : i32
      %dma_wait3A_1486 = arith.constant 0 : i32
      %dma_wait3A_1487 = tpu.memref_slice %arg3[%dma_wait3A_1485, %dma_wait3A_1486] : memref<100000x64xf32, #tpu.memory_space<hbm>> -> memref<56x64xf32, #tpu.memory_space<hbm>>
      %dma_wait3A_1488 = arith.constant 0 : i32
      %dma_wait3A_1489 = arith.constant 0 : i32
      %dma_wait3A_1490 = tpu.memref_slice %arg6[%dma_wait3A_1479, %dma_wait3A_1480, %dma_wait3A_1488, %dma_wait3A_1489] : memref<2x8x56x64xf32, #tpu.memory_space<vmem>> -> memref<1x1x56x64xf32, #tpu.memory_space<vmem>>
      %dma_wait3A_1491 = tpu.memref_squeeze %dma_wait3A_1490 : memref<1x1x56x64xf32, #tpu.memory_space<vmem>> -> memref<56x64xf32, #tpu.memory_space<vmem>>
      %dma_wait3A_1492 = arith.constant 0 : i32
      %dma_wait3A_1493 = arith.constant 0 : i32
      %dma_wait3A_1494 = tpu.memref_slice %arg3[%dma_wait3A_1492, %dma_wait3A_1493] : memref<100000x64xf32, #tpu.memory_space<hbm>> -> memref<56x64xf32, #tpu.memory_space<hbm>>
      tpu.wait_dma2 semaphore(%arg8 : memref<!tpu.dma_semaphore, #tpu.memory_space<semaphore_mem>>) src(%dma_wait3A_1494 : memref<56x64xf32, #tpu.memory_space<hbm>>) dst(%dma_wait3A_1491 : memref<56x64xf32, #tpu.memory_space<vmem>>)
      %dma_wait3A_1495 = arith.constant 1 : i32
      %dma_wait3A_1496 = arith.constant 4 : i32
      %dma_wait3A_1497 = arith.constant 0 : i32
      %dma_wait3A_1498 = arith.constant 0 : i32
      %dma_wait3A_1499 = tpu.memref_slice %arg6[%dma_wait3A_1495, %dma_wait3A_1496, %dma_wait3A_1497, %dma_wait3A_1498] : memref<2x8x56x64xf32, #tpu.memory_space<vmem>> -> memref<1x1x56x64xf32, #tpu.memory_space<vmem>>
      %dma_wait3A_1500 = tpu.memref_squeeze %dma_wait3A_1499 : memref<1x1x56x64xf32, #tpu.memory_space<vmem>> -> memref<56x64xf32, #tpu.memory_space<vmem>>
      %dma_wait3A_1501 = arith.constant 0 : i32
      %dma_wait3A_1502 = arith.constant 0 : i32
      %dma_wait3A_1503 = tpu.memref_slice %arg3[%dma_wait3A_1501, %dma_wait3A_1502] : memref<100000x64xf32, #tpu.memory_space<hbm>> -> memref<56x64xf32, #tpu.memory_space<hbm>>
      %dma_wait3A_1504 = arith.constant 0 : i32
      %dma_wait3A_1505 = arith.constant 0 : i32
      %dma_wait3A_1506 = tpu.memref_slice %arg6[%dma_wait3A_1495, %dma_wait3A_1496, %dma_wait3A_1504, %dma_wait3A_1505] : memref<2x8x56x64xf32, #tpu.memory_space<vmem>> -> memref<1x1x56x64xf32, #tpu.memory_space<vmem>>
      %dma_wait3A_1507 = tpu.memref_squeeze %dma_wait3A_1506 : memref<1x1x56x64xf32, #tpu.memory_space<vmem>> -> memref<56x64xf32, #tpu.memory_space<vmem>>
      %dma_wait3A_1508 = arith.constant 0 : i32
      %dma_wait3A_1509 = arith.constant 0 : i32
      %dma_wait3A_1510 = tpu.memref_slice %arg3[%dma_wait3A_1508, %dma_wait3A_1509] : memref<100000x64xf32, #tpu.memory_space<hbm>> -> memref<56x64xf32, #tpu.memory_space<hbm>>
      tpu.wait_dma2 semaphore(%arg8 : memref<!tpu.dma_semaphore, #tpu.memory_space<semaphore_mem>>) src(%dma_wait3A_1510 : memref<56x64xf32, #tpu.memory_space<hbm>>) dst(%dma_wait3A_1507 : memref<56x64xf32, #tpu.memory_space<vmem>>)
      %dma_wait3A_1511 = arith.constant 1 : i32
      %dma_wait3A_1512 = arith.constant 5 : i32
      %dma_wait3A_1513 = arith.constant 0 : i32
      %dma_wait3A_1514 = arith.constant 0 : i32
      %dma_wait3A_1515 = tpu.memref_slice %arg6[%dma_wait3A_1511, %dma_wait3A_1512, %dma_wait3A_1513, %dma_wait3A_1514] : memref<2x8x56x64xf32, #tpu.memory_space<vmem>> -> memref<1x1x56x64xf32, #tpu.memory_space<vmem>>
      %dma_wait3A_1516 = tpu.memref_squeeze %dma_wait3A_1515 : memref<1x1x56x64xf32, #tpu.memory_space<vmem>> -> memref<56x64xf32, #tpu.memory_space<vmem>>
      %dma_wait3A_1517 = arith.constant 0 : i32
      %dma_wait3A_1518 = arith.constant 0 : i32
      %dma_wait3A_1519 = tpu.memref_slice %arg3[%dma_wait3A_1517, %dma_wait3A_1518] : memref<100000x64xf32, #tpu.memory_space<hbm>> -> memref<56x64xf32, #tpu.memory_space<hbm>>
      %dma_wait3A_1520 = arith.constant 0 : i32
      %dma_wait3A_1521 = arith.constant 0 : i32
      %dma_wait3A_1522 = tpu.memref_slice %arg6[%dma_wait3A_1511, %dma_wait3A_1512, %dma_wait3A_1520, %dma_wait3A_1521] : memref<2x8x56x64xf32, #tpu.memory_space<vmem>> -> memref<1x1x56x64xf32, #tpu.memory_space<vmem>>
      %dma_wait3A_1523 = tpu.memref_squeeze %dma_wait3A_1522 : memref<1x1x56x64xf32, #tpu.memory_space<vmem>> -> memref<56x64xf32, #tpu.memory_space<vmem>>
      %dma_wait3A_1524 = arith.constant 0 : i32
      %dma_wait3A_1525 = arith.constant 0 : i32
      %dma_wait3A_1526 = tpu.memref_slice %arg3[%dma_wait3A_1524, %dma_wait3A_1525] : memref<100000x64xf32, #tpu.memory_space<hbm>> -> memref<56x64xf32, #tpu.memory_space<hbm>>
      tpu.wait_dma2 semaphore(%arg8 : memref<!tpu.dma_semaphore, #tpu.memory_space<semaphore_mem>>) src(%dma_wait3A_1526 : memref<56x64xf32, #tpu.memory_space<hbm>>) dst(%dma_wait3A_1523 : memref<56x64xf32, #tpu.memory_space<vmem>>)
      %dma_wait3A_1527 = arith.constant 1 : i32
      %dma_wait3A_1528 = arith.constant 6 : i32
      %dma_wait3A_1529 = arith.constant 0 : i32
      %dma_wait3A_1530 = arith.constant 0 : i32
      %dma_wait3A_1531 = tpu.memref_slice %arg6[%dma_wait3A_1527, %dma_wait3A_1528, %dma_wait3A_1529, %dma_wait3A_1530] : memref<2x8x56x64xf32, #tpu.memory_space<vmem>> -> memref<1x1x56x64xf32, #tpu.memory_space<vmem>>
      %dma_wait3A_1532 = tpu.memref_squeeze %dma_wait3A_1531 : memref<1x1x56x64xf32, #tpu.memory_space<vmem>> -> memref<56x64xf32, #tpu.memory_space<vmem>>
      %dma_wait3A_1533 = arith.constant 0 : i32
      %dma_wait3A_1534 = arith.constant 0 : i32
      %dma_wait3A_1535 = tpu.memref_slice %arg3[%dma_wait3A_1533, %dma_wait3A_1534] : memref<100000x64xf32, #tpu.memory_space<hbm>> -> memref<56x64xf32, #tpu.memory_space<hbm>>
      %dma_wait3A_1536 = arith.constant 0 : i32
      %dma_wait3A_1537 = arith.constant 0 : i32
      %dma_wait3A_1538 = tpu.memref_slice %arg6[%dma_wait3A_1527, %dma_wait3A_1528, %dma_wait3A_1536, %dma_wait3A_1537] : memref<2x8x56x64xf32, #tpu.memory_space<vmem>> -> memref<1x1x56x64xf32, #tpu.memory_space<vmem>>
      %dma_wait3A_1539 = tpu.memref_squeeze %dma_wait3A_1538 : memref<1x1x56x64xf32, #tpu.memory_space<vmem>> -> memref<56x64xf32, #tpu.memory_space<vmem>>
      %dma_wait3A_1540 = arith.constant 0 : i32
      %dma_wait3A_1541 = arith.constant 0 : i32
      %dma_wait3A_1542 = tpu.memref_slice %arg3[%dma_wait3A_1540, %dma_wait3A_1541] : memref<100000x64xf32, #tpu.memory_space<hbm>> -> memref<56x64xf32, #tpu.memory_space<hbm>>
      tpu.wait_dma2 semaphore(%arg8 : memref<!tpu.dma_semaphore, #tpu.memory_space<semaphore_mem>>) src(%dma_wait3A_1542 : memref<56x64xf32, #tpu.memory_space<hbm>>) dst(%dma_wait3A_1539 : memref<56x64xf32, #tpu.memory_space<vmem>>)
      %dma_wait3A_1543 = arith.constant 1 : i32
      %dma_wait3A_1544 = arith.constant 7 : i32
      %dma_wait3A_1545 = arith.constant 0 : i32
      %dma_wait3A_1546 = arith.constant 0 : i32
      %dma_wait3A_1547 = tpu.memref_slice %arg6[%dma_wait3A_1543, %dma_wait3A_1544, %dma_wait3A_1545, %dma_wait3A_1546] : memref<2x8x56x64xf32, #tpu.memory_space<vmem>> -> memref<1x1x56x64xf32, #tpu.memory_space<vmem>>
      %dma_wait3A_1548 = tpu.memref_squeeze %dma_wait3A_1547 : memref<1x1x56x64xf32, #tpu.memory_space<vmem>> -> memref<56x64xf32, #tpu.memory_space<vmem>>
      %dma_wait3A_1549 = arith.constant 0 : i32
      %dma_wait3A_1550 = arith.constant 0 : i32
      %dma_wait3A_1551 = tpu.memref_slice %arg3[%dma_wait3A_1549, %dma_wait3A_1550] : memref<100000x64xf32, #tpu.memory_space<hbm>> -> memref<56x64xf32, #tpu.memory_space<hbm>>
      %dma_wait3A_1552 = arith.constant 0 : i32
      %dma_wait3A_1553 = arith.constant 0 : i32
      %dma_wait3A_1554 = tpu.memref_slice %arg6[%dma_wait3A_1543, %dma_wait3A_1544, %dma_wait3A_1552, %dma_wait3A_1553] : memref<2x8x56x64xf32, #tpu.memory_space<vmem>> -> memref<1x1x56x64xf32, #tpu.memory_space<vmem>>
      %dma_wait3A_1555 = tpu.memref_squeeze %dma_wait3A_1554 : memref<1x1x56x64xf32, #tpu.memory_space<vmem>> -> memref<56x64xf32, #tpu.memory_space<vmem>>
      %dma_wait3A_1556 = arith.constant 0 : i32
      %dma_wait3A_1557 = arith.constant 0 : i32
      %dma_wait3A_1558 = tpu.memref_slice %arg3[%dma_wait3A_1556, %dma_wait3A_1557] : memref<100000x64xf32, #tpu.memory_space<hbm>> -> memref<56x64xf32, #tpu.memory_space<hbm>>
      tpu.wait_dma2 semaphore(%arg8 : memref<!tpu.dma_semaphore, #tpu.memory_space<semaphore_mem>>) src(%dma_wait3A_1558 : memref<56x64xf32, #tpu.memory_space<hbm>>) dst(%dma_wait3A_1555 : memref<56x64xf32, #tpu.memory_space<vmem>>)
      %add3A_1559 = arith.constant 1 : i32
      %add3A_1560 = arith.addi %add3A_847, %add3A_1559 : i32
      %mul3A_1561 = arith.constant 8 : i32
      %mul3A_1562 = arith.muli %add3A_1560, %mul3A_1561 : i32
      %add3A_1563 = arith.addi %mul3A_2, %mul3A_1562 : i32
      %add3A_1564 = arith.constant 0 : i32
      %add3A_1565 = arith.addi %add3A_1563, %add3A_1564 : i32
      %dma_start3A_1566 = arith.constant 1 : i32
      %dma_start3A_1567 = arith.constant 0 : i32
      %dma_start3A_1568 = arith.constant 0 : i32
      %dma_start3A_1569 = arith.constant 0 : i32
      %dma_start3A_1570 = tpu.memref_slice %arg6[%dma_start3A_1566, %dma_start3A_1567, %dma_start3A_1568, %dma_start3A_1569] : memref<2x8x56x64xf32, #tpu.memory_space<vmem>> -> memref<1x1x50x64xf32, #tpu.memory_space<vmem>>
      %dma_start3A_1571 = tpu.memref_squeeze %dma_start3A_1570 : memref<1x1x50x64xf32, #tpu.memory_space<vmem>> -> memref<1x50x64xf32, #tpu.memory_space<vmem>>
      %dma_start3A_1572 = arith.constant 0 : i32
      %dma_start3A_1573 = arith.constant 0 : i32
      %dma_start3A_1574 = tpu.memref_slice %arg4[%add3A_1565, %dma_start3A_1572, %dma_start3A_1573] : memref<4096x50x64xf32, #tpu.memory_space<hbm>> -> memref<1x50x64xf32, #tpu.memory_space<hbm>>
      %dma_start3A_1575 = arith.constant 0 : i32
      %dma_start3A_1576 = arith.constant 0 : i32
      %dma_start3A_1577 = tpu.memref_slice %arg4[%add3A_1565, %dma_start3A_1575, %dma_start3A_1576] : memref<4096x50x64xf32, #tpu.memory_space<hbm>> -> memref<1x50x64xf32, #tpu.memory_space<hbm>>
      %dma_start3A_1578 = arith.constant 0 : i32
      %dma_start3A_1579 = arith.constant 0 : i32
      %dma_start3A_1580 = arith.constant 0 : i32
      %dma_start3A_1581 = tpu.memref_slice %arg6[%dma_start3A_1566, %dma_start3A_1578, %dma_start3A_1579, %dma_start3A_1580] : memref<2x8x56x64xf32, #tpu.memory_space<vmem>> -> memref<1x1x50x64xf32, #tpu.memory_space<vmem>>
      %dma_start3A_1582 = tpu.memref_squeeze %dma_start3A_1581 : memref<1x1x50x64xf32, #tpu.memory_space<vmem>> -> memref<1x50x64xf32, #tpu.memory_space<vmem>>
      tpu.enqueue_dma source(%dma_start3A_1582 : memref<1x50x64xf32, #tpu.memory_space<vmem>>) target(%dma_start3A_1577 : memref<1x50x64xf32, #tpu.memory_space<hbm>>) target_semaphore(%arg10 : memref<!tpu.dma_semaphore, #tpu.memory_space<semaphore_mem>>)
      %mul3A_1583 = arith.constant 8 : i32
      %mul3A_1584 = arith.muli %add3A_1560, %mul3A_1583 : i32
      %add3A_1585 = arith.addi %mul3A_2, %mul3A_1584 : i32
      %add3A_1586 = arith.constant 1 : i32
      %add3A_1587 = arith.addi %add3A_1585, %add3A_1586 : i32
      %dma_start3A_1588 = arith.constant 1 : i32
      %dma_start3A_1589 = arith.constant 1 : i32
      %dma_start3A_1590 = arith.constant 0 : i32
      %dma_start3A_1591 = arith.constant 0 : i32
      %dma_start3A_1592 = tpu.memref_slice %arg6[%dma_start3A_1588, %dma_start3A_1589, %dma_start3A_1590, %dma_start3A_1591] : memref<2x8x56x64xf32, #tpu.memory_space<vmem>> -> memref<1x1x50x64xf32, #tpu.memory_space<vmem>>
      %dma_start3A_1593 = tpu.memref_squeeze %dma_start3A_1592 : memref<1x1x50x64xf32, #tpu.memory_space<vmem>> -> memref<1x50x64xf32, #tpu.memory_space<vmem>>
      %dma_start3A_1594 = arith.constant 0 : i32
      %dma_start3A_1595 = arith.constant 0 : i32
      %dma_start3A_1596 = tpu.memref_slice %arg4[%add3A_1587, %dma_start3A_1594, %dma_start3A_1595] : memref<4096x50x64xf32, #tpu.memory_space<hbm>> -> memref<1x50x64xf32, #tpu.memory_space<hbm>>
      %dma_start3A_1597 = arith.constant 0 : i32
      %dma_start3A_1598 = arith.constant 0 : i32
      %dma_start3A_1599 = tpu.memref_slice %arg4[%add3A_1587, %dma_start3A_1597, %dma_start3A_1598] : memref<4096x50x64xf32, #tpu.memory_space<hbm>> -> memref<1x50x64xf32, #tpu.memory_space<hbm>>
      %dma_start3A_1600 = arith.constant 1 : i32
      %dma_start3A_1601 = arith.constant 0 : i32
      %dma_start3A_1602 = arith.constant 0 : i32
      %dma_start3A_1603 = tpu.memref_slice %arg6[%dma_start3A_1588, %dma_start3A_1600, %dma_start3A_1601, %dma_start3A_1602] : memref<2x8x56x64xf32, #tpu.memory_space<vmem>> -> memref<1x1x50x64xf32, #tpu.memory_space<vmem>>
      %dma_start3A_1604 = tpu.memref_squeeze %dma_start3A_1603 : memref<1x1x50x64xf32, #tpu.memory_space<vmem>> -> memref<1x50x64xf32, #tpu.memory_space<vmem>>
      tpu.enqueue_dma source(%dma_start3A_1604 : memref<1x50x64xf32, #tpu.memory_space<vmem>>) target(%dma_start3A_1599 : memref<1x50x64xf32, #tpu.memory_space<hbm>>) target_semaphore(%arg10 : memref<!tpu.dma_semaphore, #tpu.memory_space<semaphore_mem>>)
      %mul3A_1605 = arith.constant 8 : i32
      %mul3A_1606 = arith.muli %add3A_1560, %mul3A_1605 : i32
      %add3A_1607 = arith.addi %mul3A_2, %mul3A_1606 : i32
      %add3A_1608 = arith.constant 2 : i32
      %add3A_1609 = arith.addi %add3A_1607, %add3A_1608 : i32
      %dma_start3A_1610 = arith.constant 1 : i32
      %dma_start3A_1611 = arith.constant 2 : i32
      %dma_start3A_1612 = arith.constant 0 : i32
      %dma_start3A_1613 = arith.constant 0 : i32
      %dma_start3A_1614 = tpu.memref_slice %arg6[%dma_start3A_1610, %dma_start3A_1611, %dma_start3A_1612, %dma_start3A_1613] : memref<2x8x56x64xf32, #tpu.memory_space<vmem>> -> memref<1x1x50x64xf32, #tpu.memory_space<vmem>>
      %dma_start3A_1615 = tpu.memref_squeeze %dma_start3A_1614 : memref<1x1x50x64xf32, #tpu.memory_space<vmem>> -> memref<1x50x64xf32, #tpu.memory_space<vmem>>
      %dma_start3A_1616 = arith.constant 0 : i32
      %dma_start3A_1617 = arith.constant 0 : i32
      %dma_start3A_1618 = tpu.memref_slice %arg4[%add3A_1609, %dma_start3A_1616, %dma_start3A_1617] : memref<4096x50x64xf32, #tpu.memory_space<hbm>> -> memref<1x50x64xf32, #tpu.memory_space<hbm>>
      %dma_start3A_1619 = arith.constant 0 : i32
      %dma_start3A_1620 = arith.constant 0 : i32
      %dma_start3A_1621 = tpu.memref_slice %arg4[%add3A_1609, %dma_start3A_1619, %dma_start3A_1620] : memref<4096x50x64xf32, #tpu.memory_space<hbm>> -> memref<1x50x64xf32, #tpu.memory_space<hbm>>
      %dma_start3A_1622 = arith.constant 2 : i32
      %dma_start3A_1623 = arith.constant 0 : i32
      %dma_start3A_1624 = arith.constant 0 : i32
      %dma_start3A_1625 = tpu.memref_slice %arg6[%dma_start3A_1610, %dma_start3A_1622, %dma_start3A_1623, %dma_start3A_1624] : memref<2x8x56x64xf32, #tpu.memory_space<vmem>> -> memref<1x1x50x64xf32, #tpu.memory_space<vmem>>
      %dma_start3A_1626 = tpu.memref_squeeze %dma_start3A_1625 : memref<1x1x50x64xf32, #tpu.memory_space<vmem>> -> memref<1x50x64xf32, #tpu.memory_space<vmem>>
      tpu.enqueue_dma source(%dma_start3A_1626 : memref<1x50x64xf32, #tpu.memory_space<vmem>>) target(%dma_start3A_1621 : memref<1x50x64xf32, #tpu.memory_space<hbm>>) target_semaphore(%arg10 : memref<!tpu.dma_semaphore, #tpu.memory_space<semaphore_mem>>)
      %mul3A_1627 = arith.constant 8 : i32
      %mul3A_1628 = arith.muli %add3A_1560, %mul3A_1627 : i32
      %add3A_1629 = arith.addi %mul3A_2, %mul3A_1628 : i32
      %add3A_1630 = arith.constant 3 : i32
      %add3A_1631 = arith.addi %add3A_1629, %add3A_1630 : i32
      %dma_start3A_1632 = arith.constant 1 : i32
      %dma_start3A_1633 = arith.constant 3 : i32
      %dma_start3A_1634 = arith.constant 0 : i32
      %dma_start3A_1635 = arith.constant 0 : i32
      %dma_start3A_1636 = tpu.memref_slice %arg6[%dma_start3A_1632, %dma_start3A_1633, %dma_start3A_1634, %dma_start3A_1635] : memref<2x8x56x64xf32, #tpu.memory_space<vmem>> -> memref<1x1x50x64xf32, #tpu.memory_space<vmem>>
      %dma_start3A_1637 = tpu.memref_squeeze %dma_start3A_1636 : memref<1x1x50x64xf32, #tpu.memory_space<vmem>> -> memref<1x50x64xf32, #tpu.memory_space<vmem>>
      %dma_start3A_1638 = arith.constant 0 : i32
      %dma_start3A_1639 = arith.constant 0 : i32
      %dma_start3A_1640 = tpu.memref_slice %arg4[%add3A_1631, %dma_start3A_1638, %dma_start3A_1639] : memref<4096x50x64xf32, #tpu.memory_space<hbm>> -> memref<1x50x64xf32, #tpu.memory_space<hbm>>
      %dma_start3A_1641 = arith.constant 0 : i32
      %dma_start3A_1642 = arith.constant 0 : i32
      %dma_start3A_1643 = tpu.memref_slice %arg4[%add3A_1631, %dma_start3A_1641, %dma_start3A_1642] : memref<4096x50x64xf32, #tpu.memory_space<hbm>> -> memref<1x50x64xf32, #tpu.memory_space<hbm>>
      %dma_start3A_1644 = arith.constant 3 : i32
      %dma_start3A_1645 = arith.constant 0 : i32
      %dma_start3A_1646 = arith.constant 0 : i32
      %dma_start3A_1647 = tpu.memref_slice %arg6[%dma_start3A_1632, %dma_start3A_1644, %dma_start3A_1645, %dma_start3A_1646] : memref<2x8x56x64xf32, #tpu.memory_space<vmem>> -> memref<1x1x50x64xf32, #tpu.memory_space<vmem>>
      %dma_start3A_1648 = tpu.memref_squeeze %dma_start3A_1647 : memref<1x1x50x64xf32, #tpu.memory_space<vmem>> -> memref<1x50x64xf32, #tpu.memory_space<vmem>>
      tpu.enqueue_dma source(%dma_start3A_1648 : memref<1x50x64xf32, #tpu.memory_space<vmem>>) target(%dma_start3A_1643 : memref<1x50x64xf32, #tpu.memory_space<hbm>>) target_semaphore(%arg10 : memref<!tpu.dma_semaphore, #tpu.memory_space<semaphore_mem>>)
      %mul3A_1649 = arith.constant 8 : i32
      %mul3A_1650 = arith.muli %add3A_1560, %mul3A_1649 : i32
      %add3A_1651 = arith.addi %mul3A_2, %mul3A_1650 : i32
      %add3A_1652 = arith.constant 4 : i32
      %add3A_1653 = arith.addi %add3A_1651, %add3A_1652 : i32
      %dma_start3A_1654 = arith.constant 1 : i32
      %dma_start3A_1655 = arith.constant 4 : i32
      %dma_start3A_1656 = arith.constant 0 : i32
      %dma_start3A_1657 = arith.constant 0 : i32
      %dma_start3A_1658 = tpu.memref_slice %arg6[%dma_start3A_1654, %dma_start3A_1655, %dma_start3A_1656, %dma_start3A_1657] : memref<2x8x56x64xf32, #tpu.memory_space<vmem>> -> memref<1x1x50x64xf32, #tpu.memory_space<vmem>>
      %dma_start3A_1659 = tpu.memref_squeeze %dma_start3A_1658 : memref<1x1x50x64xf32, #tpu.memory_space<vmem>> -> memref<1x50x64xf32, #tpu.memory_space<vmem>>
      %dma_start3A_1660 = arith.constant 0 : i32
      %dma_start3A_1661 = arith.constant 0 : i32
      %dma_start3A_1662 = tpu.memref_slice %arg4[%add3A_1653, %dma_start3A_1660, %dma_start3A_1661] : memref<4096x50x64xf32, #tpu.memory_space<hbm>> -> memref<1x50x64xf32, #tpu.memory_space<hbm>>
      %dma_start3A_1663 = arith.constant 0 : i32
      %dma_start3A_1664 = arith.constant 0 : i32
      %dma_start3A_1665 = tpu.memref_slice %arg4[%add3A_1653, %dma_start3A_1663, %dma_start3A_1664] : memref<4096x50x64xf32, #tpu.memory_space<hbm>> -> memref<1x50x64xf32, #tpu.memory_space<hbm>>
      %dma_start3A_1666 = arith.constant 4 : i32
      %dma_start3A_1667 = arith.constant 0 : i32
      %dma_start3A_1668 = arith.constant 0 : i32
      %dma_start3A_1669 = tpu.memref_slice %arg6[%dma_start3A_1654, %dma_start3A_1666, %dma_start3A_1667, %dma_start3A_1668] : memref<2x8x56x64xf32, #tpu.memory_space<vmem>> -> memref<1x1x50x64xf32, #tpu.memory_space<vmem>>
      %dma_start3A_1670 = tpu.memref_squeeze %dma_start3A_1669 : memref<1x1x50x64xf32, #tpu.memory_space<vmem>> -> memref<1x50x64xf32, #tpu.memory_space<vmem>>
      tpu.enqueue_dma source(%dma_start3A_1670 : memref<1x50x64xf32, #tpu.memory_space<vmem>>) target(%dma_start3A_1665 : memref<1x50x64xf32, #tpu.memory_space<hbm>>) target_semaphore(%arg10 : memref<!tpu.dma_semaphore, #tpu.memory_space<semaphore_mem>>)
      %mul3A_1671 = arith.constant 8 : i32
      %mul3A_1672 = arith.muli %add3A_1560, %mul3A_1671 : i32
      %add3A_1673 = arith.addi %mul3A_2, %mul3A_1672 : i32
      %add3A_1674 = arith.constant 5 : i32
      %add3A_1675 = arith.addi %add3A_1673, %add3A_1674 : i32
      %dma_start3A_1676 = arith.constant 1 : i32
      %dma_start3A_1677 = arith.constant 5 : i32
      %dma_start3A_1678 = arith.constant 0 : i32
      %dma_start3A_1679 = arith.constant 0 : i32
      %dma_start3A_1680 = tpu.memref_slice %arg6[%dma_start3A_1676, %dma_start3A_1677, %dma_start3A_1678, %dma_start3A_1679] : memref<2x8x56x64xf32, #tpu.memory_space<vmem>> -> memref<1x1x50x64xf32, #tpu.memory_space<vmem>>
      %dma_start3A_1681 = tpu.memref_squeeze %dma_start3A_1680 : memref<1x1x50x64xf32, #tpu.memory_space<vmem>> -> memref<1x50x64xf32, #tpu.memory_space<vmem>>
      %dma_start3A_1682 = arith.constant 0 : i32
      %dma_start3A_1683 = arith.constant 0 : i32
      %dma_start3A_1684 = tpu.memref_slice %arg4[%add3A_1675, %dma_start3A_1682, %dma_start3A_1683] : memref<4096x50x64xf32, #tpu.memory_space<hbm>> -> memref<1x50x64xf32, #tpu.memory_space<hbm>>
      %dma_start3A_1685 = arith.constant 0 : i32
      %dma_start3A_1686 = arith.constant 0 : i32
      %dma_start3A_1687 = tpu.memref_slice %arg4[%add3A_1675, %dma_start3A_1685, %dma_start3A_1686] : memref<4096x50x64xf32, #tpu.memory_space<hbm>> -> memref<1x50x64xf32, #tpu.memory_space<hbm>>
      %dma_start3A_1688 = arith.constant 5 : i32
      %dma_start3A_1689 = arith.constant 0 : i32
      %dma_start3A_1690 = arith.constant 0 : i32
      %dma_start3A_1691 = tpu.memref_slice %arg6[%dma_start3A_1676, %dma_start3A_1688, %dma_start3A_1689, %dma_start3A_1690] : memref<2x8x56x64xf32, #tpu.memory_space<vmem>> -> memref<1x1x50x64xf32, #tpu.memory_space<vmem>>
      %dma_start3A_1692 = tpu.memref_squeeze %dma_start3A_1691 : memref<1x1x50x64xf32, #tpu.memory_space<vmem>> -> memref<1x50x64xf32, #tpu.memory_space<vmem>>
      tpu.enqueue_dma source(%dma_start3A_1692 : memref<1x50x64xf32, #tpu.memory_space<vmem>>) target(%dma_start3A_1687 : memref<1x50x64xf32, #tpu.memory_space<hbm>>) target_semaphore(%arg10 : memref<!tpu.dma_semaphore, #tpu.memory_space<semaphore_mem>>)
      %mul3A_1693 = arith.constant 8 : i32
      %mul3A_1694 = arith.muli %add3A_1560, %mul3A_1693 : i32
      %add3A_1695 = arith.addi %mul3A_2, %mul3A_1694 : i32
      %add3A_1696 = arith.constant 6 : i32
      %add3A_1697 = arith.addi %add3A_1695, %add3A_1696 : i32
      %dma_start3A_1698 = arith.constant 1 : i32
      %dma_start3A_1699 = arith.constant 6 : i32
      %dma_start3A_1700 = arith.constant 0 : i32
      %dma_start3A_1701 = arith.constant 0 : i32
      %dma_start3A_1702 = tpu.memref_slice %arg6[%dma_start3A_1698, %dma_start3A_1699, %dma_start3A_1700, %dma_start3A_1701] : memref<2x8x56x64xf32, #tpu.memory_space<vmem>> -> memref<1x1x50x64xf32, #tpu.memory_space<vmem>>
      %dma_start3A_1703 = tpu.memref_squeeze %dma_start3A_1702 : memref<1x1x50x64xf32, #tpu.memory_space<vmem>> -> memref<1x50x64xf32, #tpu.memory_space<vmem>>
      %dma_start3A_1704 = arith.constant 0 : i32
      %dma_start3A_1705 = arith.constant 0 : i32
      %dma_start3A_1706 = tpu.memref_slice %arg4[%add3A_1697, %dma_start3A_1704, %dma_start3A_1705] : memref<4096x50x64xf32, #tpu.memory_space<hbm>> -> memref<1x50x64xf32, #tpu.memory_space<hbm>>
      %dma_start3A_1707 = arith.constant 0 : i32
      %dma_start3A_1708 = arith.constant 0 : i32
      %dma_start3A_1709 = tpu.memref_slice %arg4[%add3A_1697, %dma_start3A_1707, %dma_start3A_1708] : memref<4096x50x64xf32, #tpu.memory_space<hbm>> -> memref<1x50x64xf32, #tpu.memory_space<hbm>>
      %dma_start3A_1710 = arith.constant 6 : i32
      %dma_start3A_1711 = arith.constant 0 : i32
      %dma_start3A_1712 = arith.constant 0 : i32
      %dma_start3A_1713 = tpu.memref_slice %arg6[%dma_start3A_1698, %dma_start3A_1710, %dma_start3A_1711, %dma_start3A_1712] : memref<2x8x56x64xf32, #tpu.memory_space<vmem>> -> memref<1x1x50x64xf32, #tpu.memory_space<vmem>>
      %dma_start3A_1714 = tpu.memref_squeeze %dma_start3A_1713 : memref<1x1x50x64xf32, #tpu.memory_space<vmem>> -> memref<1x50x64xf32, #tpu.memory_space<vmem>>
      tpu.enqueue_dma source(%dma_start3A_1714 : memref<1x50x64xf32, #tpu.memory_space<vmem>>) target(%dma_start3A_1709 : memref<1x50x64xf32, #tpu.memory_space<hbm>>) target_semaphore(%arg10 : memref<!tpu.dma_semaphore, #tpu.memory_space<semaphore_mem>>)
      %mul3A_1715 = arith.constant 8 : i32
      %mul3A_1716 = arith.muli %add3A_1560, %mul3A_1715 : i32
      %add3A_1717 = arith.addi %mul3A_2, %mul3A_1716 : i32
      %add3A_1718 = arith.constant 7 : i32
      %add3A_1719 = arith.addi %add3A_1717, %add3A_1718 : i32
      %dma_start3A_1720 = arith.constant 1 : i32
      %dma_start3A_1721 = arith.constant 7 : i32
      %dma_start3A_1722 = arith.constant 0 : i32
      %dma_start3A_1723 = arith.constant 0 : i32
      %dma_start3A_1724 = tpu.memref_slice %arg6[%dma_start3A_1720, %dma_start3A_1721, %dma_start3A_1722, %dma_start3A_1723] : memref<2x8x56x64xf32, #tpu.memory_space<vmem>> -> memref<1x1x50x64xf32, #tpu.memory_space<vmem>>
      %dma_start3A_1725 = tpu.memref_squeeze %dma_start3A_1724 : memref<1x1x50x64xf32, #tpu.memory_space<vmem>> -> memref<1x50x64xf32, #tpu.memory_space<vmem>>
      %dma_start3A_1726 = arith.constant 0 : i32
      %dma_start3A_1727 = arith.constant 0 : i32
      %dma_start3A_1728 = tpu.memref_slice %arg4[%add3A_1719, %dma_start3A_1726, %dma_start3A_1727] : memref<4096x50x64xf32, #tpu.memory_space<hbm>> -> memref<1x50x64xf32, #tpu.memory_space<hbm>>
      %dma_start3A_1729 = arith.constant 0 : i32
      %dma_start3A_1730 = arith.constant 0 : i32
      %dma_start3A_1731 = tpu.memref_slice %arg4[%add3A_1719, %dma_start3A_1729, %dma_start3A_1730] : memref<4096x50x64xf32, #tpu.memory_space<hbm>> -> memref<1x50x64xf32, #tpu.memory_space<hbm>>
      %dma_start3A_1732 = arith.constant 7 : i32
      %dma_start3A_1733 = arith.constant 0 : i32
      %dma_start3A_1734 = arith.constant 0 : i32
      %dma_start3A_1735 = tpu.memref_slice %arg6[%dma_start3A_1720, %dma_start3A_1732, %dma_start3A_1733, %dma_start3A_1734] : memref<2x8x56x64xf32, #tpu.memory_space<vmem>> -> memref<1x1x50x64xf32, #tpu.memory_space<vmem>>
      %dma_start3A_1736 = tpu.memref_squeeze %dma_start3A_1735 : memref<1x1x50x64xf32, #tpu.memory_space<vmem>> -> memref<1x50x64xf32, #tpu.memory_space<vmem>>
      tpu.enqueue_dma source(%dma_start3A_1736 : memref<1x50x64xf32, #tpu.memory_space<vmem>>) target(%dma_start3A_1731 : memref<1x50x64xf32, #tpu.memory_space<hbm>>) target_semaphore(%arg10 : memref<!tpu.dma_semaphore, #tpu.memory_space<semaphore_mem>>)
      %dma_wait3A_1737 = arith.constant 1 : i32
      %dma_wait3A_1738 = arith.constant 0 : i32
      %dma_wait3A_1739 = arith.constant 0 : i32
      %dma_wait3A_1740 = arith.constant 0 : i32
      %dma_wait3A_1741 = tpu.memref_slice %arg6[%dma_wait3A_1737, %dma_wait3A_1738, %dma_wait3A_1739, %dma_wait3A_1740] : memref<2x8x56x64xf32, #tpu.memory_space<vmem>> -> memref<1x8x50x64xf32, #tpu.memory_space<vmem>>
      %dma_wait3A_1742 = tpu.memref_squeeze %dma_wait3A_1741 : memref<1x8x50x64xf32, #tpu.memory_space<vmem>> -> memref<8x50x64xf32, #tpu.memory_space<vmem>>
      %dma_wait3A_1743 = arith.constant 0 : i32
      %dma_wait3A_1744 = arith.constant 0 : i32
      %dma_wait3A_1745 = arith.constant 0 : i32
      %dma_wait3A_1746 = tpu.memref_slice %arg4[%dma_wait3A_1743, %dma_wait3A_1744, %dma_wait3A_1745] : memref<4096x50x64xf32, #tpu.memory_space<hbm>> -> memref<8x50x64xf32, #tpu.memory_space<hbm>>
      %dma_wait3A_1747 = arith.constant 0 : i32
      %dma_wait3A_1748 = arith.constant 0 : i32
      %dma_wait3A_1749 = arith.constant 0 : i32
      %dma_wait3A_1750 = tpu.memref_slice %arg6[%dma_wait3A_1737, %dma_wait3A_1747, %dma_wait3A_1748, %dma_wait3A_1749] : memref<2x8x56x64xf32, #tpu.memory_space<vmem>> -> memref<1x8x50x64xf32, #tpu.memory_space<vmem>>
      %dma_wait3A_1751 = tpu.memref_squeeze %dma_wait3A_1750 : memref<1x8x50x64xf32, #tpu.memory_space<vmem>> -> memref<8x50x64xf32, #tpu.memory_space<vmem>>
      %dma_wait3A_1752 = arith.constant 0 : i32
      %dma_wait3A_1753 = arith.constant 0 : i32
      %dma_wait3A_1754 = arith.constant 0 : i32
      %dma_wait3A_1755 = tpu.memref_slice %arg4[%dma_wait3A_1752, %dma_wait3A_1753, %dma_wait3A_1754] : memref<4096x50x64xf32, #tpu.memory_space<hbm>> -> memref<8x50x64xf32, #tpu.memory_space<hbm>>
      tpu.wait_dma2 semaphore(%arg10 : memref<!tpu.dma_semaphore, #tpu.memory_space<semaphore_mem>>) src(%dma_wait3A_1755 : memref<8x50x64xf32, #tpu.memory_space<hbm>>) dst(%dma_wait3A_1751 : memref<8x50x64xf32, #tpu.memory_space<vmem>>)
    }
    %scan3A_109 = arith.constant 7 : i32
    %dma_start3A_110 = arith.constant 120 : i32
    %dma_start3A_111 = arith.constant 1 : i32
    %dma_start3A_112 = arith.constant 0 : i32
    %dma_start3A_113 = arith.constant 0 : i32
    %dma_start3A_114 = arith.constant 0 : i32
    %dma_start3A_115 = tpu.memref_slice %arg6[%dma_start3A_111, %dma_start3A_112, %dma_start3A_113, %dma_start3A_114] : memref<2x8x56x64xf32, #tpu.memory_space<vmem>> -> memref<1x1x56x64xf32, #tpu.memory_space<vmem>>
    %dma_start3A_116 = tpu.memref_squeeze %dma_start3A_115 : memref<1x1x56x64xf32, #tpu.memory_space<vmem>> -> memref<56x64xf32, #tpu.memory_space<vmem>>
    %dma_start3A_117 = arith.constant 0 : i32
    %dma_start3A_118 = tpu.memref_slice %arg5[%dma_start3A_110, %dma_start3A_117] : memref<128x128xi32, #tpu.memory_space<vmem>> -> memref<1x56xi32, #tpu.memory_space<vmem>>
    %dma_start3A_119 = tpu.memref_squeeze %dma_start3A_118 : memref<1x56xi32, #tpu.memory_space<vmem>> -> memref<56xi32, #tpu.memory_space<vmem>>
    %dma_start3A_120 = arith.constant 0 : i32
    %dma_start3A_121 = arith.constant 0 : i32
    %dma_start3A_122 = tpu.memref_slice %arg3[%dma_start3A_120, %dma_start3A_121] : memref<100000x64xf32, #tpu.memory_space<hbm>> -> memref<100000x64xf32, #tpu.memory_space<hbm>>
    tpu.enqueue_indirect_dma source(%dma_start3A_122 : memref<100000x64xf32, #tpu.memory_space<hbm>>) target(%dma_start3A_116 : memref<56x64xf32, #tpu.memory_space<vmem>>) offsets(%dma_start3A_119 : memref<56xi32, #tpu.memory_space<vmem>>) semaphore(%arg8 : memref<!tpu.dma_semaphore, #tpu.memory_space<semaphore_mem>>)
    %dma_start3A_123 = arith.constant 121 : i32
    %dma_start3A_124 = arith.constant 1 : i32
    %dma_start3A_125 = arith.constant 1 : i32
    %dma_start3A_126 = arith.constant 0 : i32
    %dma_start3A_127 = arith.constant 0 : i32
    %dma_start3A_128 = tpu.memref_slice %arg6[%dma_start3A_124, %dma_start3A_125, %dma_start3A_126, %dma_start3A_127] : memref<2x8x56x64xf32, #tpu.memory_space<vmem>> -> memref<1x1x56x64xf32, #tpu.memory_space<vmem>>
    %dma_start3A_129 = tpu.memref_squeeze %dma_start3A_128 : memref<1x1x56x64xf32, #tpu.memory_space<vmem>> -> memref<56x64xf32, #tpu.memory_space<vmem>>
    %dma_start3A_130 = arith.constant 0 : i32
    %dma_start3A_131 = tpu.memref_slice %arg5[%dma_start3A_123, %dma_start3A_130] : memref<128x128xi32, #tpu.memory_space<vmem>> -> memref<1x56xi32, #tpu.memory_space<vmem>>
    %dma_start3A_132 = tpu.memref_squeeze %dma_start3A_131 : memref<1x56xi32, #tpu.memory_space<vmem>> -> memref<56xi32, #tpu.memory_space<vmem>>
    %dma_start3A_133 = arith.constant 0 : i32
    %dma_start3A_134 = arith.constant 0 : i32
    %dma_start3A_135 = tpu.memref_slice %arg3[%dma_start3A_133, %dma_start3A_134] : memref<100000x64xf32, #tpu.memory_space<hbm>> -> memref<100000x64xf32, #tpu.memory_space<hbm>>
    tpu.enqueue_indirect_dma source(%dma_start3A_135 : memref<100000x64xf32, #tpu.memory_space<hbm>>) target(%dma_start3A_129 : memref<56x64xf32, #tpu.memory_space<vmem>>) offsets(%dma_start3A_132 : memref<56xi32, #tpu.memory_space<vmem>>) semaphore(%arg8 : memref<!tpu.dma_semaphore, #tpu.memory_space<semaphore_mem>>)
    %dma_start3A_136 = arith.constant 122 : i32
    %dma_start3A_137 = arith.constant 1 : i32
    %dma_start3A_138 = arith.constant 2 : i32
    %dma_start3A_139 = arith.constant 0 : i32
    %dma_start3A_140 = arith.constant 0 : i32
    %dma_start3A_141 = tpu.memref_slice %arg6[%dma_start3A_137, %dma_start3A_138, %dma_start3A_139, %dma_start3A_140] : memref<2x8x56x64xf32, #tpu.memory_space<vmem>> -> memref<1x1x56x64xf32, #tpu.memory_space<vmem>>
    %dma_start3A_142 = tpu.memref_squeeze %dma_start3A_141 : memref<1x1x56x64xf32, #tpu.memory_space<vmem>> -> memref<56x64xf32, #tpu.memory_space<vmem>>
    %dma_start3A_143 = arith.constant 0 : i32
    %dma_start3A_144 = tpu.memref_slice %arg5[%dma_start3A_136, %dma_start3A_143] : memref<128x128xi32, #tpu.memory_space<vmem>> -> memref<1x56xi32, #tpu.memory_space<vmem>>
    %dma_start3A_145 = tpu.memref_squeeze %dma_start3A_144 : memref<1x56xi32, #tpu.memory_space<vmem>> -> memref<56xi32, #tpu.memory_space<vmem>>
    %dma_start3A_146 = arith.constant 0 : i32
    %dma_start3A_147 = arith.constant 0 : i32
    %dma_start3A_148 = tpu.memref_slice %arg3[%dma_start3A_146, %dma_start3A_147] : memref<100000x64xf32, #tpu.memory_space<hbm>> -> memref<100000x64xf32, #tpu.memory_space<hbm>>
    tpu.enqueue_indirect_dma source(%dma_start3A_148 : memref<100000x64xf32, #tpu.memory_space<hbm>>) target(%dma_start3A_142 : memref<56x64xf32, #tpu.memory_space<vmem>>) offsets(%dma_start3A_145 : memref<56xi32, #tpu.memory_space<vmem>>) semaphore(%arg8 : memref<!tpu.dma_semaphore, #tpu.memory_space<semaphore_mem>>)
    %dma_start3A_149 = arith.constant 123 : i32
    %dma_start3A_150 = arith.constant 1 : i32
    %dma_start3A_151 = arith.constant 3 : i32
    %dma_start3A_152 = arith.constant 0 : i32
    %dma_start3A_153 = arith.constant 0 : i32
    %dma_start3A_154 = tpu.memref_slice %arg6[%dma_start3A_150, %dma_start3A_151, %dma_start3A_152, %dma_start3A_153] : memref<2x8x56x64xf32, #tpu.memory_space<vmem>> -> memref<1x1x56x64xf32, #tpu.memory_space<vmem>>
    %dma_start3A_155 = tpu.memref_squeeze %dma_start3A_154 : memref<1x1x56x64xf32, #tpu.memory_space<vmem>> -> memref<56x64xf32, #tpu.memory_space<vmem>>
    %dma_start3A_156 = arith.constant 0 : i32
    %dma_start3A_157 = tpu.memref_slice %arg5[%dma_start3A_149, %dma_start3A_156] : memref<128x128xi32, #tpu.memory_space<vmem>> -> memref<1x56xi32, #tpu.memory_space<vmem>>
    %dma_start3A_158 = tpu.memref_squeeze %dma_start3A_157 : memref<1x56xi32, #tpu.memory_space<vmem>> -> memref<56xi32, #tpu.memory_space<vmem>>
    %dma_start3A_159 = arith.constant 0 : i32
    %dma_start3A_160 = arith.constant 0 : i32
    %dma_start3A_161 = tpu.memref_slice %arg3[%dma_start3A_159, %dma_start3A_160] : memref<100000x64xf32, #tpu.memory_space<hbm>> -> memref<100000x64xf32, #tpu.memory_space<hbm>>
    tpu.enqueue_indirect_dma source(%dma_start3A_161 : memref<100000x64xf32, #tpu.memory_space<hbm>>) target(%dma_start3A_155 : memref<56x64xf32, #tpu.memory_space<vmem>>) offsets(%dma_start3A_158 : memref<56xi32, #tpu.memory_space<vmem>>) semaphore(%arg8 : memref<!tpu.dma_semaphore, #tpu.memory_space<semaphore_mem>>)
    %dma_start3A_162 = arith.constant 124 : i32
    %dma_start3A_163 = arith.constant 1 : i32
    %dma_start3A_164 = arith.constant 4 : i32
    %dma_start3A_165 = arith.constant 0 : i32
    %dma_start3A_166 = arith.constant 0 : i32
    %dma_start3A_167 = tpu.memref_slice %arg6[%dma_start3A_163, %dma_start3A_164, %dma_start3A_165, %dma_start3A_166] : memref<2x8x56x64xf32, #tpu.memory_space<vmem>> -> memref<1x1x56x64xf32, #tpu.memory_space<vmem>>
    %dma_start3A_168 = tpu.memref_squeeze %dma_start3A_167 : memref<1x1x56x64xf32, #tpu.memory_space<vmem>> -> memref<56x64xf32, #tpu.memory_space<vmem>>
    %dma_start3A_169 = arith.constant 0 : i32
    %dma_start3A_170 = tpu.memref_slice %arg5[%dma_start3A_162, %dma_start3A_169] : memref<128x128xi32, #tpu.memory_space<vmem>> -> memref<1x56xi32, #tpu.memory_space<vmem>>
    %dma_start3A_171 = tpu.memref_squeeze %dma_start3A_170 : memref<1x56xi32, #tpu.memory_space<vmem>> -> memref<56xi32, #tpu.memory_space<vmem>>
    %dma_start3A_172 = arith.constant 0 : i32
    %dma_start3A_173 = arith.constant 0 : i32
    %dma_start3A_174 = tpu.memref_slice %arg3[%dma_start3A_172, %dma_start3A_173] : memref<100000x64xf32, #tpu.memory_space<hbm>> -> memref<100000x64xf32, #tpu.memory_space<hbm>>
    tpu.enqueue_indirect_dma source(%dma_start3A_174 : memref<100000x64xf32, #tpu.memory_space<hbm>>) target(%dma_start3A_168 : memref<56x64xf32, #tpu.memory_space<vmem>>) offsets(%dma_start3A_171 : memref<56xi32, #tpu.memory_space<vmem>>) semaphore(%arg8 : memref<!tpu.dma_semaphore, #tpu.memory_space<semaphore_mem>>)
    %dma_start3A_175 = arith.constant 125 : i32
    %dma_start3A_176 = arith.constant 1 : i32
    %dma_start3A_177 = arith.constant 5 : i32
    %dma_start3A_178 = arith.constant 0 : i32
    %dma_start3A_179 = arith.constant 0 : i32
    %dma_start3A_180 = tpu.memref_slice %arg6[%dma_start3A_176, %dma_start3A_177, %dma_start3A_178, %dma_start3A_179] : memref<2x8x56x64xf32, #tpu.memory_space<vmem>> -> memref<1x1x56x64xf32, #tpu.memory_space<vmem>>
    %dma_start3A_181 = tpu.memref_squeeze %dma_start3A_180 : memref<1x1x56x64xf32, #tpu.memory_space<vmem>> -> memref<56x64xf32, #tpu.memory_space<vmem>>
    %dma_start3A_182 = arith.constant 0 : i32
    %dma_start3A_183 = tpu.memref_slice %arg5[%dma_start3A_175, %dma_start3A_182] : memref<128x128xi32, #tpu.memory_space<vmem>> -> memref<1x56xi32, #tpu.memory_space<vmem>>
    %dma_start3A_184 = tpu.memref_squeeze %dma_start3A_183 : memref<1x56xi32, #tpu.memory_space<vmem>> -> memref<56xi32, #tpu.memory_space<vmem>>
    %dma_start3A_185 = arith.constant 0 : i32
    %dma_start3A_186 = arith.constant 0 : i32
    %dma_start3A_187 = tpu.memref_slice %arg3[%dma_start3A_185, %dma_start3A_186] : memref<100000x64xf32, #tpu.memory_space<hbm>> -> memref<100000x64xf32, #tpu.memory_space<hbm>>
    tpu.enqueue_indirect_dma source(%dma_start3A_187 : memref<100000x64xf32, #tpu.memory_space<hbm>>) target(%dma_start3A_181 : memref<56x64xf32, #tpu.memory_space<vmem>>) offsets(%dma_start3A_184 : memref<56xi32, #tpu.memory_space<vmem>>) semaphore(%arg8 : memref<!tpu.dma_semaphore, #tpu.memory_space<semaphore_mem>>)
    %dma_start3A_188 = arith.constant 126 : i32
    %dma_start3A_189 = arith.constant 1 : i32
    %dma_start3A_190 = arith.constant 6 : i32
    %dma_start3A_191 = arith.constant 0 : i32
    %dma_start3A_192 = arith.constant 0 : i32
    %dma_start3A_193 = tpu.memref_slice %arg6[%dma_start3A_189, %dma_start3A_190, %dma_start3A_191, %dma_start3A_192] : memref<2x8x56x64xf32, #tpu.memory_space<vmem>> -> memref<1x1x56x64xf32, #tpu.memory_space<vmem>>
    %dma_start3A_194 = tpu.memref_squeeze %dma_start3A_193 : memref<1x1x56x64xf32, #tpu.memory_space<vmem>> -> memref<56x64xf32, #tpu.memory_space<vmem>>
    %dma_start3A_195 = arith.constant 0 : i32
    %dma_start3A_196 = tpu.memref_slice %arg5[%dma_start3A_188, %dma_start3A_195] : memref<128x128xi32, #tpu.memory_space<vmem>> -> memref<1x56xi32, #tpu.memory_space<vmem>>
    %dma_start3A_197 = tpu.memref_squeeze %dma_start3A_196 : memref<1x56xi32, #tpu.memory_space<vmem>> -> memref<56xi32, #tpu.memory_space<vmem>>
    %dma_start3A_198 = arith.constant 0 : i32
    %dma_start3A_199 = arith.constant 0 : i32
    %dma_start3A_200 = tpu.memref_slice %arg3[%dma_start3A_198, %dma_start3A_199] : memref<100000x64xf32, #tpu.memory_space<hbm>> -> memref<100000x64xf32, #tpu.memory_space<hbm>>
    tpu.enqueue_indirect_dma source(%dma_start3A_200 : memref<100000x64xf32, #tpu.memory_space<hbm>>) target(%dma_start3A_194 : memref<56x64xf32, #tpu.memory_space<vmem>>) offsets(%dma_start3A_197 : memref<56xi32, #tpu.memory_space<vmem>>) semaphore(%arg8 : memref<!tpu.dma_semaphore, #tpu.memory_space<semaphore_mem>>)
    %dma_start3A_201 = arith.constant 127 : i32
    %dma_start3A_202 = arith.constant 1 : i32
    %dma_start3A_203 = arith.constant 7 : i32
    %dma_start3A_204 = arith.constant 0 : i32
    %dma_start3A_205 = arith.constant 0 : i32
    %dma_start3A_206 = tpu.memref_slice %arg6[%dma_start3A_202, %dma_start3A_203, %dma_start3A_204, %dma_start3A_205] : memref<2x8x56x64xf32, #tpu.memory_space<vmem>> -> memref<1x1x56x64xf32, #tpu.memory_space<vmem>>
    %dma_start3A_207 = tpu.memref_squeeze %dma_start3A_206 : memref<1x1x56x64xf32, #tpu.memory_space<vmem>> -> memref<56x64xf32, #tpu.memory_space<vmem>>
    %dma_start3A_208 = arith.constant 0 : i32
    %dma_start3A_209 = tpu.memref_slice %arg5[%dma_start3A_201, %dma_start3A_208] : memref<128x128xi32, #tpu.memory_space<vmem>> -> memref<1x56xi32, #tpu.memory_space<vmem>>
    %dma_start3A_210 = tpu.memref_squeeze %dma_start3A_209 : memref<1x56xi32, #tpu.memory_space<vmem>> -> memref<56xi32, #tpu.memory_space<vmem>>
    %dma_start3A_211 = arith.constant 0 : i32
    %dma_start3A_212 = arith.constant 0 : i32
    %dma_start3A_213 = tpu.memref_slice %arg3[%dma_start3A_211, %dma_start3A_212] : memref<100000x64xf32, #tpu.memory_space<hbm>> -> memref<100000x64xf32, #tpu.memory_space<hbm>>
    tpu.enqueue_indirect_dma source(%dma_start3A_213 : memref<100000x64xf32, #tpu.memory_space<hbm>>) target(%dma_start3A_207 : memref<56x64xf32, #tpu.memory_space<vmem>>) offsets(%dma_start3A_210 : memref<56xi32, #tpu.memory_space<vmem>>) semaphore(%arg8 : memref<!tpu.dma_semaphore, #tpu.memory_space<semaphore_mem>>)
    %dma_wait3A = arith.constant 0 : i32
    %dma_wait3A_214 = arith.constant 0 : i32
    %dma_wait3A_215 = arith.constant 0 : i32
    %dma_wait3A_216 = arith.constant 0 : i32
    %dma_wait3A_217 = tpu.memref_slice %arg6[%dma_wait3A, %dma_wait3A_214, %dma_wait3A_215, %dma_wait3A_216] : memref<2x8x56x64xf32, #tpu.memory_space<vmem>> -> memref<1x1x56x64xf32, #tpu.memory_space<vmem>>
    %dma_wait3A_218 = tpu.memref_squeeze %dma_wait3A_217 : memref<1x1x56x64xf32, #tpu.memory_space<vmem>> -> memref<56x64xf32, #tpu.memory_space<vmem>>
    %dma_wait3A_219 = arith.constant 0 : i32
    %dma_wait3A_220 = arith.constant 0 : i32
    %dma_wait3A_221 = tpu.memref_slice %arg3[%dma_wait3A_219, %dma_wait3A_220] : memref<100000x64xf32, #tpu.memory_space<hbm>> -> memref<56x64xf32, #tpu.memory_space<hbm>>
    %dma_wait3A_222 = arith.constant 0 : i32
    %dma_wait3A_223 = arith.constant 0 : i32
    %dma_wait3A_224 = tpu.memref_slice %arg6[%dma_wait3A, %dma_wait3A_214, %dma_wait3A_222, %dma_wait3A_223] : memref<2x8x56x64xf32, #tpu.memory_space<vmem>> -> memref<1x1x56x64xf32, #tpu.memory_space<vmem>>
    %dma_wait3A_225 = tpu.memref_squeeze %dma_wait3A_224 : memref<1x1x56x64xf32, #tpu.memory_space<vmem>> -> memref<56x64xf32, #tpu.memory_space<vmem>>
    %dma_wait3A_226 = arith.constant 0 : i32
    %dma_wait3A_227 = arith.constant 0 : i32
    %dma_wait3A_228 = tpu.memref_slice %arg3[%dma_wait3A_226, %dma_wait3A_227] : memref<100000x64xf32, #tpu.memory_space<hbm>> -> memref<56x64xf32, #tpu.memory_space<hbm>>
    tpu.wait_dma2 semaphore(%arg7 : memref<!tpu.dma_semaphore, #tpu.memory_space<semaphore_mem>>) src(%dma_wait3A_228 : memref<56x64xf32, #tpu.memory_space<hbm>>) dst(%dma_wait3A_225 : memref<56x64xf32, #tpu.memory_space<vmem>>)
    %dma_wait3A_229 = arith.constant 0 : i32
    %dma_wait3A_230 = arith.constant 1 : i32
    %dma_wait3A_231 = arith.constant 0 : i32
    %dma_wait3A_232 = arith.constant 0 : i32
    %dma_wait3A_233 = tpu.memref_slice %arg6[%dma_wait3A_229, %dma_wait3A_230, %dma_wait3A_231, %dma_wait3A_232] : memref<2x8x56x64xf32, #tpu.memory_space<vmem>> -> memref<1x1x56x64xf32, #tpu.memory_space<vmem>>
    %dma_wait3A_234 = tpu.memref_squeeze %dma_wait3A_233 : memref<1x1x56x64xf32, #tpu.memory_space<vmem>> -> memref<56x64xf32, #tpu.memory_space<vmem>>
    %dma_wait3A_235 = arith.constant 0 : i32
    %dma_wait3A_236 = arith.constant 0 : i32
    %dma_wait3A_237 = tpu.memref_slice %arg3[%dma_wait3A_235, %dma_wait3A_236] : memref<100000x64xf32, #tpu.memory_space<hbm>> -> memref<56x64xf32, #tpu.memory_space<hbm>>
    %dma_wait3A_238 = arith.constant 0 : i32
    %dma_wait3A_239 = arith.constant 0 : i32
    %dma_wait3A_240 = tpu.memref_slice %arg6[%dma_wait3A_229, %dma_wait3A_230, %dma_wait3A_238, %dma_wait3A_239] : memref<2x8x56x64xf32, #tpu.memory_space<vmem>> -> memref<1x1x56x64xf32, #tpu.memory_space<vmem>>
    %dma_wait3A_241 = tpu.memref_squeeze %dma_wait3A_240 : memref<1x1x56x64xf32, #tpu.memory_space<vmem>> -> memref<56x64xf32, #tpu.memory_space<vmem>>
    %dma_wait3A_242 = arith.constant 0 : i32
    %dma_wait3A_243 = arith.constant 0 : i32
    %dma_wait3A_244 = tpu.memref_slice %arg3[%dma_wait3A_242, %dma_wait3A_243] : memref<100000x64xf32, #tpu.memory_space<hbm>> -> memref<56x64xf32, #tpu.memory_space<hbm>>
    tpu.wait_dma2 semaphore(%arg7 : memref<!tpu.dma_semaphore, #tpu.memory_space<semaphore_mem>>) src(%dma_wait3A_244 : memref<56x64xf32, #tpu.memory_space<hbm>>) dst(%dma_wait3A_241 : memref<56x64xf32, #tpu.memory_space<vmem>>)
    %dma_wait3A_245 = arith.constant 0 : i32
    %dma_wait3A_246 = arith.constant 2 : i32
    %dma_wait3A_247 = arith.constant 0 : i32
    %dma_wait3A_248 = arith.constant 0 : i32
    %dma_wait3A_249 = tpu.memref_slice %arg6[%dma_wait3A_245, %dma_wait3A_246, %dma_wait3A_247, %dma_wait3A_248] : memref<2x8x56x64xf32, #tpu.memory_space<vmem>> -> memref<1x1x56x64xf32, #tpu.memory_space<vmem>>
    %dma_wait3A_250 = tpu.memref_squeeze %dma_wait3A_249 : memref<1x1x56x64xf32, #tpu.memory_space<vmem>> -> memref<56x64xf32, #tpu.memory_space<vmem>>
    %dma_wait3A_251 = arith.constant 0 : i32
    %dma_wait3A_252 = arith.constant 0 : i32
    %dma_wait3A_253 = tpu.memref_slice %arg3[%dma_wait3A_251, %dma_wait3A_252] : memref<100000x64xf32, #tpu.memory_space<hbm>> -> memref<56x64xf32, #tpu.memory_space<hbm>>
    %dma_wait3A_254 = arith.constant 0 : i32
    %dma_wait3A_255 = arith.constant 0 : i32
    %dma_wait3A_256 = tpu.memref_slice %arg6[%dma_wait3A_245, %dma_wait3A_246, %dma_wait3A_254, %dma_wait3A_255] : memref<2x8x56x64xf32, #tpu.memory_space<vmem>> -> memref<1x1x56x64xf32, #tpu.memory_space<vmem>>
    %dma_wait3A_257 = tpu.memref_squeeze %dma_wait3A_256 : memref<1x1x56x64xf32, #tpu.memory_space<vmem>> -> memref<56x64xf32, #tpu.memory_space<vmem>>
    %dma_wait3A_258 = arith.constant 0 : i32
    %dma_wait3A_259 = arith.constant 0 : i32
    %dma_wait3A_260 = tpu.memref_slice %arg3[%dma_wait3A_258, %dma_wait3A_259] : memref<100000x64xf32, #tpu.memory_space<hbm>> -> memref<56x64xf32, #tpu.memory_space<hbm>>
    tpu.wait_dma2 semaphore(%arg7 : memref<!tpu.dma_semaphore, #tpu.memory_space<semaphore_mem>>) src(%dma_wait3A_260 : memref<56x64xf32, #tpu.memory_space<hbm>>) dst(%dma_wait3A_257 : memref<56x64xf32, #tpu.memory_space<vmem>>)
    %dma_wait3A_261 = arith.constant 0 : i32
    %dma_wait3A_262 = arith.constant 3 : i32
    %dma_wait3A_263 = arith.constant 0 : i32
    %dma_wait3A_264 = arith.constant 0 : i32
    %dma_wait3A_265 = tpu.memref_slice %arg6[%dma_wait3A_261, %dma_wait3A_262, %dma_wait3A_263, %dma_wait3A_264] : memref<2x8x56x64xf32, #tpu.memory_space<vmem>> -> memref<1x1x56x64xf32, #tpu.memory_space<vmem>>
    %dma_wait3A_266 = tpu.memref_squeeze %dma_wait3A_265 : memref<1x1x56x64xf32, #tpu.memory_space<vmem>> -> memref<56x64xf32, #tpu.memory_space<vmem>>
    %dma_wait3A_267 = arith.constant 0 : i32
    %dma_wait3A_268 = arith.constant 0 : i32
    %dma_wait3A_269 = tpu.memref_slice %arg3[%dma_wait3A_267, %dma_wait3A_268] : memref<100000x64xf32, #tpu.memory_space<hbm>> -> memref<56x64xf32, #tpu.memory_space<hbm>>
    %dma_wait3A_270 = arith.constant 0 : i32
    %dma_wait3A_271 = arith.constant 0 : i32
    %dma_wait3A_272 = tpu.memref_slice %arg6[%dma_wait3A_261, %dma_wait3A_262, %dma_wait3A_270, %dma_wait3A_271] : memref<2x8x56x64xf32, #tpu.memory_space<vmem>> -> memref<1x1x56x64xf32, #tpu.memory_space<vmem>>
    %dma_wait3A_273 = tpu.memref_squeeze %dma_wait3A_272 : memref<1x1x56x64xf32, #tpu.memory_space<vmem>> -> memref<56x64xf32, #tpu.memory_space<vmem>>
    %dma_wait3A_274 = arith.constant 0 : i32
    %dma_wait3A_275 = arith.constant 0 : i32
    %dma_wait3A_276 = tpu.memref_slice %arg3[%dma_wait3A_274, %dma_wait3A_275] : memref<100000x64xf32, #tpu.memory_space<hbm>> -> memref<56x64xf32, #tpu.memory_space<hbm>>
    tpu.wait_dma2 semaphore(%arg7 : memref<!tpu.dma_semaphore, #tpu.memory_space<semaphore_mem>>) src(%dma_wait3A_276 : memref<56x64xf32, #tpu.memory_space<hbm>>) dst(%dma_wait3A_273 : memref<56x64xf32, #tpu.memory_space<vmem>>)
    %dma_wait3A_277 = arith.constant 0 : i32
    %dma_wait3A_278 = arith.constant 4 : i32
    %dma_wait3A_279 = arith.constant 0 : i32
    %dma_wait3A_280 = arith.constant 0 : i32
    %dma_wait3A_281 = tpu.memref_slice %arg6[%dma_wait3A_277, %dma_wait3A_278, %dma_wait3A_279, %dma_wait3A_280] : memref<2x8x56x64xf32, #tpu.memory_space<vmem>> -> memref<1x1x56x64xf32, #tpu.memory_space<vmem>>
    %dma_wait3A_282 = tpu.memref_squeeze %dma_wait3A_281 : memref<1x1x56x64xf32, #tpu.memory_space<vmem>> -> memref<56x64xf32, #tpu.memory_space<vmem>>
    %dma_wait3A_283 = arith.constant 0 : i32
    %dma_wait3A_284 = arith.constant 0 : i32
    %dma_wait3A_285 = tpu.memref_slice %arg3[%dma_wait3A_283, %dma_wait3A_284] : memref<100000x64xf32, #tpu.memory_space<hbm>> -> memref<56x64xf32, #tpu.memory_space<hbm>>
    %dma_wait3A_286 = arith.constant 0 : i32
    %dma_wait3A_287 = arith.constant 0 : i32
    %dma_wait3A_288 = tpu.memref_slice %arg6[%dma_wait3A_277, %dma_wait3A_278, %dma_wait3A_286, %dma_wait3A_287] : memref<2x8x56x64xf32, #tpu.memory_space<vmem>> -> memref<1x1x56x64xf32, #tpu.memory_space<vmem>>
    %dma_wait3A_289 = tpu.memref_squeeze %dma_wait3A_288 : memref<1x1x56x64xf32, #tpu.memory_space<vmem>> -> memref<56x64xf32, #tpu.memory_space<vmem>>
    %dma_wait3A_290 = arith.constant 0 : i32
    %dma_wait3A_291 = arith.constant 0 : i32
    %dma_wait3A_292 = tpu.memref_slice %arg3[%dma_wait3A_290, %dma_wait3A_291] : memref<100000x64xf32, #tpu.memory_space<hbm>> -> memref<56x64xf32, #tpu.memory_space<hbm>>
    tpu.wait_dma2 semaphore(%arg7 : memref<!tpu.dma_semaphore, #tpu.memory_space<semaphore_mem>>) src(%dma_wait3A_292 : memref<56x64xf32, #tpu.memory_space<hbm>>) dst(%dma_wait3A_289 : memref<56x64xf32, #tpu.memory_space<vmem>>)
    %dma_wait3A_293 = arith.constant 0 : i32
    %dma_wait3A_294 = arith.constant 5 : i32
    %dma_wait3A_295 = arith.constant 0 : i32
    %dma_wait3A_296 = arith.constant 0 : i32
    %dma_wait3A_297 = tpu.memref_slice %arg6[%dma_wait3A_293, %dma_wait3A_294, %dma_wait3A_295, %dma_wait3A_296] : memref<2x8x56x64xf32, #tpu.memory_space<vmem>> -> memref<1x1x56x64xf32, #tpu.memory_space<vmem>>
    %dma_wait3A_298 = tpu.memref_squeeze %dma_wait3A_297 : memref<1x1x56x64xf32, #tpu.memory_space<vmem>> -> memref<56x64xf32, #tpu.memory_space<vmem>>
    %dma_wait3A_299 = arith.constant 0 : i32
    %dma_wait3A_300 = arith.constant 0 : i32
    %dma_wait3A_301 = tpu.memref_slice %arg3[%dma_wait3A_299, %dma_wait3A_300] : memref<100000x64xf32, #tpu.memory_space<hbm>> -> memref<56x64xf32, #tpu.memory_space<hbm>>
    %dma_wait3A_302 = arith.constant 0 : i32
    %dma_wait3A_303 = arith.constant 0 : i32
    %dma_wait3A_304 = tpu.memref_slice %arg6[%dma_wait3A_293, %dma_wait3A_294, %dma_wait3A_302, %dma_wait3A_303] : memref<2x8x56x64xf32, #tpu.memory_space<vmem>> -> memref<1x1x56x64xf32, #tpu.memory_space<vmem>>
    %dma_wait3A_305 = tpu.memref_squeeze %dma_wait3A_304 : memref<1x1x56x64xf32, #tpu.memory_space<vmem>> -> memref<56x64xf32, #tpu.memory_space<vmem>>
    %dma_wait3A_306 = arith.constant 0 : i32
    %dma_wait3A_307 = arith.constant 0 : i32
    %dma_wait3A_308 = tpu.memref_slice %arg3[%dma_wait3A_306, %dma_wait3A_307] : memref<100000x64xf32, #tpu.memory_space<hbm>> -> memref<56x64xf32, #tpu.memory_space<hbm>>
    tpu.wait_dma2 semaphore(%arg7 : memref<!tpu.dma_semaphore, #tpu.memory_space<semaphore_mem>>) src(%dma_wait3A_308 : memref<56x64xf32, #tpu.memory_space<hbm>>) dst(%dma_wait3A_305 : memref<56x64xf32, #tpu.memory_space<vmem>>)
    %dma_wait3A_309 = arith.constant 0 : i32
    %dma_wait3A_310 = arith.constant 6 : i32
    %dma_wait3A_311 = arith.constant 0 : i32
    %dma_wait3A_312 = arith.constant 0 : i32
    %dma_wait3A_313 = tpu.memref_slice %arg6[%dma_wait3A_309, %dma_wait3A_310, %dma_wait3A_311, %dma_wait3A_312] : memref<2x8x56x64xf32, #tpu.memory_space<vmem>> -> memref<1x1x56x64xf32, #tpu.memory_space<vmem>>
    %dma_wait3A_314 = tpu.memref_squeeze %dma_wait3A_313 : memref<1x1x56x64xf32, #tpu.memory_space<vmem>> -> memref<56x64xf32, #tpu.memory_space<vmem>>
    %dma_wait3A_315 = arith.constant 0 : i32
    %dma_wait3A_316 = arith.constant 0 : i32
    %dma_wait3A_317 = tpu.memref_slice %arg3[%dma_wait3A_315, %dma_wait3A_316] : memref<100000x64xf32, #tpu.memory_space<hbm>> -> memref<56x64xf32, #tpu.memory_space<hbm>>
    %dma_wait3A_318 = arith.constant 0 : i32
    %dma_wait3A_319 = arith.constant 0 : i32
    %dma_wait3A_320 = tpu.memref_slice %arg6[%dma_wait3A_309, %dma_wait3A_310, %dma_wait3A_318, %dma_wait3A_319] : memref<2x8x56x64xf32, #tpu.memory_space<vmem>> -> memref<1x1x56x64xf32, #tpu.memory_space<vmem>>
    %dma_wait3A_321 = tpu.memref_squeeze %dma_wait3A_320 : memref<1x1x56x64xf32, #tpu.memory_space<vmem>> -> memref<56x64xf32, #tpu.memory_space<vmem>>
    %dma_wait3A_322 = arith.constant 0 : i32
    %dma_wait3A_323 = arith.constant 0 : i32
    %dma_wait3A_324 = tpu.memref_slice %arg3[%dma_wait3A_322, %dma_wait3A_323] : memref<100000x64xf32, #tpu.memory_space<hbm>> -> memref<56x64xf32, #tpu.memory_space<hbm>>
    tpu.wait_dma2 semaphore(%arg7 : memref<!tpu.dma_semaphore, #tpu.memory_space<semaphore_mem>>) src(%dma_wait3A_324 : memref<56x64xf32, #tpu.memory_space<hbm>>) dst(%dma_wait3A_321 : memref<56x64xf32, #tpu.memory_space<vmem>>)
    %dma_wait3A_325 = arith.constant 0 : i32
    %dma_wait3A_326 = arith.constant 7 : i32
    %dma_wait3A_327 = arith.constant 0 : i32
    %dma_wait3A_328 = arith.constant 0 : i32
    %dma_wait3A_329 = tpu.memref_slice %arg6[%dma_wait3A_325, %dma_wait3A_326, %dma_wait3A_327, %dma_wait3A_328] : memref<2x8x56x64xf32, #tpu.memory_space<vmem>> -> memref<1x1x56x64xf32, #tpu.memory_space<vmem>>
    %dma_wait3A_330 = tpu.memref_squeeze %dma_wait3A_329 : memref<1x1x56x64xf32, #tpu.memory_space<vmem>> -> memref<56x64xf32, #tpu.memory_space<vmem>>
    %dma_wait3A_331 = arith.constant 0 : i32
    %dma_wait3A_332 = arith.constant 0 : i32
    %dma_wait3A_333 = tpu.memref_slice %arg3[%dma_wait3A_331, %dma_wait3A_332] : memref<100000x64xf32, #tpu.memory_space<hbm>> -> memref<56x64xf32, #tpu.memory_space<hbm>>
    %dma_wait3A_334 = arith.constant 0 : i32
    %dma_wait3A_335 = arith.constant 0 : i32
    %dma_wait3A_336 = tpu.memref_slice %arg6[%dma_wait3A_325, %dma_wait3A_326, %dma_wait3A_334, %dma_wait3A_335] : memref<2x8x56x64xf32, #tpu.memory_space<vmem>> -> memref<1x1x56x64xf32, #tpu.memory_space<vmem>>
    %dma_wait3A_337 = tpu.memref_squeeze %dma_wait3A_336 : memref<1x1x56x64xf32, #tpu.memory_space<vmem>> -> memref<56x64xf32, #tpu.memory_space<vmem>>
    %dma_wait3A_338 = arith.constant 0 : i32
    %dma_wait3A_339 = arith.constant 0 : i32
    %dma_wait3A_340 = tpu.memref_slice %arg3[%dma_wait3A_338, %dma_wait3A_339] : memref<100000x64xf32, #tpu.memory_space<hbm>> -> memref<56x64xf32, #tpu.memory_space<hbm>>
    tpu.wait_dma2 semaphore(%arg7 : memref<!tpu.dma_semaphore, #tpu.memory_space<semaphore_mem>>) src(%dma_wait3A_340 : memref<56x64xf32, #tpu.memory_space<hbm>>) dst(%dma_wait3A_337 : memref<56x64xf32, #tpu.memory_space<vmem>>)
    %add3A_341 = arith.constant 112 : i32
    %add3A_342 = arith.addi %mul3A_2, %add3A_341 : i32
    %add3A_343 = arith.constant 0 : i32
    %add3A_344 = arith.addi %add3A_342, %add3A_343 : i32
    %dma_start3A_345 = arith.constant 0 : i32
    %dma_start3A_346 = arith.constant 0 : i32
    %dma_start3A_347 = arith.constant 0 : i32
    %dma_start3A_348 = arith.constant 0 : i32
    %dma_start3A_349 = tpu.memref_slice %arg6[%dma_start3A_345, %dma_start3A_346, %dma_start3A_347, %dma_start3A_348] : memref<2x8x56x64xf32, #tpu.memory_space<vmem>> -> memref<1x1x50x64xf32, #tpu.memory_space<vmem>>
    %dma_start3A_350 = tpu.memref_squeeze %dma_start3A_349 : memref<1x1x50x64xf32, #tpu.memory_space<vmem>> -> memref<1x50x64xf32, #tpu.memory_space<vmem>>
    %dma_start3A_351 = arith.constant 0 : i32
    %dma_start3A_352 = arith.constant 0 : i32
    %dma_start3A_353 = tpu.memref_slice %arg4[%add3A_344, %dma_start3A_351, %dma_start3A_352] : memref<4096x50x64xf32, #tpu.memory_space<hbm>> -> memref<1x50x64xf32, #tpu.memory_space<hbm>>
    %dma_start3A_354 = arith.constant 0 : i32
    %dma_start3A_355 = arith.constant 0 : i32
    %dma_start3A_356 = tpu.memref_slice %arg4[%add3A_344, %dma_start3A_354, %dma_start3A_355] : memref<4096x50x64xf32, #tpu.memory_space<hbm>> -> memref<1x50x64xf32, #tpu.memory_space<hbm>>
    %dma_start3A_357 = arith.constant 0 : i32
    %dma_start3A_358 = arith.constant 0 : i32
    %dma_start3A_359 = arith.constant 0 : i32
    %dma_start3A_360 = tpu.memref_slice %arg6[%dma_start3A_345, %dma_start3A_357, %dma_start3A_358, %dma_start3A_359] : memref<2x8x56x64xf32, #tpu.memory_space<vmem>> -> memref<1x1x50x64xf32, #tpu.memory_space<vmem>>
    %dma_start3A_361 = tpu.memref_squeeze %dma_start3A_360 : memref<1x1x50x64xf32, #tpu.memory_space<vmem>> -> memref<1x50x64xf32, #tpu.memory_space<vmem>>
    tpu.enqueue_dma source(%dma_start3A_361 : memref<1x50x64xf32, #tpu.memory_space<vmem>>) target(%dma_start3A_356 : memref<1x50x64xf32, #tpu.memory_space<hbm>>) target_semaphore(%arg9 : memref<!tpu.dma_semaphore, #tpu.memory_space<semaphore_mem>>)
    %add3A_362 = arith.constant 112 : i32
    %add3A_363 = arith.addi %mul3A_2, %add3A_362 : i32
    %add3A_364 = arith.constant 1 : i32
    %add3A_365 = arith.addi %add3A_363, %add3A_364 : i32
    %dma_start3A_366 = arith.constant 0 : i32
    %dma_start3A_367 = arith.constant 1 : i32
    %dma_start3A_368 = arith.constant 0 : i32
    %dma_start3A_369 = arith.constant 0 : i32
    %dma_start3A_370 = tpu.memref_slice %arg6[%dma_start3A_366, %dma_start3A_367, %dma_start3A_368, %dma_start3A_369] : memref<2x8x56x64xf32, #tpu.memory_space<vmem>> -> memref<1x1x50x64xf32, #tpu.memory_space<vmem>>
    %dma_start3A_371 = tpu.memref_squeeze %dma_start3A_370 : memref<1x1x50x64xf32, #tpu.memory_space<vmem>> -> memref<1x50x64xf32, #tpu.memory_space<vmem>>
    %dma_start3A_372 = arith.constant 0 : i32
    %dma_start3A_373 = arith.constant 0 : i32
    %dma_start3A_374 = tpu.memref_slice %arg4[%add3A_365, %dma_start3A_372, %dma_start3A_373] : memref<4096x50x64xf32, #tpu.memory_space<hbm>> -> memref<1x50x64xf32, #tpu.memory_space<hbm>>
    %dma_start3A_375 = arith.constant 0 : i32
    %dma_start3A_376 = arith.constant 0 : i32
    %dma_start3A_377 = tpu.memref_slice %arg4[%add3A_365, %dma_start3A_375, %dma_start3A_376] : memref<4096x50x64xf32, #tpu.memory_space<hbm>> -> memref<1x50x64xf32, #tpu.memory_space<hbm>>
    %dma_start3A_378 = arith.constant 1 : i32
    %dma_start3A_379 = arith.constant 0 : i32
    %dma_start3A_380 = arith.constant 0 : i32
    %dma_start3A_381 = tpu.memref_slice %arg6[%dma_start3A_366, %dma_start3A_378, %dma_start3A_379, %dma_start3A_380] : memref<2x8x56x64xf32, #tpu.memory_space<vmem>> -> memref<1x1x50x64xf32, #tpu.memory_space<vmem>>
    %dma_start3A_382 = tpu.memref_squeeze %dma_start3A_381 : memref<1x1x50x64xf32, #tpu.memory_space<vmem>> -> memref<1x50x64xf32, #tpu.memory_space<vmem>>
    tpu.enqueue_dma source(%dma_start3A_382 : memref<1x50x64xf32, #tpu.memory_space<vmem>>) target(%dma_start3A_377 : memref<1x50x64xf32, #tpu.memory_space<hbm>>) target_semaphore(%arg9 : memref<!tpu.dma_semaphore, #tpu.memory_space<semaphore_mem>>)
    %add3A_383 = arith.constant 112 : i32
    %add3A_384 = arith.addi %mul3A_2, %add3A_383 : i32
    %add3A_385 = arith.constant 2 : i32
    %add3A_386 = arith.addi %add3A_384, %add3A_385 : i32
    %dma_start3A_387 = arith.constant 0 : i32
    %dma_start3A_388 = arith.constant 2 : i32
    %dma_start3A_389 = arith.constant 0 : i32
    %dma_start3A_390 = arith.constant 0 : i32
    %dma_start3A_391 = tpu.memref_slice %arg6[%dma_start3A_387, %dma_start3A_388, %dma_start3A_389, %dma_start3A_390] : memref<2x8x56x64xf32, #tpu.memory_space<vmem>> -> memref<1x1x50x64xf32, #tpu.memory_space<vmem>>
    %dma_start3A_392 = tpu.memref_squeeze %dma_start3A_391 : memref<1x1x50x64xf32, #tpu.memory_space<vmem>> -> memref<1x50x64xf32, #tpu.memory_space<vmem>>
    %dma_start3A_393 = arith.constant 0 : i32
    %dma_start3A_394 = arith.constant 0 : i32
    %dma_start3A_395 = tpu.memref_slice %arg4[%add3A_386, %dma_start3A_393, %dma_start3A_394] : memref<4096x50x64xf32, #tpu.memory_space<hbm>> -> memref<1x50x64xf32, #tpu.memory_space<hbm>>
    %dma_start3A_396 = arith.constant 0 : i32
    %dma_start3A_397 = arith.constant 0 : i32
    %dma_start3A_398 = tpu.memref_slice %arg4[%add3A_386, %dma_start3A_396, %dma_start3A_397] : memref<4096x50x64xf32, #tpu.memory_space<hbm>> -> memref<1x50x64xf32, #tpu.memory_space<hbm>>
    %dma_start3A_399 = arith.constant 2 : i32
    %dma_start3A_400 = arith.constant 0 : i32
    %dma_start3A_401 = arith.constant 0 : i32
    %dma_start3A_402 = tpu.memref_slice %arg6[%dma_start3A_387, %dma_start3A_399, %dma_start3A_400, %dma_start3A_401] : memref<2x8x56x64xf32, #tpu.memory_space<vmem>> -> memref<1x1x50x64xf32, #tpu.memory_space<vmem>>
    %dma_start3A_403 = tpu.memref_squeeze %dma_start3A_402 : memref<1x1x50x64xf32, #tpu.memory_space<vmem>> -> memref<1x50x64xf32, #tpu.memory_space<vmem>>
    tpu.enqueue_dma source(%dma_start3A_403 : memref<1x50x64xf32, #tpu.memory_space<vmem>>) target(%dma_start3A_398 : memref<1x50x64xf32, #tpu.memory_space<hbm>>) target_semaphore(%arg9 : memref<!tpu.dma_semaphore, #tpu.memory_space<semaphore_mem>>)
    %add3A_404 = arith.constant 112 : i32
    %add3A_405 = arith.addi %mul3A_2, %add3A_404 : i32
    %add3A_406 = arith.constant 3 : i32
    %add3A_407 = arith.addi %add3A_405, %add3A_406 : i32
    %dma_start3A_408 = arith.constant 0 : i32
    %dma_start3A_409 = arith.constant 3 : i32
    %dma_start3A_410 = arith.constant 0 : i32
    %dma_start3A_411 = arith.constant 0 : i32
    %dma_start3A_412 = tpu.memref_slice %arg6[%dma_start3A_408, %dma_start3A_409, %dma_start3A_410, %dma_start3A_411] : memref<2x8x56x64xf32, #tpu.memory_space<vmem>> -> memref<1x1x50x64xf32, #tpu.memory_space<vmem>>
    %dma_start3A_413 = tpu.memref_squeeze %dma_start3A_412 : memref<1x1x50x64xf32, #tpu.memory_space<vmem>> -> memref<1x50x64xf32, #tpu.memory_space<vmem>>
    %dma_start3A_414 = arith.constant 0 : i32
    %dma_start3A_415 = arith.constant 0 : i32
    %dma_start3A_416 = tpu.memref_slice %arg4[%add3A_407, %dma_start3A_414, %dma_start3A_415] : memref<4096x50x64xf32, #tpu.memory_space<hbm>> -> memref<1x50x64xf32, #tpu.memory_space<hbm>>
    %dma_start3A_417 = arith.constant 0 : i32
    %dma_start3A_418 = arith.constant 0 : i32
    %dma_start3A_419 = tpu.memref_slice %arg4[%add3A_407, %dma_start3A_417, %dma_start3A_418] : memref<4096x50x64xf32, #tpu.memory_space<hbm>> -> memref<1x50x64xf32, #tpu.memory_space<hbm>>
    %dma_start3A_420 = arith.constant 3 : i32
    %dma_start3A_421 = arith.constant 0 : i32
    %dma_start3A_422 = arith.constant 0 : i32
    %dma_start3A_423 = tpu.memref_slice %arg6[%dma_start3A_408, %dma_start3A_420, %dma_start3A_421, %dma_start3A_422] : memref<2x8x56x64xf32, #tpu.memory_space<vmem>> -> memref<1x1x50x64xf32, #tpu.memory_space<vmem>>
    %dma_start3A_424 = tpu.memref_squeeze %dma_start3A_423 : memref<1x1x50x64xf32, #tpu.memory_space<vmem>> -> memref<1x50x64xf32, #tpu.memory_space<vmem>>
    tpu.enqueue_dma source(%dma_start3A_424 : memref<1x50x64xf32, #tpu.memory_space<vmem>>) target(%dma_start3A_419 : memref<1x50x64xf32, #tpu.memory_space<hbm>>) target_semaphore(%arg9 : memref<!tpu.dma_semaphore, #tpu.memory_space<semaphore_mem>>)
    %add3A_425 = arith.constant 112 : i32
    %add3A_426 = arith.addi %mul3A_2, %add3A_425 : i32
    %add3A_427 = arith.constant 4 : i32
    %add3A_428 = arith.addi %add3A_426, %add3A_427 : i32
    %dma_start3A_429 = arith.constant 0 : i32
    %dma_start3A_430 = arith.constant 4 : i32
    %dma_start3A_431 = arith.constant 0 : i32
    %dma_start3A_432 = arith.constant 0 : i32
    %dma_start3A_433 = tpu.memref_slice %arg6[%dma_start3A_429, %dma_start3A_430, %dma_start3A_431, %dma_start3A_432] : memref<2x8x56x64xf32, #tpu.memory_space<vmem>> -> memref<1x1x50x64xf32, #tpu.memory_space<vmem>>
    %dma_start3A_434 = tpu.memref_squeeze %dma_start3A_433 : memref<1x1x50x64xf32, #tpu.memory_space<vmem>> -> memref<1x50x64xf32, #tpu.memory_space<vmem>>
    %dma_start3A_435 = arith.constant 0 : i32
    %dma_start3A_436 = arith.constant 0 : i32
    %dma_start3A_437 = tpu.memref_slice %arg4[%add3A_428, %dma_start3A_435, %dma_start3A_436] : memref<4096x50x64xf32, #tpu.memory_space<hbm>> -> memref<1x50x64xf32, #tpu.memory_space<hbm>>
    %dma_start3A_438 = arith.constant 0 : i32
    %dma_start3A_439 = arith.constant 0 : i32
    %dma_start3A_440 = tpu.memref_slice %arg4[%add3A_428, %dma_start3A_438, %dma_start3A_439] : memref<4096x50x64xf32, #tpu.memory_space<hbm>> -> memref<1x50x64xf32, #tpu.memory_space<hbm>>
    %dma_start3A_441 = arith.constant 4 : i32
    %dma_start3A_442 = arith.constant 0 : i32
    %dma_start3A_443 = arith.constant 0 : i32
    %dma_start3A_444 = tpu.memref_slice %arg6[%dma_start3A_429, %dma_start3A_441, %dma_start3A_442, %dma_start3A_443] : memref<2x8x56x64xf32, #tpu.memory_space<vmem>> -> memref<1x1x50x64xf32, #tpu.memory_space<vmem>>
    %dma_start3A_445 = tpu.memref_squeeze %dma_start3A_444 : memref<1x1x50x64xf32, #tpu.memory_space<vmem>> -> memref<1x50x64xf32, #tpu.memory_space<vmem>>
    tpu.enqueue_dma source(%dma_start3A_445 : memref<1x50x64xf32, #tpu.memory_space<vmem>>) target(%dma_start3A_440 : memref<1x50x64xf32, #tpu.memory_space<hbm>>) target_semaphore(%arg9 : memref<!tpu.dma_semaphore, #tpu.memory_space<semaphore_mem>>)
    %add3A_446 = arith.constant 112 : i32
    %add3A_447 = arith.addi %mul3A_2, %add3A_446 : i32
    %add3A_448 = arith.constant 5 : i32
    %add3A_449 = arith.addi %add3A_447, %add3A_448 : i32
    %dma_start3A_450 = arith.constant 0 : i32
    %dma_start3A_451 = arith.constant 5 : i32
    %dma_start3A_452 = arith.constant 0 : i32
    %dma_start3A_453 = arith.constant 0 : i32
    %dma_start3A_454 = tpu.memref_slice %arg6[%dma_start3A_450, %dma_start3A_451, %dma_start3A_452, %dma_start3A_453] : memref<2x8x56x64xf32, #tpu.memory_space<vmem>> -> memref<1x1x50x64xf32, #tpu.memory_space<vmem>>
    %dma_start3A_455 = tpu.memref_squeeze %dma_start3A_454 : memref<1x1x50x64xf32, #tpu.memory_space<vmem>> -> memref<1x50x64xf32, #tpu.memory_space<vmem>>
    %dma_start3A_456 = arith.constant 0 : i32
    %dma_start3A_457 = arith.constant 0 : i32
    %dma_start3A_458 = tpu.memref_slice %arg4[%add3A_449, %dma_start3A_456, %dma_start3A_457] : memref<4096x50x64xf32, #tpu.memory_space<hbm>> -> memref<1x50x64xf32, #tpu.memory_space<hbm>>
    %dma_start3A_459 = arith.constant 0 : i32
    %dma_start3A_460 = arith.constant 0 : i32
    %dma_start3A_461 = tpu.memref_slice %arg4[%add3A_449, %dma_start3A_459, %dma_start3A_460] : memref<4096x50x64xf32, #tpu.memory_space<hbm>> -> memref<1x50x64xf32, #tpu.memory_space<hbm>>
    %dma_start3A_462 = arith.constant 5 : i32
    %dma_start3A_463 = arith.constant 0 : i32
    %dma_start3A_464 = arith.constant 0 : i32
    %dma_start3A_465 = tpu.memref_slice %arg6[%dma_start3A_450, %dma_start3A_462, %dma_start3A_463, %dma_start3A_464] : memref<2x8x56x64xf32, #tpu.memory_space<vmem>> -> memref<1x1x50x64xf32, #tpu.memory_space<vmem>>
    %dma_start3A_466 = tpu.memref_squeeze %dma_start3A_465 : memref<1x1x50x64xf32, #tpu.memory_space<vmem>> -> memref<1x50x64xf32, #tpu.memory_space<vmem>>
    tpu.enqueue_dma source(%dma_start3A_466 : memref<1x50x64xf32, #tpu.memory_space<vmem>>) target(%dma_start3A_461 : memref<1x50x64xf32, #tpu.memory_space<hbm>>) target_semaphore(%arg9 : memref<!tpu.dma_semaphore, #tpu.memory_space<semaphore_mem>>)
    %add3A_467 = arith.constant 112 : i32
    %add3A_468 = arith.addi %mul3A_2, %add3A_467 : i32
    %add3A_469 = arith.constant 6 : i32
    %add3A_470 = arith.addi %add3A_468, %add3A_469 : i32
    %dma_start3A_471 = arith.constant 0 : i32
    %dma_start3A_472 = arith.constant 6 : i32
    %dma_start3A_473 = arith.constant 0 : i32
    %dma_start3A_474 = arith.constant 0 : i32
    %dma_start3A_475 = tpu.memref_slice %arg6[%dma_start3A_471, %dma_start3A_472, %dma_start3A_473, %dma_start3A_474] : memref<2x8x56x64xf32, #tpu.memory_space<vmem>> -> memref<1x1x50x64xf32, #tpu.memory_space<vmem>>
    %dma_start3A_476 = tpu.memref_squeeze %dma_start3A_475 : memref<1x1x50x64xf32, #tpu.memory_space<vmem>> -> memref<1x50x64xf32, #tpu.memory_space<vmem>>
    %dma_start3A_477 = arith.constant 0 : i32
    %dma_start3A_478 = arith.constant 0 : i32
    %dma_start3A_479 = tpu.memref_slice %arg4[%add3A_470, %dma_start3A_477, %dma_start3A_478] : memref<4096x50x64xf32, #tpu.memory_space<hbm>> -> memref<1x50x64xf32, #tpu.memory_space<hbm>>
    %dma_start3A_480 = arith.constant 0 : i32
    %dma_start3A_481 = arith.constant 0 : i32
    %dma_start3A_482 = tpu.memref_slice %arg4[%add3A_470, %dma_start3A_480, %dma_start3A_481] : memref<4096x50x64xf32, #tpu.memory_space<hbm>> -> memref<1x50x64xf32, #tpu.memory_space<hbm>>
    %dma_start3A_483 = arith.constant 6 : i32
    %dma_start3A_484 = arith.constant 0 : i32
    %dma_start3A_485 = arith.constant 0 : i32
    %dma_start3A_486 = tpu.memref_slice %arg6[%dma_start3A_471, %dma_start3A_483, %dma_start3A_484, %dma_start3A_485] : memref<2x8x56x64xf32, #tpu.memory_space<vmem>> -> memref<1x1x50x64xf32, #tpu.memory_space<vmem>>
    %dma_start3A_487 = tpu.memref_squeeze %dma_start3A_486 : memref<1x1x50x64xf32, #tpu.memory_space<vmem>> -> memref<1x50x64xf32, #tpu.memory_space<vmem>>
    tpu.enqueue_dma source(%dma_start3A_487 : memref<1x50x64xf32, #tpu.memory_space<vmem>>) target(%dma_start3A_482 : memref<1x50x64xf32, #tpu.memory_space<hbm>>) target_semaphore(%arg9 : memref<!tpu.dma_semaphore, #tpu.memory_space<semaphore_mem>>)
    %add3A_488 = arith.constant 112 : i32
    %add3A_489 = arith.addi %mul3A_2, %add3A_488 : i32
    %add3A_490 = arith.constant 7 : i32
    %add3A_491 = arith.addi %add3A_489, %add3A_490 : i32
    %dma_start3A_492 = arith.constant 0 : i32
    %dma_start3A_493 = arith.constant 7 : i32
    %dma_start3A_494 = arith.constant 0 : i32
    %dma_start3A_495 = arith.constant 0 : i32
    %dma_start3A_496 = tpu.memref_slice %arg6[%dma_start3A_492, %dma_start3A_493, %dma_start3A_494, %dma_start3A_495] : memref<2x8x56x64xf32, #tpu.memory_space<vmem>> -> memref<1x1x50x64xf32, #tpu.memory_space<vmem>>
    %dma_start3A_497 = tpu.memref_squeeze %dma_start3A_496 : memref<1x1x50x64xf32, #tpu.memory_space<vmem>> -> memref<1x50x64xf32, #tpu.memory_space<vmem>>
    %dma_start3A_498 = arith.constant 0 : i32
    %dma_start3A_499 = arith.constant 0 : i32
    %dma_start3A_500 = tpu.memref_slice %arg4[%add3A_491, %dma_start3A_498, %dma_start3A_499] : memref<4096x50x64xf32, #tpu.memory_space<hbm>> -> memref<1x50x64xf32, #tpu.memory_space<hbm>>
    %dma_start3A_501 = arith.constant 0 : i32
    %dma_start3A_502 = arith.constant 0 : i32
    %dma_start3A_503 = tpu.memref_slice %arg4[%add3A_491, %dma_start3A_501, %dma_start3A_502] : memref<4096x50x64xf32, #tpu.memory_space<hbm>> -> memref<1x50x64xf32, #tpu.memory_space<hbm>>
    %dma_start3A_504 = arith.constant 7 : i32
    %dma_start3A_505 = arith.constant 0 : i32
    %dma_start3A_506 = arith.constant 0 : i32
    %dma_start3A_507 = tpu.memref_slice %arg6[%dma_start3A_492, %dma_start3A_504, %dma_start3A_505, %dma_start3A_506] : memref<2x8x56x64xf32, #tpu.memory_space<vmem>> -> memref<1x1x50x64xf32, #tpu.memory_space<vmem>>
    %dma_start3A_508 = tpu.memref_squeeze %dma_start3A_507 : memref<1x1x50x64xf32, #tpu.memory_space<vmem>> -> memref<1x50x64xf32, #tpu.memory_space<vmem>>
    tpu.enqueue_dma source(%dma_start3A_508 : memref<1x50x64xf32, #tpu.memory_space<vmem>>) target(%dma_start3A_503 : memref<1x50x64xf32, #tpu.memory_space<hbm>>) target_semaphore(%arg9 : memref<!tpu.dma_semaphore, #tpu.memory_space<semaphore_mem>>)
    %dma_wait3A_509 = arith.constant 0 : i32
    %dma_wait3A_510 = arith.constant 0 : i32
    %dma_wait3A_511 = arith.constant 0 : i32
    %dma_wait3A_512 = arith.constant 0 : i32
    %dma_wait3A_513 = tpu.memref_slice %arg6[%dma_wait3A_509, %dma_wait3A_510, %dma_wait3A_511, %dma_wait3A_512] : memref<2x8x56x64xf32, #tpu.memory_space<vmem>> -> memref<1x8x50x64xf32, #tpu.memory_space<vmem>>
    %dma_wait3A_514 = tpu.memref_squeeze %dma_wait3A_513 : memref<1x8x50x64xf32, #tpu.memory_space<vmem>> -> memref<8x50x64xf32, #tpu.memory_space<vmem>>
    %dma_wait3A_515 = arith.constant 0 : i32
    %dma_wait3A_516 = arith.constant 0 : i32
    %dma_wait3A_517 = arith.constant 0 : i32
    %dma_wait3A_518 = tpu.memref_slice %arg4[%dma_wait3A_515, %dma_wait3A_516, %dma_wait3A_517] : memref<4096x50x64xf32, #tpu.memory_space<hbm>> -> memref<8x50x64xf32, #tpu.memory_space<hbm>>
    %dma_wait3A_519 = arith.constant 0 : i32
    %dma_wait3A_520 = arith.constant 0 : i32
    %dma_wait3A_521 = arith.constant 0 : i32
    %dma_wait3A_522 = tpu.memref_slice %arg6[%dma_wait3A_509, %dma_wait3A_519, %dma_wait3A_520, %dma_wait3A_521] : memref<2x8x56x64xf32, #tpu.memory_space<vmem>> -> memref<1x8x50x64xf32, #tpu.memory_space<vmem>>
    %dma_wait3A_523 = tpu.memref_squeeze %dma_wait3A_522 : memref<1x8x50x64xf32, #tpu.memory_space<vmem>> -> memref<8x50x64xf32, #tpu.memory_space<vmem>>
    %dma_wait3A_524 = arith.constant 0 : i32
    %dma_wait3A_525 = arith.constant 0 : i32
    %dma_wait3A_526 = arith.constant 0 : i32
    %dma_wait3A_527 = tpu.memref_slice %arg4[%dma_wait3A_524, %dma_wait3A_525, %dma_wait3A_526] : memref<4096x50x64xf32, #tpu.memory_space<hbm>> -> memref<8x50x64xf32, #tpu.memory_space<hbm>>
    tpu.wait_dma2 semaphore(%arg9 : memref<!tpu.dma_semaphore, #tpu.memory_space<semaphore_mem>>) src(%dma_wait3A_527 : memref<8x50x64xf32, #tpu.memory_space<hbm>>) dst(%dma_wait3A_523 : memref<8x50x64xf32, #tpu.memory_space<vmem>>)
    %dma_wait3A_528 = arith.constant 1 : i32
    %dma_wait3A_529 = arith.constant 0 : i32
    %dma_wait3A_530 = arith.constant 0 : i32
    %dma_wait3A_531 = arith.constant 0 : i32
    %dma_wait3A_532 = tpu.memref_slice %arg6[%dma_wait3A_528, %dma_wait3A_529, %dma_wait3A_530, %dma_wait3A_531] : memref<2x8x56x64xf32, #tpu.memory_space<vmem>> -> memref<1x1x56x64xf32, #tpu.memory_space<vmem>>
    %dma_wait3A_533 = tpu.memref_squeeze %dma_wait3A_532 : memref<1x1x56x64xf32, #tpu.memory_space<vmem>> -> memref<56x64xf32, #tpu.memory_space<vmem>>
    %dma_wait3A_534 = arith.constant 0 : i32
    %dma_wait3A_535 = arith.constant 0 : i32
    %dma_wait3A_536 = tpu.memref_slice %arg3[%dma_wait3A_534, %dma_wait3A_535] : memref<100000x64xf32, #tpu.memory_space<hbm>> -> memref<56x64xf32, #tpu.memory_space<hbm>>
    %dma_wait3A_537 = arith.constant 0 : i32
    %dma_wait3A_538 = arith.constant 0 : i32
    %dma_wait3A_539 = tpu.memref_slice %arg6[%dma_wait3A_528, %dma_wait3A_529, %dma_wait3A_537, %dma_wait3A_538] : memref<2x8x56x64xf32, #tpu.memory_space<vmem>> -> memref<1x1x56x64xf32, #tpu.memory_space<vmem>>
    %dma_wait3A_540 = tpu.memref_squeeze %dma_wait3A_539 : memref<1x1x56x64xf32, #tpu.memory_space<vmem>> -> memref<56x64xf32, #tpu.memory_space<vmem>>
    %dma_wait3A_541 = arith.constant 0 : i32
    %dma_wait3A_542 = arith.constant 0 : i32
    %dma_wait3A_543 = tpu.memref_slice %arg3[%dma_wait3A_541, %dma_wait3A_542] : memref<100000x64xf32, #tpu.memory_space<hbm>> -> memref<56x64xf32, #tpu.memory_space<hbm>>
    tpu.wait_dma2 semaphore(%arg8 : memref<!tpu.dma_semaphore, #tpu.memory_space<semaphore_mem>>) src(%dma_wait3A_543 : memref<56x64xf32, #tpu.memory_space<hbm>>) dst(%dma_wait3A_540 : memref<56x64xf32, #tpu.memory_space<vmem>>)
    %dma_wait3A_544 = arith.constant 1 : i32
    %dma_wait3A_545 = arith.constant 1 : i32
    %dma_wait3A_546 = arith.constant 0 : i32
    %dma_wait3A_547 = arith.constant 0 : i32
    %dma_wait3A_548 = tpu.memref_slice %arg6[%dma_wait3A_544, %dma_wait3A_545, %dma_wait3A_546, %dma_wait3A_547] : memref<2x8x56x64xf32, #tpu.memory_space<vmem>> -> memref<1x1x56x64xf32, #tpu.memory_space<vmem>>
    %dma_wait3A_549 = tpu.memref_squeeze %dma_wait3A_548 : memref<1x1x56x64xf32, #tpu.memory_space<vmem>> -> memref<56x64xf32, #tpu.memory_space<vmem>>
    %dma_wait3A_550 = arith.constant 0 : i32
    %dma_wait3A_551 = arith.constant 0 : i32
    %dma_wait3A_552 = tpu.memref_slice %arg3[%dma_wait3A_550, %dma_wait3A_551] : memref<100000x64xf32, #tpu.memory_space<hbm>> -> memref<56x64xf32, #tpu.memory_space<hbm>>
    %dma_wait3A_553 = arith.constant 0 : i32
    %dma_wait3A_554 = arith.constant 0 : i32
    %dma_wait3A_555 = tpu.memref_slice %arg6[%dma_wait3A_544, %dma_wait3A_545, %dma_wait3A_553, %dma_wait3A_554] : memref<2x8x56x64xf32, #tpu.memory_space<vmem>> -> memref<1x1x56x64xf32, #tpu.memory_space<vmem>>
    %dma_wait3A_556 = tpu.memref_squeeze %dma_wait3A_555 : memref<1x1x56x64xf32, #tpu.memory_space<vmem>> -> memref<56x64xf32, #tpu.memory_space<vmem>>
    %dma_wait3A_557 = arith.constant 0 : i32
    %dma_wait3A_558 = arith.constant 0 : i32
    %dma_wait3A_559 = tpu.memref_slice %arg3[%dma_wait3A_557, %dma_wait3A_558] : memref<100000x64xf32, #tpu.memory_space<hbm>> -> memref<56x64xf32, #tpu.memory_space<hbm>>
    tpu.wait_dma2 semaphore(%arg8 : memref<!tpu.dma_semaphore, #tpu.memory_space<semaphore_mem>>) src(%dma_wait3A_559 : memref<56x64xf32, #tpu.memory_space<hbm>>) dst(%dma_wait3A_556 : memref<56x64xf32, #tpu.memory_space<vmem>>)
    %dma_wait3A_560 = arith.constant 1 : i32
    %dma_wait3A_561 = arith.constant 2 : i32
    %dma_wait3A_562 = arith.constant 0 : i32
    %dma_wait3A_563 = arith.constant 0 : i32
    %dma_wait3A_564 = tpu.memref_slice %arg6[%dma_wait3A_560, %dma_wait3A_561, %dma_wait3A_562, %dma_wait3A_563] : memref<2x8x56x64xf32, #tpu.memory_space<vmem>> -> memref<1x1x56x64xf32, #tpu.memory_space<vmem>>
    %dma_wait3A_565 = tpu.memref_squeeze %dma_wait3A_564 : memref<1x1x56x64xf32, #tpu.memory_space<vmem>> -> memref<56x64xf32, #tpu.memory_space<vmem>>
    %dma_wait3A_566 = arith.constant 0 : i32
    %dma_wait3A_567 = arith.constant 0 : i32
    %dma_wait3A_568 = tpu.memref_slice %arg3[%dma_wait3A_566, %dma_wait3A_567] : memref<100000x64xf32, #tpu.memory_space<hbm>> -> memref<56x64xf32, #tpu.memory_space<hbm>>
    %dma_wait3A_569 = arith.constant 0 : i32
    %dma_wait3A_570 = arith.constant 0 : i32
    %dma_wait3A_571 = tpu.memref_slice %arg6[%dma_wait3A_560, %dma_wait3A_561, %dma_wait3A_569, %dma_wait3A_570] : memref<2x8x56x64xf32, #tpu.memory_space<vmem>> -> memref<1x1x56x64xf32, #tpu.memory_space<vmem>>
    %dma_wait3A_572 = tpu.memref_squeeze %dma_wait3A_571 : memref<1x1x56x64xf32, #tpu.memory_space<vmem>> -> memref<56x64xf32, #tpu.memory_space<vmem>>
    %dma_wait3A_573 = arith.constant 0 : i32
    %dma_wait3A_574 = arith.constant 0 : i32
    %dma_wait3A_575 = tpu.memref_slice %arg3[%dma_wait3A_573, %dma_wait3A_574] : memref<100000x64xf32, #tpu.memory_space<hbm>> -> memref<56x64xf32, #tpu.memory_space<hbm>>
    tpu.wait_dma2 semaphore(%arg8 : memref<!tpu.dma_semaphore, #tpu.memory_space<semaphore_mem>>) src(%dma_wait3A_575 : memref<56x64xf32, #tpu.memory_space<hbm>>) dst(%dma_wait3A_572 : memref<56x64xf32, #tpu.memory_space<vmem>>)
    %dma_wait3A_576 = arith.constant 1 : i32
    %dma_wait3A_577 = arith.constant 3 : i32
    %dma_wait3A_578 = arith.constant 0 : i32
    %dma_wait3A_579 = arith.constant 0 : i32
    %dma_wait3A_580 = tpu.memref_slice %arg6[%dma_wait3A_576, %dma_wait3A_577, %dma_wait3A_578, %dma_wait3A_579] : memref<2x8x56x64xf32, #tpu.memory_space<vmem>> -> memref<1x1x56x64xf32, #tpu.memory_space<vmem>>
    %dma_wait3A_581 = tpu.memref_squeeze %dma_wait3A_580 : memref<1x1x56x64xf32, #tpu.memory_space<vmem>> -> memref<56x64xf32, #tpu.memory_space<vmem>>
    %dma_wait3A_582 = arith.constant 0 : i32
    %dma_wait3A_583 = arith.constant 0 : i32
    %dma_wait3A_584 = tpu.memref_slice %arg3[%dma_wait3A_582, %dma_wait3A_583] : memref<100000x64xf32, #tpu.memory_space<hbm>> -> memref<56x64xf32, #tpu.memory_space<hbm>>
    %dma_wait3A_585 = arith.constant 0 : i32
    %dma_wait3A_586 = arith.constant 0 : i32
    %dma_wait3A_587 = tpu.memref_slice %arg6[%dma_wait3A_576, %dma_wait3A_577, %dma_wait3A_585, %dma_wait3A_586] : memref<2x8x56x64xf32, #tpu.memory_space<vmem>> -> memref<1x1x56x64xf32, #tpu.memory_space<vmem>>
    %dma_wait3A_588 = tpu.memref_squeeze %dma_wait3A_587 : memref<1x1x56x64xf32, #tpu.memory_space<vmem>> -> memref<56x64xf32, #tpu.memory_space<vmem>>
    %dma_wait3A_589 = arith.constant 0 : i32
    %dma_wait3A_590 = arith.constant 0 : i32
    %dma_wait3A_591 = tpu.memref_slice %arg3[%dma_wait3A_589, %dma_wait3A_590] : memref<100000x64xf32, #tpu.memory_space<hbm>> -> memref<56x64xf32, #tpu.memory_space<hbm>>
    tpu.wait_dma2 semaphore(%arg8 : memref<!tpu.dma_semaphore, #tpu.memory_space<semaphore_mem>>) src(%dma_wait3A_591 : memref<56x64xf32, #tpu.memory_space<hbm>>) dst(%dma_wait3A_588 : memref<56x64xf32, #tpu.memory_space<vmem>>)
    %dma_wait3A_592 = arith.constant 1 : i32
    %dma_wait3A_593 = arith.constant 4 : i32
    %dma_wait3A_594 = arith.constant 0 : i32
    %dma_wait3A_595 = arith.constant 0 : i32
    %dma_wait3A_596 = tpu.memref_slice %arg6[%dma_wait3A_592, %dma_wait3A_593, %dma_wait3A_594, %dma_wait3A_595] : memref<2x8x56x64xf32, #tpu.memory_space<vmem>> -> memref<1x1x56x64xf32, #tpu.memory_space<vmem>>
    %dma_wait3A_597 = tpu.memref_squeeze %dma_wait3A_596 : memref<1x1x56x64xf32, #tpu.memory_space<vmem>> -> memref<56x64xf32, #tpu.memory_space<vmem>>
    %dma_wait3A_598 = arith.constant 0 : i32
    %dma_wait3A_599 = arith.constant 0 : i32
    %dma_wait3A_600 = tpu.memref_slice %arg3[%dma_wait3A_598, %dma_wait3A_599] : memref<100000x64xf32, #tpu.memory_space<hbm>> -> memref<56x64xf32, #tpu.memory_space<hbm>>
    %dma_wait3A_601 = arith.constant 0 : i32
    %dma_wait3A_602 = arith.constant 0 : i32
    %dma_wait3A_603 = tpu.memref_slice %arg6[%dma_wait3A_592, %dma_wait3A_593, %dma_wait3A_601, %dma_wait3A_602] : memref<2x8x56x64xf32, #tpu.memory_space<vmem>> -> memref<1x1x56x64xf32, #tpu.memory_space<vmem>>
    %dma_wait3A_604 = tpu.memref_squeeze %dma_wait3A_603 : memref<1x1x56x64xf32, #tpu.memory_space<vmem>> -> memref<56x64xf32, #tpu.memory_space<vmem>>
    %dma_wait3A_605 = arith.constant 0 : i32
    %dma_wait3A_606 = arith.constant 0 : i32
    %dma_wait3A_607 = tpu.memref_slice %arg3[%dma_wait3A_605, %dma_wait3A_606] : memref<100000x64xf32, #tpu.memory_space<hbm>> -> memref<56x64xf32, #tpu.memory_space<hbm>>
    tpu.wait_dma2 semaphore(%arg8 : memref<!tpu.dma_semaphore, #tpu.memory_space<semaphore_mem>>) src(%dma_wait3A_607 : memref<56x64xf32, #tpu.memory_space<hbm>>) dst(%dma_wait3A_604 : memref<56x64xf32, #tpu.memory_space<vmem>>)
    %dma_wait3A_608 = arith.constant 1 : i32
    %dma_wait3A_609 = arith.constant 5 : i32
    %dma_wait3A_610 = arith.constant 0 : i32
    %dma_wait3A_611 = arith.constant 0 : i32
    %dma_wait3A_612 = tpu.memref_slice %arg6[%dma_wait3A_608, %dma_wait3A_609, %dma_wait3A_610, %dma_wait3A_611] : memref<2x8x56x64xf32, #tpu.memory_space<vmem>> -> memref<1x1x56x64xf32, #tpu.memory_space<vmem>>
    %dma_wait3A_613 = tpu.memref_squeeze %dma_wait3A_612 : memref<1x1x56x64xf32, #tpu.memory_space<vmem>> -> memref<56x64xf32, #tpu.memory_space<vmem>>
    %dma_wait3A_614 = arith.constant 0 : i32
    %dma_wait3A_615 = arith.constant 0 : i32
    %dma_wait3A_616 = tpu.memref_slice %arg3[%dma_wait3A_614, %dma_wait3A_615] : memref<100000x64xf32, #tpu.memory_space<hbm>> -> memref<56x64xf32, #tpu.memory_space<hbm>>
    %dma_wait3A_617 = arith.constant 0 : i32
    %dma_wait3A_618 = arith.constant 0 : i32
    %dma_wait3A_619 = tpu.memref_slice %arg6[%dma_wait3A_608, %dma_wait3A_609, %dma_wait3A_617, %dma_wait3A_618] : memref<2x8x56x64xf32, #tpu.memory_space<vmem>> -> memref<1x1x56x64xf32, #tpu.memory_space<vmem>>
    %dma_wait3A_620 = tpu.memref_squeeze %dma_wait3A_619 : memref<1x1x56x64xf32, #tpu.memory_space<vmem>> -> memref<56x64xf32, #tpu.memory_space<vmem>>
    %dma_wait3A_621 = arith.constant 0 : i32
    %dma_wait3A_622 = arith.constant 0 : i32
    %dma_wait3A_623 = tpu.memref_slice %arg3[%dma_wait3A_621, %dma_wait3A_622] : memref<100000x64xf32, #tpu.memory_space<hbm>> -> memref<56x64xf32, #tpu.memory_space<hbm>>
    tpu.wait_dma2 semaphore(%arg8 : memref<!tpu.dma_semaphore, #tpu.memory_space<semaphore_mem>>) src(%dma_wait3A_623 : memref<56x64xf32, #tpu.memory_space<hbm>>) dst(%dma_wait3A_620 : memref<56x64xf32, #tpu.memory_space<vmem>>)
    %dma_wait3A_624 = arith.constant 1 : i32
    %dma_wait3A_625 = arith.constant 6 : i32
    %dma_wait3A_626 = arith.constant 0 : i32
    %dma_wait3A_627 = arith.constant 0 : i32
    %dma_wait3A_628 = tpu.memref_slice %arg6[%dma_wait3A_624, %dma_wait3A_625, %dma_wait3A_626, %dma_wait3A_627] : memref<2x8x56x64xf32, #tpu.memory_space<vmem>> -> memref<1x1x56x64xf32, #tpu.memory_space<vmem>>
    %dma_wait3A_629 = tpu.memref_squeeze %dma_wait3A_628 : memref<1x1x56x64xf32, #tpu.memory_space<vmem>> -> memref<56x64xf32, #tpu.memory_space<vmem>>
    %dma_wait3A_630 = arith.constant 0 : i32
    %dma_wait3A_631 = arith.constant 0 : i32
    %dma_wait3A_632 = tpu.memref_slice %arg3[%dma_wait3A_630, %dma_wait3A_631] : memref<100000x64xf32, #tpu.memory_space<hbm>> -> memref<56x64xf32, #tpu.memory_space<hbm>>
    %dma_wait3A_633 = arith.constant 0 : i32
    %dma_wait3A_634 = arith.constant 0 : i32
    %dma_wait3A_635 = tpu.memref_slice %arg6[%dma_wait3A_624, %dma_wait3A_625, %dma_wait3A_633, %dma_wait3A_634] : memref<2x8x56x64xf32, #tpu.memory_space<vmem>> -> memref<1x1x56x64xf32, #tpu.memory_space<vmem>>
    %dma_wait3A_636 = tpu.memref_squeeze %dma_wait3A_635 : memref<1x1x56x64xf32, #tpu.memory_space<vmem>> -> memref<56x64xf32, #tpu.memory_space<vmem>>
    %dma_wait3A_637 = arith.constant 0 : i32
    %dma_wait3A_638 = arith.constant 0 : i32
    %dma_wait3A_639 = tpu.memref_slice %arg3[%dma_wait3A_637, %dma_wait3A_638] : memref<100000x64xf32, #tpu.memory_space<hbm>> -> memref<56x64xf32, #tpu.memory_space<hbm>>
    tpu.wait_dma2 semaphore(%arg8 : memref<!tpu.dma_semaphore, #tpu.memory_space<semaphore_mem>>) src(%dma_wait3A_639 : memref<56x64xf32, #tpu.memory_space<hbm>>) dst(%dma_wait3A_636 : memref<56x64xf32, #tpu.memory_space<vmem>>)
    %dma_wait3A_640 = arith.constant 1 : i32
    %dma_wait3A_641 = arith.constant 7 : i32
    %dma_wait3A_642 = arith.constant 0 : i32
    %dma_wait3A_643 = arith.constant 0 : i32
    %dma_wait3A_644 = tpu.memref_slice %arg6[%dma_wait3A_640, %dma_wait3A_641, %dma_wait3A_642, %dma_wait3A_643] : memref<2x8x56x64xf32, #tpu.memory_space<vmem>> -> memref<1x1x56x64xf32, #tpu.memory_space<vmem>>
    %dma_wait3A_645 = tpu.memref_squeeze %dma_wait3A_644 : memref<1x1x56x64xf32, #tpu.memory_space<vmem>> -> memref<56x64xf32, #tpu.memory_space<vmem>>
    %dma_wait3A_646 = arith.constant 0 : i32
    %dma_wait3A_647 = arith.constant 0 : i32
    %dma_wait3A_648 = tpu.memref_slice %arg3[%dma_wait3A_646, %dma_wait3A_647] : memref<100000x64xf32, #tpu.memory_space<hbm>> -> memref<56x64xf32, #tpu.memory_space<hbm>>
    %dma_wait3A_649 = arith.constant 0 : i32
    %dma_wait3A_650 = arith.constant 0 : i32
    %dma_wait3A_651 = tpu.memref_slice %arg6[%dma_wait3A_640, %dma_wait3A_641, %dma_wait3A_649, %dma_wait3A_650] : memref<2x8x56x64xf32, #tpu.memory_space<vmem>> -> memref<1x1x56x64xf32, #tpu.memory_space<vmem>>
    %dma_wait3A_652 = tpu.memref_squeeze %dma_wait3A_651 : memref<1x1x56x64xf32, #tpu.memory_space<vmem>> -> memref<56x64xf32, #tpu.memory_space<vmem>>
    %dma_wait3A_653 = arith.constant 0 : i32
    %dma_wait3A_654 = arith.constant 0 : i32
    %dma_wait3A_655 = tpu.memref_slice %arg3[%dma_wait3A_653, %dma_wait3A_654] : memref<100000x64xf32, #tpu.memory_space<hbm>> -> memref<56x64xf32, #tpu.memory_space<hbm>>
    tpu.wait_dma2 semaphore(%arg8 : memref<!tpu.dma_semaphore, #tpu.memory_space<semaphore_mem>>) src(%dma_wait3A_655 : memref<56x64xf32, #tpu.memory_space<hbm>>) dst(%dma_wait3A_652 : memref<56x64xf32, #tpu.memory_space<vmem>>)
    %add3A_656 = arith.constant 120 : i32
    %add3A_657 = arith.addi %mul3A_2, %add3A_656 : i32
    %add3A_658 = arith.constant 0 : i32
    %add3A_659 = arith.addi %add3A_657, %add3A_658 : i32
    %dma_start3A_660 = arith.constant 1 : i32
    %dma_start3A_661 = arith.constant 0 : i32
    %dma_start3A_662 = arith.constant 0 : i32
    %dma_start3A_663 = arith.constant 0 : i32
    %dma_start3A_664 = tpu.memref_slice %arg6[%dma_start3A_660, %dma_start3A_661, %dma_start3A_662, %dma_start3A_663] : memref<2x8x56x64xf32, #tpu.memory_space<vmem>> -> memref<1x1x50x64xf32, #tpu.memory_space<vmem>>
    %dma_start3A_665 = tpu.memref_squeeze %dma_start3A_664 : memref<1x1x50x64xf32, #tpu.memory_space<vmem>> -> memref<1x50x64xf32, #tpu.memory_space<vmem>>
    %dma_start3A_666 = arith.constant 0 : i32
    %dma_start3A_667 = arith.constant 0 : i32
    %dma_start3A_668 = tpu.memref_slice %arg4[%add3A_659, %dma_start3A_666, %dma_start3A_667] : memref<4096x50x64xf32, #tpu.memory_space<hbm>> -> memref<1x50x64xf32, #tpu.memory_space<hbm>>
    %dma_start3A_669 = arith.constant 0 : i32
    %dma_start3A_670 = arith.constant 0 : i32
    %dma_start3A_671 = tpu.memref_slice %arg4[%add3A_659, %dma_start3A_669, %dma_start3A_670] : memref<4096x50x64xf32, #tpu.memory_space<hbm>> -> memref<1x50x64xf32, #tpu.memory_space<hbm>>
    %dma_start3A_672 = arith.constant 0 : i32
    %dma_start3A_673 = arith.constant 0 : i32
    %dma_start3A_674 = arith.constant 0 : i32
    %dma_start3A_675 = tpu.memref_slice %arg6[%dma_start3A_660, %dma_start3A_672, %dma_start3A_673, %dma_start3A_674] : memref<2x8x56x64xf32, #tpu.memory_space<vmem>> -> memref<1x1x50x64xf32, #tpu.memory_space<vmem>>
    %dma_start3A_676 = tpu.memref_squeeze %dma_start3A_675 : memref<1x1x50x64xf32, #tpu.memory_space<vmem>> -> memref<1x50x64xf32, #tpu.memory_space<vmem>>
    tpu.enqueue_dma source(%dma_start3A_676 : memref<1x50x64xf32, #tpu.memory_space<vmem>>) target(%dma_start3A_671 : memref<1x50x64xf32, #tpu.memory_space<hbm>>) target_semaphore(%arg10 : memref<!tpu.dma_semaphore, #tpu.memory_space<semaphore_mem>>)
    %add3A_677 = arith.constant 120 : i32
    %add3A_678 = arith.addi %mul3A_2, %add3A_677 : i32
    %add3A_679 = arith.constant 1 : i32
    %add3A_680 = arith.addi %add3A_678, %add3A_679 : i32
    %dma_start3A_681 = arith.constant 1 : i32
    %dma_start3A_682 = arith.constant 1 : i32
    %dma_start3A_683 = arith.constant 0 : i32
    %dma_start3A_684 = arith.constant 0 : i32
    %dma_start3A_685 = tpu.memref_slice %arg6[%dma_start3A_681, %dma_start3A_682, %dma_start3A_683, %dma_start3A_684] : memref<2x8x56x64xf32, #tpu.memory_space<vmem>> -> memref<1x1x50x64xf32, #tpu.memory_space<vmem>>
    %dma_start3A_686 = tpu.memref_squeeze %dma_start3A_685 : memref<1x1x50x64xf32, #tpu.memory_space<vmem>> -> memref<1x50x64xf32, #tpu.memory_space<vmem>>
    %dma_start3A_687 = arith.constant 0 : i32
    %dma_start3A_688 = arith.constant 0 : i32
    %dma_start3A_689 = tpu.memref_slice %arg4[%add3A_680, %dma_start3A_687, %dma_start3A_688] : memref<4096x50x64xf32, #tpu.memory_space<hbm>> -> memref<1x50x64xf32, #tpu.memory_space<hbm>>
    %dma_start3A_690 = arith.constant 0 : i32
    %dma_start3A_691 = arith.constant 0 : i32
    %dma_start3A_692 = tpu.memref_slice %arg4[%add3A_680, %dma_start3A_690, %dma_start3A_691] : memref<4096x50x64xf32, #tpu.memory_space<hbm>> -> memref<1x50x64xf32, #tpu.memory_space<hbm>>
    %dma_start3A_693 = arith.constant 1 : i32
    %dma_start3A_694 = arith.constant 0 : i32
    %dma_start3A_695 = arith.constant 0 : i32
    %dma_start3A_696 = tpu.memref_slice %arg6[%dma_start3A_681, %dma_start3A_693, %dma_start3A_694, %dma_start3A_695] : memref<2x8x56x64xf32, #tpu.memory_space<vmem>> -> memref<1x1x50x64xf32, #tpu.memory_space<vmem>>
    %dma_start3A_697 = tpu.memref_squeeze %dma_start3A_696 : memref<1x1x50x64xf32, #tpu.memory_space<vmem>> -> memref<1x50x64xf32, #tpu.memory_space<vmem>>
    tpu.enqueue_dma source(%dma_start3A_697 : memref<1x50x64xf32, #tpu.memory_space<vmem>>) target(%dma_start3A_692 : memref<1x50x64xf32, #tpu.memory_space<hbm>>) target_semaphore(%arg10 : memref<!tpu.dma_semaphore, #tpu.memory_space<semaphore_mem>>)
    %add3A_698 = arith.constant 120 : i32
    %add3A_699 = arith.addi %mul3A_2, %add3A_698 : i32
    %add3A_700 = arith.constant 2 : i32
    %add3A_701 = arith.addi %add3A_699, %add3A_700 : i32
    %dma_start3A_702 = arith.constant 1 : i32
    %dma_start3A_703 = arith.constant 2 : i32
    %dma_start3A_704 = arith.constant 0 : i32
    %dma_start3A_705 = arith.constant 0 : i32
    %dma_start3A_706 = tpu.memref_slice %arg6[%dma_start3A_702, %dma_start3A_703, %dma_start3A_704, %dma_start3A_705] : memref<2x8x56x64xf32, #tpu.memory_space<vmem>> -> memref<1x1x50x64xf32, #tpu.memory_space<vmem>>
    %dma_start3A_707 = tpu.memref_squeeze %dma_start3A_706 : memref<1x1x50x64xf32, #tpu.memory_space<vmem>> -> memref<1x50x64xf32, #tpu.memory_space<vmem>>
    %dma_start3A_708 = arith.constant 0 : i32
    %dma_start3A_709 = arith.constant 0 : i32
    %dma_start3A_710 = tpu.memref_slice %arg4[%add3A_701, %dma_start3A_708, %dma_start3A_709] : memref<4096x50x64xf32, #tpu.memory_space<hbm>> -> memref<1x50x64xf32, #tpu.memory_space<hbm>>
    %dma_start3A_711 = arith.constant 0 : i32
    %dma_start3A_712 = arith.constant 0 : i32
    %dma_start3A_713 = tpu.memref_slice %arg4[%add3A_701, %dma_start3A_711, %dma_start3A_712] : memref<4096x50x64xf32, #tpu.memory_space<hbm>> -> memref<1x50x64xf32, #tpu.memory_space<hbm>>
    %dma_start3A_714 = arith.constant 2 : i32
    %dma_start3A_715 = arith.constant 0 : i32
    %dma_start3A_716 = arith.constant 0 : i32
    %dma_start3A_717 = tpu.memref_slice %arg6[%dma_start3A_702, %dma_start3A_714, %dma_start3A_715, %dma_start3A_716] : memref<2x8x56x64xf32, #tpu.memory_space<vmem>> -> memref<1x1x50x64xf32, #tpu.memory_space<vmem>>
    %dma_start3A_718 = tpu.memref_squeeze %dma_start3A_717 : memref<1x1x50x64xf32, #tpu.memory_space<vmem>> -> memref<1x50x64xf32, #tpu.memory_space<vmem>>
    tpu.enqueue_dma source(%dma_start3A_718 : memref<1x50x64xf32, #tpu.memory_space<vmem>>) target(%dma_start3A_713 : memref<1x50x64xf32, #tpu.memory_space<hbm>>) target_semaphore(%arg10 : memref<!tpu.dma_semaphore, #tpu.memory_space<semaphore_mem>>)
    %add3A_719 = arith.constant 120 : i32
    %add3A_720 = arith.addi %mul3A_2, %add3A_719 : i32
    %add3A_721 = arith.constant 3 : i32
    %add3A_722 = arith.addi %add3A_720, %add3A_721 : i32
    %dma_start3A_723 = arith.constant 1 : i32
    %dma_start3A_724 = arith.constant 3 : i32
    %dma_start3A_725 = arith.constant 0 : i32
    %dma_start3A_726 = arith.constant 0 : i32
    %dma_start3A_727 = tpu.memref_slice %arg6[%dma_start3A_723, %dma_start3A_724, %dma_start3A_725, %dma_start3A_726] : memref<2x8x56x64xf32, #tpu.memory_space<vmem>> -> memref<1x1x50x64xf32, #tpu.memory_space<vmem>>
    %dma_start3A_728 = tpu.memref_squeeze %dma_start3A_727 : memref<1x1x50x64xf32, #tpu.memory_space<vmem>> -> memref<1x50x64xf32, #tpu.memory_space<vmem>>
    %dma_start3A_729 = arith.constant 0 : i32
    %dma_start3A_730 = arith.constant 0 : i32
    %dma_start3A_731 = tpu.memref_slice %arg4[%add3A_722, %dma_start3A_729, %dma_start3A_730] : memref<4096x50x64xf32, #tpu.memory_space<hbm>> -> memref<1x50x64xf32, #tpu.memory_space<hbm>>
    %dma_start3A_732 = arith.constant 0 : i32
    %dma_start3A_733 = arith.constant 0 : i32
    %dma_start3A_734 = tpu.memref_slice %arg4[%add3A_722, %dma_start3A_732, %dma_start3A_733] : memref<4096x50x64xf32, #tpu.memory_space<hbm>> -> memref<1x50x64xf32, #tpu.memory_space<hbm>>
    %dma_start3A_735 = arith.constant 3 : i32
    %dma_start3A_736 = arith.constant 0 : i32
    %dma_start3A_737 = arith.constant 0 : i32
    %dma_start3A_738 = tpu.memref_slice %arg6[%dma_start3A_723, %dma_start3A_735, %dma_start3A_736, %dma_start3A_737] : memref<2x8x56x64xf32, #tpu.memory_space<vmem>> -> memref<1x1x50x64xf32, #tpu.memory_space<vmem>>
    %dma_start3A_739 = tpu.memref_squeeze %dma_start3A_738 : memref<1x1x50x64xf32, #tpu.memory_space<vmem>> -> memref<1x50x64xf32, #tpu.memory_space<vmem>>
    tpu.enqueue_dma source(%dma_start3A_739 : memref<1x50x64xf32, #tpu.memory_space<vmem>>) target(%dma_start3A_734 : memref<1x50x64xf32, #tpu.memory_space<hbm>>) target_semaphore(%arg10 : memref<!tpu.dma_semaphore, #tpu.memory_space<semaphore_mem>>)
    %add3A_740 = arith.constant 120 : i32
    %add3A_741 = arith.addi %mul3A_2, %add3A_740 : i32
    %add3A_742 = arith.constant 4 : i32
    %add3A_743 = arith.addi %add3A_741, %add3A_742 : i32
    %dma_start3A_744 = arith.constant 1 : i32
    %dma_start3A_745 = arith.constant 4 : i32
    %dma_start3A_746 = arith.constant 0 : i32
    %dma_start3A_747 = arith.constant 0 : i32
    %dma_start3A_748 = tpu.memref_slice %arg6[%dma_start3A_744, %dma_start3A_745, %dma_start3A_746, %dma_start3A_747] : memref<2x8x56x64xf32, #tpu.memory_space<vmem>> -> memref<1x1x50x64xf32, #tpu.memory_space<vmem>>
    %dma_start3A_749 = tpu.memref_squeeze %dma_start3A_748 : memref<1x1x50x64xf32, #tpu.memory_space<vmem>> -> memref<1x50x64xf32, #tpu.memory_space<vmem>>
    %dma_start3A_750 = arith.constant 0 : i32
    %dma_start3A_751 = arith.constant 0 : i32
    %dma_start3A_752 = tpu.memref_slice %arg4[%add3A_743, %dma_start3A_750, %dma_start3A_751] : memref<4096x50x64xf32, #tpu.memory_space<hbm>> -> memref<1x50x64xf32, #tpu.memory_space<hbm>>
    %dma_start3A_753 = arith.constant 0 : i32
    %dma_start3A_754 = arith.constant 0 : i32
    %dma_start3A_755 = tpu.memref_slice %arg4[%add3A_743, %dma_start3A_753, %dma_start3A_754] : memref<4096x50x64xf32, #tpu.memory_space<hbm>> -> memref<1x50x64xf32, #tpu.memory_space<hbm>>
    %dma_start3A_756 = arith.constant 4 : i32
    %dma_start3A_757 = arith.constant 0 : i32
    %dma_start3A_758 = arith.constant 0 : i32
    %dma_start3A_759 = tpu.memref_slice %arg6[%dma_start3A_744, %dma_start3A_756, %dma_start3A_757, %dma_start3A_758] : memref<2x8x56x64xf32, #tpu.memory_space<vmem>> -> memref<1x1x50x64xf32, #tpu.memory_space<vmem>>
    %dma_start3A_760 = tpu.memref_squeeze %dma_start3A_759 : memref<1x1x50x64xf32, #tpu.memory_space<vmem>> -> memref<1x50x64xf32, #tpu.memory_space<vmem>>
    tpu.enqueue_dma source(%dma_start3A_760 : memref<1x50x64xf32, #tpu.memory_space<vmem>>) target(%dma_start3A_755 : memref<1x50x64xf32, #tpu.memory_space<hbm>>) target_semaphore(%arg10 : memref<!tpu.dma_semaphore, #tpu.memory_space<semaphore_mem>>)
    %add3A_761 = arith.constant 120 : i32
    %add3A_762 = arith.addi %mul3A_2, %add3A_761 : i32
    %add3A_763 = arith.constant 5 : i32
    %add3A_764 = arith.addi %add3A_762, %add3A_763 : i32
    %dma_start3A_765 = arith.constant 1 : i32
    %dma_start3A_766 = arith.constant 5 : i32
    %dma_start3A_767 = arith.constant 0 : i32
    %dma_start3A_768 = arith.constant 0 : i32
    %dma_start3A_769 = tpu.memref_slice %arg6[%dma_start3A_765, %dma_start3A_766, %dma_start3A_767, %dma_start3A_768] : memref<2x8x56x64xf32, #tpu.memory_space<vmem>> -> memref<1x1x50x64xf32, #tpu.memory_space<vmem>>
    %dma_start3A_770 = tpu.memref_squeeze %dma_start3A_769 : memref<1x1x50x64xf32, #tpu.memory_space<vmem>> -> memref<1x50x64xf32, #tpu.memory_space<vmem>>
    %dma_start3A_771 = arith.constant 0 : i32
    %dma_start3A_772 = arith.constant 0 : i32
    %dma_start3A_773 = tpu.memref_slice %arg4[%add3A_764, %dma_start3A_771, %dma_start3A_772] : memref<4096x50x64xf32, #tpu.memory_space<hbm>> -> memref<1x50x64xf32, #tpu.memory_space<hbm>>
    %dma_start3A_774 = arith.constant 0 : i32
    %dma_start3A_775 = arith.constant 0 : i32
    %dma_start3A_776 = tpu.memref_slice %arg4[%add3A_764, %dma_start3A_774, %dma_start3A_775] : memref<4096x50x64xf32, #tpu.memory_space<hbm>> -> memref<1x50x64xf32, #tpu.memory_space<hbm>>
    %dma_start3A_777 = arith.constant 5 : i32
    %dma_start3A_778 = arith.constant 0 : i32
    %dma_start3A_779 = arith.constant 0 : i32
    %dma_start3A_780 = tpu.memref_slice %arg6[%dma_start3A_765, %dma_start3A_777, %dma_start3A_778, %dma_start3A_779] : memref<2x8x56x64xf32, #tpu.memory_space<vmem>> -> memref<1x1x50x64xf32, #tpu.memory_space<vmem>>
    %dma_start3A_781 = tpu.memref_squeeze %dma_start3A_780 : memref<1x1x50x64xf32, #tpu.memory_space<vmem>> -> memref<1x50x64xf32, #tpu.memory_space<vmem>>
    tpu.enqueue_dma source(%dma_start3A_781 : memref<1x50x64xf32, #tpu.memory_space<vmem>>) target(%dma_start3A_776 : memref<1x50x64xf32, #tpu.memory_space<hbm>>) target_semaphore(%arg10 : memref<!tpu.dma_semaphore, #tpu.memory_space<semaphore_mem>>)
    %add3A_782 = arith.constant 120 : i32
    %add3A_783 = arith.addi %mul3A_2, %add3A_782 : i32
    %add3A_784 = arith.constant 6 : i32
    %add3A_785 = arith.addi %add3A_783, %add3A_784 : i32
    %dma_start3A_786 = arith.constant 1 : i32
    %dma_start3A_787 = arith.constant 6 : i32
    %dma_start3A_788 = arith.constant 0 : i32
    %dma_start3A_789 = arith.constant 0 : i32
    %dma_start3A_790 = tpu.memref_slice %arg6[%dma_start3A_786, %dma_start3A_787, %dma_start3A_788, %dma_start3A_789] : memref<2x8x56x64xf32, #tpu.memory_space<vmem>> -> memref<1x1x50x64xf32, #tpu.memory_space<vmem>>
    %dma_start3A_791 = tpu.memref_squeeze %dma_start3A_790 : memref<1x1x50x64xf32, #tpu.memory_space<vmem>> -> memref<1x50x64xf32, #tpu.memory_space<vmem>>
    %dma_start3A_792 = arith.constant 0 : i32
    %dma_start3A_793 = arith.constant 0 : i32
    %dma_start3A_794 = tpu.memref_slice %arg4[%add3A_785, %dma_start3A_792, %dma_start3A_793] : memref<4096x50x64xf32, #tpu.memory_space<hbm>> -> memref<1x50x64xf32, #tpu.memory_space<hbm>>
    %dma_start3A_795 = arith.constant 0 : i32
    %dma_start3A_796 = arith.constant 0 : i32
    %dma_start3A_797 = tpu.memref_slice %arg4[%add3A_785, %dma_start3A_795, %dma_start3A_796] : memref<4096x50x64xf32, #tpu.memory_space<hbm>> -> memref<1x50x64xf32, #tpu.memory_space<hbm>>
    %dma_start3A_798 = arith.constant 6 : i32
    %dma_start3A_799 = arith.constant 0 : i32
    %dma_start3A_800 = arith.constant 0 : i32
    %dma_start3A_801 = tpu.memref_slice %arg6[%dma_start3A_786, %dma_start3A_798, %dma_start3A_799, %dma_start3A_800] : memref<2x8x56x64xf32, #tpu.memory_space<vmem>> -> memref<1x1x50x64xf32, #tpu.memory_space<vmem>>
    %dma_start3A_802 = tpu.memref_squeeze %dma_start3A_801 : memref<1x1x50x64xf32, #tpu.memory_space<vmem>> -> memref<1x50x64xf32, #tpu.memory_space<vmem>>
    tpu.enqueue_dma source(%dma_start3A_802 : memref<1x50x64xf32, #tpu.memory_space<vmem>>) target(%dma_start3A_797 : memref<1x50x64xf32, #tpu.memory_space<hbm>>) target_semaphore(%arg10 : memref<!tpu.dma_semaphore, #tpu.memory_space<semaphore_mem>>)
    %add3A_803 = arith.constant 120 : i32
    %add3A_804 = arith.addi %mul3A_2, %add3A_803 : i32
    %add3A_805 = arith.constant 7 : i32
    %add3A_806 = arith.addi %add3A_804, %add3A_805 : i32
    %dma_start3A_807 = arith.constant 1 : i32
    %dma_start3A_808 = arith.constant 7 : i32
    %dma_start3A_809 = arith.constant 0 : i32
    %dma_start3A_810 = arith.constant 0 : i32
    %dma_start3A_811 = tpu.memref_slice %arg6[%dma_start3A_807, %dma_start3A_808, %dma_start3A_809, %dma_start3A_810] : memref<2x8x56x64xf32, #tpu.memory_space<vmem>> -> memref<1x1x50x64xf32, #tpu.memory_space<vmem>>
    %dma_start3A_812 = tpu.memref_squeeze %dma_start3A_811 : memref<1x1x50x64xf32, #tpu.memory_space<vmem>> -> memref<1x50x64xf32, #tpu.memory_space<vmem>>
    %dma_start3A_813 = arith.constant 0 : i32
    %dma_start3A_814 = arith.constant 0 : i32
    %dma_start3A_815 = tpu.memref_slice %arg4[%add3A_806, %dma_start3A_813, %dma_start3A_814] : memref<4096x50x64xf32, #tpu.memory_space<hbm>> -> memref<1x50x64xf32, #tpu.memory_space<hbm>>
    %dma_start3A_816 = arith.constant 0 : i32
    %dma_start3A_817 = arith.constant 0 : i32
    %dma_start3A_818 = tpu.memref_slice %arg4[%add3A_806, %dma_start3A_816, %dma_start3A_817] : memref<4096x50x64xf32, #tpu.memory_space<hbm>> -> memref<1x50x64xf32, #tpu.memory_space<hbm>>
    %dma_start3A_819 = arith.constant 7 : i32
    %dma_start3A_820 = arith.constant 0 : i32
    %dma_start3A_821 = arith.constant 0 : i32
    %dma_start3A_822 = tpu.memref_slice %arg6[%dma_start3A_807, %dma_start3A_819, %dma_start3A_820, %dma_start3A_821] : memref<2x8x56x64xf32, #tpu.memory_space<vmem>> -> memref<1x1x50x64xf32, #tpu.memory_space<vmem>>
    %dma_start3A_823 = tpu.memref_squeeze %dma_start3A_822 : memref<1x1x50x64xf32, #tpu.memory_space<vmem>> -> memref<1x50x64xf32, #tpu.memory_space<vmem>>
    tpu.enqueue_dma source(%dma_start3A_823 : memref<1x50x64xf32, #tpu.memory_space<vmem>>) target(%dma_start3A_818 : memref<1x50x64xf32, #tpu.memory_space<hbm>>) target_semaphore(%arg10 : memref<!tpu.dma_semaphore, #tpu.memory_space<semaphore_mem>>)
    %dma_wait3A_824 = arith.constant 1 : i32
    %dma_wait3A_825 = arith.constant 0 : i32
    %dma_wait3A_826 = arith.constant 0 : i32
    %dma_wait3A_827 = arith.constant 0 : i32
    %dma_wait3A_828 = tpu.memref_slice %arg6[%dma_wait3A_824, %dma_wait3A_825, %dma_wait3A_826, %dma_wait3A_827] : memref<2x8x56x64xf32, #tpu.memory_space<vmem>> -> memref<1x8x50x64xf32, #tpu.memory_space<vmem>>
    %dma_wait3A_829 = tpu.memref_squeeze %dma_wait3A_828 : memref<1x8x50x64xf32, #tpu.memory_space<vmem>> -> memref<8x50x64xf32, #tpu.memory_space<vmem>>
    %dma_wait3A_830 = arith.constant 0 : i32
    %dma_wait3A_831 = arith.constant 0 : i32
    %dma_wait3A_832 = arith.constant 0 : i32
    %dma_wait3A_833 = tpu.memref_slice %arg4[%dma_wait3A_830, %dma_wait3A_831, %dma_wait3A_832] : memref<4096x50x64xf32, #tpu.memory_space<hbm>> -> memref<8x50x64xf32, #tpu.memory_space<hbm>>
    %dma_wait3A_834 = arith.constant 0 : i32
    %dma_wait3A_835 = arith.constant 0 : i32
    %dma_wait3A_836 = arith.constant 0 : i32
    %dma_wait3A_837 = tpu.memref_slice %arg6[%dma_wait3A_824, %dma_wait3A_834, %dma_wait3A_835, %dma_wait3A_836] : memref<2x8x56x64xf32, #tpu.memory_space<vmem>> -> memref<1x8x50x64xf32, #tpu.memory_space<vmem>>
    %dma_wait3A_838 = tpu.memref_squeeze %dma_wait3A_837 : memref<1x8x50x64xf32, #tpu.memory_space<vmem>> -> memref<8x50x64xf32, #tpu.memory_space<vmem>>
    %dma_wait3A_839 = arith.constant 0 : i32
    %dma_wait3A_840 = arith.constant 0 : i32
    %dma_wait3A_841 = arith.constant 0 : i32
    %dma_wait3A_842 = tpu.memref_slice %arg4[%dma_wait3A_839, %dma_wait3A_840, %dma_wait3A_841] : memref<4096x50x64xf32, #tpu.memory_space<hbm>> -> memref<8x50x64xf32, #tpu.memory_space<hbm>>
    tpu.wait_dma2 semaphore(%arg10 : memref<!tpu.dma_semaphore, #tpu.memory_space<semaphore_mem>>) src(%dma_wait3A_842 : memref<8x50x64xf32, #tpu.memory_space<hbm>>) dst(%dma_wait3A_838 : memref<8x50x64xf32, #tpu.memory_space<vmem>>)
    return
  }
}

</mosaic_0001>

<sc_bundles>
// kernel: kernel.3.cloned.1.call-start
scs
__scs_entry_jumppad:
0x0: {  	(pc) =	sbr.rel $0x88, $3  }
0x1: {  	(tag) =	ssettag $0x0;
	lr =	simm.s32 $0x1  }
0x2: {  	[smem:$0x3F9F] =	sst lr;
	_ =	strace $0xD0000000  }
0x3: {  	_ = 	snop  }
0x4: {  	_ = 	snop  }
0x5: {  	_ = 	snop  }
0x6: {  	_ = 	snop  }
0x7: {  	_ = 	snop  }
__scs_overlays_trampoline_lowered:
0x8: {  	[smem:$0x3FAE] =	sst s0  }
0x9: {  	[smem:$0x3FAF] =	sst s1  }
0xa: {  	[smem:$0x3FB0] =	sst s2  }
0xb: {  	[smem:$0x3FB1] =	sst s3  }
0xc: {  	[smem:$0x3FB2] =	sst s4  }
0xd: {  	[smem:$0x3FB3] =	sst s5  }
0xe: {  	[smem:$0x3FB4] =	sst s6  }
0xf: {  	[smem:$0x3FB5] =	sst s7  }
0x10: {  	[smem:$0x3FB6] =	sst s8  }
0x11: {  	[smem:$0x3FB7] =	sst s9;
	s0 =	simm.s32 @!p0 $0x0  }
0x12: {  	s1 =	sld [smem:$0x3F9D];
	s0 =	simm.s32 @p0 $0x1  }
0x13: {  	[smem:$0x3FB8] =	sst s0;
	s0 =	simm.s32 @!p1 $0x0  }
0x14: {  	s2 =	sld [smem:$0x3F9C];
	s0 =	simm.s32 @p1 $0x1  }
0x15: {  	[smem:$0x3FB9] =	sst s0;
	s0 =	simm.s32 @!p2 $0x0  }
0x16: {  	s3 =	sld [smem:$0x3FDB];
	s0 =	simm.s32 @p2 $0x1  }
0x17: {  	s4 =	simm.s32 $0x1BF5;
	[smem:$0x3FBB] =	sst s0  }
0x18: {  	s0 =	sld [smem:$0x3F9E];
	_ =	swait.ge [sflag:s4], $0x0  }
0x19: {  	s7 =	sld [smem:$0x3F9F]  }
0x1a: {  	s8 =	sadd.s32 $0xFFFFE003, lr  }
0x1b: {  	s9 =	sadd.s32 $0xFFFFFEF7, lr;
	s5 =	simm.s32 $0xFFFFFFFF;
	p2 =	slt.u32 s8, $0xFFFFF086  }
0x1c: {  	p1 =	slt.u32 s9, $0xF7A;
	s5 =	simm.s32 @!p2 $0x0  }
0x1d: {  	s5 =	simm.s32 @p1 $0x1;
	p0 =	seq.s32 s7, s2  }
0x1e: {  	s7 =	smul.u32 @!p0 $0xF7A, s2;
	p2 =	seq.s32 @!p0 s5, $0x0  }
0x1f: {  	s9 =	smul.u32 $0xF7A, s1;
	s8 =	simm.s32 @!p0 $0x1BF5;
	p2 =	por !p2, p0  }
0x20: {  	[sflag:s8] =	ssyncset.s32 @!p0 $0xFFFFF086;
	s6 =	sadd.s32 @!p0 s3, s7;
	s7 =	simm.s32 @!p0 $0x108  }
0x21: {  	s3 =	sadd.s32 s3, s9;
	s6 =	sadd.s32 @!p0 $0x88, s6;
	s7 =	simm.s32 @p2 $0x1082  }
0x22: {  	[simem:s7], [sflag:s8] =	dma.local @!p0 [hbm:s6], $0xF7A  }
0x23: {  	s9 =	sor.u32 $0xD0000000, s2;
	s6 =	simm.s32 $0x108;
	_ =	swait.ge @!p0 [sflag:s8], $0x0  }
0x24: {  	s3 =	sadd.s32 $0x88, s3;
	s6 =	simm.s32 @!p1 $0x1082;
	[sflag:s4] =	ssyncset.s32 $0xFFFFF086  }
0x25: {  	[simem:s6], [sflag:s4] =	dma.local [hbm:s3], $0xF7A  }
0x26: {  	[smem:$0x3F9F] =	sst s1;
	(tag) =	ssettag s2;
	_ =	strace s9  }
0x27: {  	s1 =	sld [smem:$0x3FAF]  }
0x28: {  	s2 =	sld [smem:$0x3FB0]  }
0x29: {  	s4 =	sld [smem:$0x3FB2]  }
0x2a: {  	p0 =	seq.s32 s5, $0x0;
	s5 =	sld [smem:$0x3FB3]  }
0x2b: {  	s6 =	sld [smem:$0x3FB4]  }
0x2c: {  	s7 =	sld [smem:$0x3FB5]  }
0x2d: {  	s3 =	simm.s32 $0x108;
	s8 =	sld [smem:$0x3FB6]  }
0x2e: {  	s3 =	simm.s32 @!p0 $0x1082;
	s9 =	sld [smem:$0x3FB7]  }
0x2f: {  	lr =	sadd.s32 s0, s3;
	s0 =	sld [smem:$0x3FAE]  }
0x30: {  	s3 =	sld [smem:$0x3FB1]  }
0x31: {  	[smem:$0x3FBA] =	sst s10  }
0x32: {  	s10 =	sld [smem:$0x3FB8];
	_ =	sdelay $0x3  }
0x33: {  	p0 =	seq.s32 s10, $0x1;
	s10 =	sld [smem:$0x3FBA];
	_ =	sdelay $0x3  }
0x34: {  	[smem:$0x3FBA] =	sst s10  }
0x35: {  	s10 =	sld [smem:$0x3FB9];
	_ =	sdelay $0x3  }
0x36: {  	p1 =	seq.s32 s10, $0x1;
	s10 =	sld [smem:$0x3FBA];
	_ =	sdelay $0x3  }
0x37: {  	[smem:$0x3FBA] =	sst s10  }
0x38: {  	s10 =	sld [smem:$0x3FBB]  }
0x39: {  	_ = 	snop;
	(pc) =	sbr.ind lr, $3  }
0x3a: {  	_ = 	snop  }
0x3b: {  	_ = 	snop  }
0x3c: {  	p2 =	seq.s32 s10, $0x1;
	s10 =	sld [smem:$0x3FBA]  }
0x3d: {  	_ =	shalt  }
0x3e: {  	_ =	shalt  }
0x3f: {  	_ =	shalt  }
0x40: {  	_ =	shalt  }
0x41: {  	_ =	shalt  }
0x42: {  	_ =	shalt  }
0x43: {  	_ =	shalt  }
0x44: {  	_ =	shalt  }
0x45: {  	_ =	shalt  }
0x46: {  	_ =	shalt  }
0x47: {  	_ =	shalt  }
0x48: {  	_ =	shalt  }
0x49: {  	_ =	shalt  }
0x4a: {  	_ =	shalt  }
0x4b: {  	_ =	shalt  }
0x4c: {  	_ =	shalt  }
0x4d: {  	_ =	shalt  }
0x4e: {  	_ =	shalt  }
0x4f: {  	_ =	shalt  }
0x50: {  	_ =	shalt  }
0x51: {  	_ =	shalt  }
0x52: {  	_ =	shalt  }
0x53: {  	_ =	shalt  }
0x54: {  	_ =	shalt  }
0x55: {  	_ =	shalt  }
0x56: {  	_ =	shalt  }
0x57: {  	_ =	shalt  }
0x58: {  	_ =	shalt  }
0x59: {  	_ =	shalt  }
0x5a: {  	_ =	shalt  }
0x5b: {  	_ =	shalt  }
0x5c: {  	_ =	shalt  }
0x5d: {  	_ =	shalt  }
0x5e: {  	_ =	shalt  }
0x5f: {  	_ =	shalt  }
0x60: {  	_ =	shalt  }
0x61: {  	_ =	shalt  }
0x62: {  	_ =	shalt  }
0x63: {  	_ =	shalt  }
0x64: {  	_ =	shalt  }
0x65: {  	_ =	shalt  }
0x66: {  	_ =	shalt  }
0x67: {  	_ =	shalt  }
0x68: {  	_ =	shalt  }
0x69: {  	_ =	shalt  }
0x6a: {  	_ =	shalt  }
0x6b: {  	_ =	shalt  }
0x6c: {  	_ =	shalt  }
0x6d: {  	_ =	shalt  }
0x6e: {  	_ =	shalt  }
0x6f: {  	_ =	shalt  }
0x70: {  	_ =	shalt  }
0x71: {  	_ =	shalt  }
0x72: {  	_ =	shalt  }
0x73: {  	_ =	shalt  }
0x74: {  	_ =	shalt  }
0x75: {  	_ =	shalt  }
0x76: {  	_ =	shalt  }
0x77: {  	_ =	shalt  }
0x78: {  	_ =	shalt  }
0x79: {  	_ =	shalt  }
0x7a: {  	_ =	shalt  }
0x7b: {  	_ =	shalt  }
0x7c: {  	_ =	shalt  }
0x7d: {  	_ =	shalt  }
0x7e: {  	_ =	shalt  }
0x7f: {  	_ =	shalt  }
0x80: {  	_ =	shalt  }
0x81: {  	_ =	shalt  }
0x82: {  	_ =	shalt  }
0x83: {  	_ =	shalt  }
0x84: {  	_ =	shalt  }
0x85: {  	_ =	shalt  }
0x86: {  	_ =	shalt  }
0x87: {  	_ =	shalt  }
.Lfunc_end0:
.L_simem_size_0:
called_computation.1_lowered:
.L_overlay_start_0:
0x88: {  	s2 =	sld [smem:$0x3FD9]  }
0x89: {  	s3 =	sld [smem:$0x3FFE];
	_ =	sdelay $0x1  }
0x8a: {  	s1 =	srdreg.scid  }
0x8b: {  	s0 =	sand.u32 $0x1, s1  }
0x8c: {  	s17 =	sshll.u32 s0, $0xA;
	s2 =	sadd.s32 s3, s2  }
0x8d: {  	s2 =	sadd.s32 s2, s17  }
0x8e: {  	[smem:$0x3FC6] =	sst s2  }
0x8f: {  	_ = 	snop  }
0x90: {  	s2 =	sld [smem:$0x3FD0];
	(tm) =	ssettm $0x1  }
0x91: {  	s18 =	sld [smem:$0x3FFB];
	_ =	sdelay $0x3  }
0x92: {  	_ =	strace s18  }
0x93: {  	s3 =	sld [smem:$0x3FFC];
	_ =	sdelay $0x3  }
0x94: {  	_ =	strace s3  }
0x95: {  	s3 =	sld [smem:$0x3FFD];
	_ =	sdelay $0x3  }
0x96: {  	_ =	strace s3  }
0x97: {  	_ =	strace $0x8FFFFFFF  }
0x98: {  	s19 =	sld [smem:$0x3FDB];
	_ =	sdelay $0x1  }
0x99: {  	s4 =	simm.s32 $_scs_section_size  }
0x9a: {  	s5 =	simm.s32 $_size__tile_overlayer_lowered;
	s6 =	simm.s32 $_tile_overlayer_lowered  }
0x9b: {  	s22 =	simm.s32 $0x1BFF;
	s21 =	sshll.u32 s6, $0x1;
	s3 =	sadd.s32 s4, s19  }
0x9c: {  	s7 =	simm.s32 $0x0;
	s20 =	sshll.u32 s5, $0x1;
	s5 =	sadd.s32 s21, s3  }
0x9d: {  	[timem:s7], [sflag:s22] =	dma.local [hbm:s5], s20  }
0x9e: {  	_ =	swait.ge [sflag:s22], s20  }
0x9f: {  	s4 =	ssub.s32 $0x0, s20;
	[sflag:s22] =	ssyncset.done $0x0  }
0xa0: {  	[sflag:s22] =	ssyncadd.s32 s4;
	_ =	sdelay $0x1  }
0xa1: {  	s23 =	simm.s32 $0x1B8B  }
0xa2: {  	_ =	swait.ge [sflag:s23], $0x1  }
0xa3: {  	[sflag:s23] =	ssyncset.done $0x0  }
0xa4: {  	s25 =	simm.s32 $0x1B8E;
	s24 =	sld [smem:$0x3FFE];
	[sflag:s23] =	ssyncadd.s32 $0xFFFFFFFF  }
0xa5: {  	s26 =	simm.s32 $execute0_lowered;
	[smem:$0x3FD2] =	sst s25  }
0xa6: {  	s5 =	sshll.u32 s26, $0x1;
	_ =	strace $0x80000046;
	[dreg:$0x1] =	wrdreg $0xFFFFFFFF  }
0xa7: {  	s28 =	simm.s32 $_size_execute0_lowered;
	s3 =	sadd.s32 s3, s5;
	[dreg:$0x0] =	wrdreg $0x0  }
0xa8: {  	s5 =	sshll.u32 s28, $0x1;
	[dreg:$0x2] =	wrdreg s3  }
0xa9: {  	[dreg:$0x3] =	wrdreg s5  }
0xaa: {  	[dreg:$0x4] =	wrdreg $0xC0  }
0xab: {  	_ =	task [dreg:s7], $0x5FFFF  }
0xac: {  	[dreg:$0x1] =	wrdreg $0xFFFFFFFF  }
0xad: {  	[dreg:$0x0] =	wrdreg $0x60  }
0xae: {  	[dreg:$0x2] =	wrdreg s24  }
0xaf: {  	[dreg:$0x3] =	wrdreg s2  }
0xb0: {  	[dreg:$0x4] =	wrdreg $0x9  }
0xb1: {  	_ =	task.clear_ibuf [dreg:s7], $0x5FFFF;
	_ =	strace $0x90000046  }
0xb2: {  	s29 =	simm.s32 $0x9;
	_ =	strace $0x80000048  }
0xb3: {  	_ =	swait.ge [sflag:s29], $0x1  }
0xb4: {  	[sflag:s29] =	ssyncadd.s32 $0xFFFFFFFF  }
0xb5: {  	_ =	strace $0x90000048  }
0xb6: {  	_ =	sfence  }
0xb7: {  	s30 =	sld [smem:$0x0];
	_ =	sdelay $0x2  }
0xb8: {  	s31 =	sshll.u32 s1, $0xD;
	s1 =	sshrl.u32 s1, $0x2  }
0xb9: {  	s3 =	sand.u32 $0x4000, s31;
	s1 =	sadd.s32 s1, s30  }
0xba: {  	s0 =	sor.u32 s3, s0;
	s1 =	sshll.u32 s1, $0x11  }
0xbb: {  	s0 =	sor.u32 s1, s0  }
0xbc: {  	s0 =	sadd.s32 $0x8F2B, s0  }
0xbd: {  	[sflag:s0] =	ssyncadd.remote.s32 $0x1  }
0xbe: {  	_ =	sfence.sel $0xFFFF  }
0xbf: {  	[dreg:$0x0] =	wrdreg $0xFFFFFFFF;
	(pc) =	sbr.abs _section_cstart, $3  }
0xc0: {  	[dreg:$0x1] =	wrdreg $0xFFFFFFFF  }
0xc1: {  	_ =	task.clear_ibuf [dreg:s7], $0x2FFFF;
	_ =	strace $0x9FFFFFFF  }
0xc2: {  	(tm) =	ssettm $0x7FFFFFFF  }
0xc3: {  	_ =	shalt  }
tec
execute0_lowered:
.L_overlay_start_1:
0x0: {  	(tag) =	ssettag $0x1  }
0x1: {  	s0 =	srdreg.scid;
	s1 =	rddreg [dreg:$0x0]  }
0x2: {  	s2 =	stileid.u32;
	s9 =	rddreg [dreg:$0x1];
	s5 =	sand.u32 $0x1, s0  }
0x3: {  	s3 =	simm.s32 $0x0;
	s18 =	sshll.u32 s2, $0x8;
	s4 =	sshll.u32 s5, $0x7  }
0x4: {  	[smem:$0x7FF] =	sst s3;
	s0 =	sor.u32 s4, s18  }
0x5: {  	s6 =	ssub.s32 $0x2, s5;
	s4 =	smul.u32 $0xC80, s0;
	s0 =	sshll.u32 s0, $0x4  }
0x6: {  	_ =	strace $0x80000047;
	s19 =	sshrl.u32 s6, $0x1;
	s7 =	sadd.s32 s0, s1  }
0x7: {  	s0 =	ssub.s32 s6, s19;
	s8 =	sshrl.u32 s4, $0x3;
	s21 =	sadd.s32 $0xC3E00, s7  }
0x8: {  	s0 =	smax.u32 s0, $0x1;
	s20 =	sadd.s32 s9, s8;
	[dreg:$0x12] =	wrdreg s21  }
0x9: {  	[smem:$0x7FD] =	sst s0;
	s22 =	sadd.s32 $0xAF00, s20  }
0xa: {  	s23 =	sadd.s32 $0xB090, s20;
	[dreg:$0x13] =	wrdreg s22  }
0xb: {  	s24 =	sadd.s32 $0xB220, s20;
	[dreg:$0x14] =	wrdreg s23  }
0xc: {  	s25 =	sadd.s32 $0xB3B0, s20;
	[dreg:$0x15] =	wrdreg s24  }
0xd: {  	s26 =	sadd.s32 $0xB540, s20;
	[dreg:$0x16] =	wrdreg s25  }
0xe: {  	s7 =	sadd.s32 $0xB6D0, s20;
	[dreg:$0x17] =	wrdreg s26  }
0xf: {  	s28 =	simm.s32 $0x4E00;
	s8 =	sadd.s32 $0xB860, s20;
	[dreg:$0x18] =	wrdreg s7  }
0x10: {  	s30 =	simm.s32 $0x5C00;
	s10 =	sadd.s32 $0xB9F0, s20;
	[dreg:$0x19] =	wrdreg s8  }
0x11: {  	s31 =	simm.s32 $0x8600;
	s11 =	sadd.s32 $0xBB80, s20;
	[dreg:$0x1a] =	wrdreg s10  }
0x12: {  	s29 =	simm.s32 $0x9400;
	s13 =	sadd.s32 $0xBD10, s20;
	[dreg:$0x1b] =	wrdreg s11  }
0x13: {  	s12 =	smul.u32 $0xC8000, s2;
	s14 =	sadd.s32 $0xBEA0, s20;
	[dreg:$0x1c] =	wrdreg s13  }
0x14: {  	s15 =	smul.u32 $0x64000, s5;
	s16 =	sadd.s32 $0xC030, s20;
	[dreg:$0x1d] =	wrdreg s14  }
0x15: {  	s5 =	smul.u32 $0xC800, s5;
	s17 =	sadd.s32 $0xC1C0, s20;
	[dreg:$0x1e] =	wrdreg s16  }
0x16: {  	s4 =	sadd.s32 $0x800, s1;
	s18 =	sadd.s32 $0xC350, s20;
	[dreg:$0x1f] =	wrdreg s17  }
0x17: {  	s9 =	smul.u32 $0x19000, s2;
	s19 =	sadd.s32 $0xC4E0, s20;
	[smem:$0x7FA] =	sst s18  }
0x18: {  	s0 =	simm.s32 $0xA200;
	s1 =	sadd.s32 $0xC670, s20;
	[smem:$0x7FB] =	sst s19  }
0x19: {  	s7 =	sadd.s32 s15, s12;
	[smem:$0x7FC] =	sst s1;
	s20 =	sadd.s32 s5, s9  }
0x1a: {  	s1 =	simm.s32 $0x6A00;
	s21 =	sadd.s32 $0x5780, s7;
	[dreg:$0x3] =	wrdreg s20  }
0x1b: {  	s23 =	sadd.s32 $0x4B00, s7;
	s25 =	sor.u32 $0x3E80, s7;
	s2 =	sor.u32 $0x3200, s7  }
0x1c: {  	s6 =	sor.u32 $0x2580, s7;
	s9 =	sor.u32 $0x1900, s7;
	s11 =	sor.u32 $0xC80, s7  }
0x1d: {  	s13 =	sadd.s32 $0xBB80, s7;
	s15 =	sadd.s32 $0xAF00, s7;
	s22 =	sshrl.u32 s21, $0x3  }
0x1e: {  	s17 =	sadd.s32 $0xA280, s7;
	s24 =	sshrl.u32 s23, $0x3;
	[dreg:$0x4] =	wrdreg s22  }
0x1f: {  	s19 =	sadd.s32 $0x9600, s7;
	s26 =	sshrl.u32 s25, $0x3;
	[dreg:$0x5] =	wrdreg s24  }
0x20: {  	s5 =	sshrl.u32 s2, $0x3;
	s8 =	sshrl.u32 s6, $0x3;
	[dreg:$0x6] =	wrdreg s26  }
0x21: {  	s10 =	sshrl.u32 s9, $0x3;
	s12 =	sshrl.u32 s11, $0x3;
	[dreg:$0x7] =	wrdreg s5  }
0x22: {  	s14 =	sshrl.u32 s13, $0x3;
	s16 =	sshrl.u32 s15, $0x3;
	[dreg:$0x8] =	wrdreg s8  }
0x23: {  	s18 =	sshrl.u32 s17, $0x3;
	s20 =	sshrl.u32 s19, $0x3;
	[dreg:$0x9] =	wrdreg s10  }
0x24: {  	s21 =	sadd.s32 $0x8980, s7;
	s23 =	sadd.s32 $0x7D00, s7;
	[dreg:$0xa] =	wrdreg s12  }
0x25: {  	s25 =	sadd.s32 $0x7080, s7;
	s6 =	simm.s32 $0xBE00;
	[dreg:$0xb] =	wrdreg s14  }
0x26: {  	s7 =	simm.s32 $0xCC00;
	s9 =	simm.s32 $0xE800;
	[dreg:$0xc] =	wrdreg s16  }
0x27: {  	s11 =	simm.s32 $0x10400;
	s13 =	simm.s32 $0x1;
	[dreg:$0xd] =	wrdreg s18  }
0x28: {  	s15 =	simm.s32 $0x2;
	s17 =	simm.s32 $0x0;
	[dreg:$0xe] =	wrdreg s20  }
0x29: {  	s22 =	sshrl.u32 s21, $0x3;
	s24 =	sshrl.u32 s23, $0x3;
	s26 =	sshrl.u32 s25, $0x3  }
0x2a: {  	s25 =	simm.s32 $0x4000;
	s5 =	simm.s32 $0xB000;
	s8 =	simm.s32 $0xDA00  }
0x2b: {  	s10 =	simm.s32 $0xF600;
	s12 =	simm.s32 $0x11200;
	[dreg:$0xf] =	wrdreg s22  }
0x2c: {  	s14 =	simm.s32 $0x3;
	s16 =	simm.s32 $0x4;
	[dreg:$0x10] =	wrdreg s24  }
0x2d: {  	[dreg:$0x11] =	wrdreg s26;
	s24 =	simm.s32 $0x38;
	s26 =	simm.s32 $0x7800  }
.LBB2_1:
0x2e: {  	[smem:$0x7F9] =	sst s17  }
0x2f: {  	s2 =	rddreg [dreg:$0x12];
	s22 =	simm.s32 $0x5  }
0x30: {  	[tilespmem:s3], [sflag:$0x5] =	stream.linear.gather [hbm4b:s2+s3], $0x4000, $0x38;
	[tilespmem:$0x12000] =	vst v63  }
0x31: {  	_ =	swait.ge [sflag:s22], $0x4000  }
0x32: {  	[sflag:s22] =	ssyncset.done $0x0  }
0x33: {  	[sflag:s22] =	ssyncadd.s32 $0xFFFFC000  }
0x34: {  	[tilespmem:s25], [sflag:$0x1] =	stream.indirect.gather [hbm4b:s4+s24], $0x40, s3, s24, $0xb8;
	[tilespmem:$0x12000] =	vst v63  }
0x35: {  	s23 =	simm.s32 $0x80  }
0x36: {  	[tilespmem:s28], [sflag:$0x1] =	stream.indirect.gather [hbm4b:s4+s24], $0x40, s23, s24, $0xb8;
	[tilespmem:$0x12000] =	vst v63  }
0x37: {  	s17 =	simm.s32 $0x100  }
0x38: {  	[tilespmem:s30], [sflag:$0x1] =	stream.indirect.gather [hbm4b:s4+s24], $0x40, s17, s24, $0xb8;
	[tilespmem:$0x12000] =	vst v63  }
0x39: {  	s18 =	simm.s32 $0x180  }
0x3a: {  	[tilespmem:s1], [sflag:$0x1] =	stream.indirect.gather [hbm4b:s4+s24], $0x40, s18, s24, $0xb8;
	[tilespmem:$0x12000] =	vst v63  }
0x3b: {  	s19 =	simm.s32 $0x200  }
0x3c: {  	[tilespmem:s26], [sflag:$0x1] =	stream.indirect.gather [hbm4b:s4+s24], $0x40, s19, s24, $0xb8;
	[tilespmem:$0x12000] =	vst v63  }
0x3d: {  	s20 =	simm.s32 $0x280  }
0x3e: {  	[tilespmem:s31], [sflag:$0x1] =	stream.indirect.gather [hbm4b:s4+s24], $0x40, s20, s24, $0xb8;
	[tilespmem:$0x12000] =	vst v63  }
0x3f: {  	s21 =	simm.s32 $0x300  }
0x40: {  	[tilespmem:s29], [sflag:$0x1] =	stream.indirect.gather [hbm4b:s4+s24], $0x40, s21, s24, $0xb8;
	[tilespmem:$0x12000] =	vst v63  }
0x41: {  	s22 =	simm.s32 $0x380  }
0x42: {  	[tilespmem:s0], [sflag:$0x1] =	stream.indirect.gather [hbm4b:s4+s24], $0x40, s22, s24, $0xb8;
	[tilespmem:$0x12000] =	vst v63  }
0x43: {  	s18 =	simm.s32 $0x400  }
0x44: {  	[tilespmem:s5], [sflag:$0x2] =	stream.indirect.gather [hbm4b:s4+s24], $0x40, s18, s24, $0xb8;
	[tilespmem:$0x12000] =	vst v63  }
0x45: {  	s23 =	simm.s32 $0x480  }
0x46: {  	[tilespmem:s6], [sflag:$0x2] =	stream.indirect.gather [hbm4b:s4+s24], $0x40, s23, s24, $0xb8;
	[tilespmem:$0x12000] =	vst v63  }
0x47: {  	s2 =	simm.s32 $0x500  }
0x48: {  	[tilespmem:s7], [sflag:$0x2] =	stream.indirect.gather [hbm4b:s4+s24], $0x40, s2, s24, $0xb8;
	[tilespmem:$0x12000] =	vst v63  }
0x49: {  	s17 =	simm.s32 $0x580  }
0x4a: {  	[tilespmem:s8], [sflag:$0x2] =	stream.indirect.gather [hbm4b:s4+s24], $0x40, s17, s24, $0xb8;
	[tilespmem:$0x12000] =	vst v63  }
0x4b: {  	s19 =	simm.s32 $0x600  }
0x4c: {  	[tilespmem:s9], [sflag:$0x2] =	stream.indirect.gather [hbm4b:s4+s24], $0x40, s19, s24, $0xb8;
	[tilespmem:$0x12000] =	vst v63  }
0x4d: {  	s20 =	simm.s32 $0x680  }
0x4e: {  	[tilespmem:s10], [sflag:$0x2] =	stream.indirect.gather [hbm4b:s4+s24], $0x40, s20, s24, $0xb8;
	[tilespmem:$0x12000] =	vst v63  }
0x4f: {  	s21 =	simm.s32 $0x700  }
0x50: {  	[tilespmem:s11], [sflag:$0x2] =	stream.indirect.gather [hbm4b:s4+s24], $0x40, s21, s24, $0xb8;
	[tilespmem:$0x12000] =	vst v63  }
0x51: {  	s22 =	simm.s32 $0x780  }
0x52: {  	[tilespmem:s12], [sflag:$0x2] =	stream.indirect.gather [hbm4b:s4+s24], $0x40, s22, s24, $0xb8;
	[tilespmem:$0x12000] =	vst v63  }
0x53: {  	_ =	swait.ge [sflag:s13], $0xE00  }
0x54: {  	[sflag:s13] =	ssyncset.done $0x0  }
0x55: {  	[sflag:s13] =	ssyncadd.s32 $0xFFFFF200  }
0x56: {  	_ =	swait.ge [sflag:s13], $0xE00  }
0x57: {  	[sflag:s13] =	ssyncset.done $0x0  }
0x58: {  	[sflag:s13] =	ssyncadd.s32 $0xFFFFF200  }
0x59: {  	_ =	swait.ge [sflag:s13], $0xE00  }
0x5a: {  	[sflag:s13] =	ssyncset.done $0x0  }
0x5b: {  	[sflag:s13] =	ssyncadd.s32 $0xFFFFF200  }
0x5c: {  	_ =	swait.ge [sflag:s13], $0xE00  }
0x5d: {  	[sflag:s13] =	ssyncset.done $0x0  }
0x5e: {  	[sflag:s13] =	ssyncadd.s32 $0xFFFFF200  }
0x5f: {  	_ =	swait.ge [sflag:s13], $0xE00  }
0x60: {  	[sflag:s13] =	ssyncset.done $0x0  }
0x61: {  	[sflag:s13] =	ssyncadd.s32 $0xFFFFF200  }
0x62: {  	_ =	swait.ge [sflag:s13], $0xE00  }
0x63: {  	[sflag:s13] =	ssyncset.done $0x0  }
0x64: {  	[sflag:s13] =	ssyncadd.s32 $0xFFFFF200  }
0x65: {  	_ =	swait.ge [sflag:s13], $0xE00  }
0x66: {  	[sflag:s13] =	ssyncset.done $0x0  }
0x67: {  	[sflag:s13] =	ssyncadd.s32 $0xFFFFF200  }
0x68: {  	_ =	swait.ge [sflag:s13], $0xE00  }
0x69: {  	[sflag:s13] =	ssyncset.done $0x0  }
0x6a: {  	s23 =	rddreg [dreg:$0x3];
	[sflag:s13] =	ssyncadd.s32 $0xFFFFF200  }
0x6b: {  	s2 =	rddreg [dreg:$0x1]  }
0x6c: {  	s19 =	rddreg [dreg:$0xa];
	s18 =	sadd.s32 s2, s23  }
0x6d: {  	[hbm4b:s18+s3] =	stream.linear.scatter [tilespmem:s25], [sflag:$0x3], $0xC80, $0x38;
	[tilespmem:$0x12000] =	vst v63  }
0x6e: {  	s20 =	rddreg [dreg:$0x9];
	s19 =	sadd.s32 s2, s19  }
0x6f: {  	[hbm4b:s19+s3] =	stream.linear.scatter [tilespmem:s28], [sflag:$0x3], $0xC80, $0x38;
	[tilespmem:$0x12000] =	vst v63  }
0x70: {  	s17 =	rddreg [dreg:$0x8];
	s20 =	sadd.s32 s2, s20  }
0x71: {  	[hbm4b:s20+s3] =	stream.linear.scatter [tilespmem:s30], [sflag:$0x3], $0xC80, $0x38;
	[tilespmem:$0x12000] =	vst v63  }
0x72: {  	s21 =	rddreg [dreg:$0x7];
	s19 =	sadd.s32 s2, s17  }
0x73: {  	[hbm4b:s19+s3] =	stream.linear.scatter [tilespmem:s1], [sflag:$0x3], $0xC80, $0x38;
	[tilespmem:$0x12000] =	vst v63  }
0x74: {  	s22 =	rddreg [dreg:$0x6];
	s20 =	sadd.s32 s2, s21  }
0x75: {  	[hbm4b:s20+s3] =	stream.linear.scatter [tilespmem:s26], [sflag:$0x3], $0xC80, $0x38;
	[tilespmem:$0x12000] =	vst v63  }
0x76: {  	s23 =	rddreg [dreg:$0x5];
	s19 =	sadd.s32 s2, s22  }
0x77: {  	[hbm4b:s19+s3] =	stream.linear.scatter [tilespmem:s31], [sflag:$0x3], $0xC80, $0x38;
	[tilespmem:$0x12000] =	vst v63  }
0x78: {  	s17 =	rddreg [dreg:$0x4];
	s20 =	sadd.s32 s2, s23  }
0x79: {  	[hbm4b:s20+s3] =	stream.linear.scatter [tilespmem:s29], [sflag:$0x3], $0xC80, $0x38;
	[tilespmem:$0x12000] =	vst v63  }
0x7a: {  	s19 =	sadd.s32 s2, s17  }
0x7b: {  	[hbm4b:s19+s3] =	stream.linear.scatter [tilespmem:s0], [sflag:$0x3], $0xC80, $0x38;
	[tilespmem:$0x12000] =	vst v63  }
0x7c: {  	_ =	swait.ge [sflag:s14], $0x6400  }
0x7d: {  	[sflag:s14] =	ssyncset.done $0x0  }
0x7e: {  	s20 =	simm.s32 $0x800;
	[sflag:s14] =	ssyncadd.s32 $0xFFFF9C00  }
0x7f: {  	[tilespmem:s25], [sflag:$0x1] =	stream.indirect.gather [hbm4b:s4+s24], $0x40, s20, s24, $0xb8;
	[tilespmem:$0x12000] =	vst v63  }
0x80: {  	s21 =	simm.s32 $0x880  }
0x81: {  	[tilespmem:s28], [sflag:$0x1] =	stream.indirect.gather [hbm4b:s4+s24], $0x40, s21, s24, $0xb8;
	[tilespmem:$0x12000] =	vst v63  }
0x82: {  	s22 =	simm.s32 $0x900  }
0x83: {  	[tilespmem:s30], [sflag:$0x1] =	stream.indirect.gather [hbm4b:s4+s24], $0x40, s22, s24, $0xb8;
	[tilespmem:$0x12000] =	vst v63  }
0x84: {  	s23 =	simm.s32 $0x980  }
0x85: {  	[tilespmem:s1], [sflag:$0x1] =	stream.indirect.gather [hbm4b:s4+s24], $0x40, s23, s24, $0xb8;
	[tilespmem:$0x12000] =	vst v63  }
0x86: {  	s17 =	simm.s32 $0xA00  }
0x87: {  	[tilespmem:s26], [sflag:$0x1] =	stream.indirect.gather [hbm4b:s4+s24], $0x40, s17, s24, $0xb8;
	[tilespmem:$0x12000] =	vst v63  }
0x88: {  	s20 =	simm.s32 $0xA80  }
0x89: {  	[tilespmem:s31], [sflag:$0x1] =	stream.indirect.gather [hbm4b:s4+s24], $0x40, s20, s24, $0xb8;
	[tilespmem:$0x12000] =	vst v63  }
0x8a: {  	s21 =	simm.s32 $0xB00  }
0x8b: {  	[tilespmem:s29], [sflag:$0x1] =	stream.indirect.gather [hbm4b:s4+s24], $0x40, s21, s24, $0xb8;
	[tilespmem:$0x12000] =	vst v63  }
0x8c: {  	s22 =	simm.s32 $0xB80  }
0x8d: {  	[tilespmem:s0], [sflag:$0x1] =	stream.indirect.gather [hbm4b:s4+s24], $0x40, s22, s24, $0xb8;
	[tilespmem:$0x12000] =	vst v63  }
0x8e: {  	_ =	swait.ge [sflag:s15], $0xE00  }
0x8f: {  	[sflag:s15] =	ssyncset.done $0x0  }
0x90: {  	[sflag:s15] =	ssyncadd.s32 $0xFFFFF200  }
0x91: {  	_ =	swait.ge [sflag:s15], $0xE00  }
0x92: {  	[sflag:s15] =	ssyncset.done $0x0  }
0x93: {  	[sflag:s15] =	ssyncadd.s32 $0xFFFFF200  }
0x94: {  	_ =	swait.ge [sflag:s15], $0xE00  }
0x95: {  	[sflag:s15] =	ssyncset.done $0x0  }
0x96: {  	[sflag:s15] =	ssyncadd.s32 $0xFFFFF200  }
0x97: {  	_ =	swait.ge [sflag:s15], $0xE00  }
0x98: {  	[sflag:s15] =	ssyncset.done $0x0  }
0x99: {  	[sflag:s15] =	ssyncadd.s32 $0xFFFFF200  }
0x9a: {  	_ =	swait.ge [sflag:s15], $0xE00  }
0x9b: {  	[sflag:s15] =	ssyncset.done $0x0  }
0x9c: {  	[sflag:s15] =	ssyncadd.s32 $0xFFFFF200  }
0x9d: {  	_ =	swait.ge [sflag:s15], $0xE00  }
0x9e: {  	[sflag:s15] =	ssyncset.done $0x0  }
0x9f: {  	[sflag:s15] =	ssyncadd.s32 $0xFFFFF200  }
0xa0: {  	_ =	swait.ge [sflag:s15], $0xE00  }
0xa1: {  	[sflag:s15] =	ssyncset.done $0x0  }
0xa2: {  	[sflag:s15] =	ssyncadd.s32 $0xFFFFF200  }
0xa3: {  	_ =	swait.ge [sflag:s15], $0xE00  }
0xa4: {  	[sflag:s15] =	ssyncset.done $0x0  }
0xa5: {  	s18 =	sadd.s32 $0xC80, s18;
	s23 =	rddreg [dreg:$0x11];
	[sflag:s15] =	ssyncadd.s32 $0xFFFFF200  }
0xa6: {  	[hbm4b:s18+s3] =	stream.linear.scatter [tilespmem:s5], [sflag:$0x4], $0xC80, $0x38;
	[tilespmem:$0x12000] =	vst v63  }
0xa7: {  	s17 =	rddreg [dreg:$0x10];
	s21 =	sadd.s32 s2, s23  }
0xa8: {  	[hbm4b:s21+s3] =	stream.linear.scatter [tilespmem:s6], [sflag:$0x4], $0xC80, $0x38;
	[tilespmem:$0x12000] =	vst v63  }
0xa9: {  	s22 =	rddreg [dreg:$0xf];
	s23 =	sadd.s32 s2, s17  }
0xaa: {  	[hbm4b:s23+s3] =	stream.linear.scatter [tilespmem:s7], [sflag:$0x4], $0xC80, $0x38;
	[tilespmem:$0x12000] =	vst v63  }
0xab: {  	s17 =	rddreg [dreg:$0xe];
	s21 =	sadd.s32 s2, s22  }
0xac: {  	[hbm4b:s21+s3] =	stream.linear.scatter [tilespmem:s8], [sflag:$0x4], $0xC80, $0x38;
	[tilespmem:$0x12000] =	vst v63  }
0xad: {  	s22 =	rddreg [dreg:$0xd];
	s23 =	sadd.s32 s2, s17  }
0xae: {  	[hbm4b:s23+s3] =	stream.linear.scatter [tilespmem:s9], [sflag:$0x4], $0xC80, $0x38;
	[tilespmem:$0x12000] =	vst v63  }
0xaf: {  	s19 =	sadd.s32 s2, s22;
	s17 =	rddreg [dreg:$0xc]  }
0xb0: {  	[hbm4b:s19+s3] =	stream.linear.scatter [tilespmem:s10], [sflag:$0x4], $0xC80, $0x38;
	[tilespmem:$0x12000] =	vst v63  }
0xb1: {  	s22 =	sadd.s32 s2, s17;
	s21 =	rddreg [dreg:$0xb]  }
0xb2: {  	[hbm4b:s22+s3] =	stream.linear.scatter [tilespmem:s11], [sflag:$0x4], $0xC80, $0x38;
	[tilespmem:$0x12000] =	vst v63  }
0xb3: {  	s23 =	sadd.s32 s2, s21  }
0xb4: {  	[hbm4b:s23+s3] =	stream.linear.scatter [tilespmem:s12], [sflag:$0x4], $0xC80, $0x38;
	[tilespmem:$0x12000] =	vst v63  }
0xb5: {  	s18 =	sadd.s32 $0x1900, s2;
	_ =	swait.ge [sflag:s16], $0x6400  }
0xb6: {  	s19 =	simm.s32 $0x2000;
	s22 =	simm.s32 $0x4000;
	[sflag:s16] =	ssyncset.done $0x0  }
.LBB2_2:
0xb7: {  	s21 =	sshra.s32 s19, $0x2  }
0xb8: {  	[sflag:s16] =	ssyncadd.s32 $0xFFFF9C00;
	s23 =	sadd.s32 $0x400, s21  }
0xb9: {  	[tilespmem:s5], [sflag:$0x2] =	stream.indirect.gather [hbm4b:s4+s24], $0x40, s23, s24, $0xb8;
	[tilespmem:$0x12000] =	vst v63  }
0xba: {  	s2 =	sadd.s32 $0x480, s21  }
0xbb: {  	[tilespmem:s6], [sflag:$0x2] =	stream.indirect.gather [hbm4b:s4+s24], $0x40, s2, s24, $0xb8;
	[tilespmem:$0x12000] =	vst v63  }
0xbc: {  	s17 =	sadd.s32 $0x500, s21  }
0xbd: {  	[tilespmem:s7], [sflag:$0x2] =	stream.indirect.gather [hbm4b:s4+s24], $0x40, s17, s24, $0xb8;
	[tilespmem:$0x12000] =	vst v63  }
0xbe: {  	s23 =	sadd.s32 $0x580, s21  }
0xbf: {  	[tilespmem:s8], [sflag:$0x2] =	stream.indirect.gather [hbm4b:s4+s24], $0x40, s23, s24, $0xb8;
	[tilespmem:$0x12000] =	vst v63  }
0xc0: {  	s2 =	sadd.s32 $0x600, s21  }
0xc1: {  	[tilespmem:s9], [sflag:$0x2] =	stream.indirect.gather [hbm4b:s4+s24], $0x40, s2, s24, $0xb8;
	[tilespmem:$0x12000] =	vst v63  }
0xc2: {  	s17 =	sadd.s32 $0x680, s21  }
0xc3: {  	[tilespmem:s10], [sflag:$0x2] =	stream.indirect.gather [hbm4b:s4+s24], $0x40, s17, s24, $0xb8;
	[tilespmem:$0x12000] =	vst v63  }
0xc4: {  	s23 =	sadd.s32 $0x700, s21  }
0xc5: {  	[tilespmem:s11], [sflag:$0x2] =	stream.indirect.gather [hbm4b:s4+s24], $0x40, s23, s24, $0xb8;
	[tilespmem:$0x12000] =	vst v63  }
0xc6: {  	s2 =	sadd.s32 $0x780, s21  }
0xc7: {  	[tilespmem:s12], [sflag:$0x2] =	stream.indirect.gather [hbm4b:s4+s24], $0x40, s2, s24, $0xb8;
	[tilespmem:$0x12000] =	vst v63  }
0xc8: {  	_ =	swait.ge [sflag:s13], $0xE00  }
0xc9: {  	[sflag:s13] =	ssyncset.done $0x0  }
0xca: {  	[sflag:s13] =	ssyncadd.s32 $0xFFFFF200  }
0xcb: {  	_ =	swait.ge [sflag:s13], $0xE00  }
0xcc: {  	[sflag:s13] =	ssyncset.done $0x0  }
0xcd: {  	[sflag:s13] =	ssyncadd.s32 $0xFFFFF200  }
0xce: {  	_ =	swait.ge [sflag:s13], $0xE00  }
0xcf: {  	[sflag:s13] =	ssyncset.done $0x0  }
0xd0: {  	[sflag:s13] =	ssyncadd.s32 $0xFFFFF200  }
0xd1: {  	_ =	swait.ge [sflag:s13], $0xE00  }
0xd2: {  	[sflag:s13] =	ssyncset.done $0x0  }
0xd3: {  	[sflag:s13] =	ssyncadd.s32 $0xFFFFF200  }
0xd4: {  	_ =	swait.ge [sflag:s13], $0xE00  }
0xd5: {  	[sflag:s13] =	ssyncset.done $0x0  }
0xd6: {  	[sflag:s13] =	ssyncadd.s32 $0xFFFFF200  }
0xd7: {  	_ =	swait.ge [sflag:s13], $0xE00  }
0xd8: {  	[sflag:s13] =	ssyncset.done $0x0  }
0xd9: {  	[sflag:s13] =	ssyncadd.s32 $0xFFFFF200  }
0xda: {  	_ =	swait.ge [sflag:s13], $0xE00  }
0xdb: {  	[sflag:s13] =	ssyncset.done $0x0  }
0xdc: {  	[sflag:s13] =	ssyncadd.s32 $0xFFFFF200  }
0xdd: {  	s19 =	smov.u32 s22;
	s20 =	sadd.s32 $0x2000, s22;
	_ =	swait.ge [sflag:s13], $0xE00  }
0xde: {  	p0 =	sne.s32 s22, $0xC000;
	s17 =	rddreg [dreg:$0x3];
	[sflag:s13] =	ssyncset.done $0x0  }
0xdf: {  	s23 =	rddreg [dreg:$0xa];
	[sflag:s13] =	ssyncadd.s32 $0xFFFFF200;
	s22 =	sadd.s32 s18, s17  }
0xe0: {  	[hbm4b:s22+s3] =	stream.linear.scatter [tilespmem:s25], [sflag:$0x3], $0xC80, $0x38;
	[tilespmem:$0x12000] =	vst v63  }
0xe1: {  	s2 =	rddreg [dreg:$0x9];
	s23 =	sadd.s32 s18, s23  }
0xe2: {  	[hbm4b:s23+s3] =	stream.linear.scatter [tilespmem:s28], [sflag:$0x3], $0xC80, $0x38;
	[tilespmem:$0x12000] =	vst v63  }
0xe3: {  	s17 =	rddreg [dreg:$0x8];
	s2 =	sadd.s32 s18, s2  }
0xe4: {  	[hbm4b:s2+s3] =	stream.linear.scatter [tilespmem:s30], [sflag:$0x3], $0xC80, $0x38;
	[tilespmem:$0x12000] =	vst v63  }
0xe5: {  	s23 =	rddreg [dreg:$0x7];
	s2 =	sadd.s32 s18, s17  }
0xe6: {  	[hbm4b:s2+s3] =	stream.linear.scatter [tilespmem:s1], [sflag:$0x3], $0xC80, $0x38;
	[tilespmem:$0x12000] =	vst v63  }
0xe7: {  	s17 =	rddreg [dreg:$0x6];
	s2 =	sadd.s32 s18, s23  }
0xe8: {  	[hbm4b:s2+s3] =	stream.linear.scatter [tilespmem:s26], [sflag:$0x3], $0xC80, $0x38;
	[tilespmem:$0x12000] =	vst v63  }
0xe9: {  	s23 =	rddreg [dreg:$0x5];
	s2 =	sadd.s32 s18, s17  }
0xea: {  	[hbm4b:s2+s3] =	stream.linear.scatter [tilespmem:s31], [sflag:$0x3], $0xC80, $0x38;
	[tilespmem:$0x12000] =	vst v63  }
0xeb: {  	s23 =	sadd.s32 s18, s23;
	s17 =	rddreg [dreg:$0x4]  }
0xec: {  	[hbm4b:s23+s3] =	stream.linear.scatter [tilespmem:s29], [sflag:$0x3], $0xC80, $0x38;
	[tilespmem:$0x12000] =	vst v63  }
0xed: {  	s17 =	sadd.s32 s18, s17  }
0xee: {  	[hbm4b:s17+s3] =	stream.linear.scatter [tilespmem:s0], [sflag:$0x3], $0xC80, $0x38;
	[tilespmem:$0x12000] =	vst v63  }
0xef: {  	_ =	swait.ge [sflag:s14], $0x6400  }
0xf0: {  	[sflag:s14] =	ssyncset.done $0x0  }
0xf1: {  	s23 =	sadd.s32 $0x800, s21;
	[sflag:s14] =	ssyncadd.s32 $0xFFFF9C00  }
0xf2: {  	[tilespmem:s25], [sflag:$0x1] =	stream.indirect.gather [hbm4b:s4+s24], $0x40, s23, s24, $0xb8;
	[tilespmem:$0x12000] =	vst v63  }
0xf3: {  	s17 =	sadd.s32 $0x880, s21  }
0xf4: {  	[tilespmem:s28], [sflag:$0x1] =	stream.indirect.gather [hbm4b:s4+s24], $0x40, s17, s24, $0xb8;
	[tilespmem:$0x12000] =	vst v63  }
0xf5: {  	s23 =	sadd.s32 $0x900, s21  }
0xf6: {  	[tilespmem:s30], [sflag:$0x1] =	stream.indirect.gather [hbm4b:s4+s24], $0x40, s23, s24, $0xb8;
	[tilespmem:$0x12000] =	vst v63  }
0xf7: {  	s17 =	sadd.s32 $0x980, s21  }
0xf8: {  	[tilespmem:s1], [sflag:$0x1] =	stream.indirect.gather [hbm4b:s4+s24], $0x40, s17, s24, $0xb8;
	[tilespmem:$0x12000] =	vst v63  }
0xf9: {  	s23 =	sadd.s32 $0xA00, s21  }
0xfa: {  	[tilespmem:s26], [sflag:$0x1] =	stream.indirect.gather [hbm4b:s4+s24], $0x40, s23, s24, $0xb8;
	[tilespmem:$0x12000] =	vst v63  }
0xfb: {  	s17 =	sadd.s32 $0xA80, s21  }
0xfc: {  	[tilespmem:s31], [sflag:$0x1] =	stream.indirect.gather [hbm4b:s4+s24], $0x40, s17, s24, $0xb8;
	[tilespmem:$0x12000] =	vst v63  }
0xfd: {  	s23 =	sadd.s32 $0xB00, s21  }
0xfe: {  	[tilespmem:s29], [sflag:$0x1] =	stream.indirect.gather [hbm4b:s4+s24], $0x40, s23, s24, $0xb8;
	[tilespmem:$0x12000] =	vst v63  }
0xff: {  	s17 =	sadd.s32 $0xB80, s21  }
0x100: {  	[tilespmem:s0], [sflag:$0x1] =	stream.indirect.gather [hbm4b:s4+s24], $0x40, s17, s24, $0xb8;
	[tilespmem:$0x12000] =	vst v63  }
0x101: {  	_ =	swait.ge [sflag:s15], $0xE00  }
0x102: {  	[sflag:s15] =	ssyncset.done $0x0  }
0x103: {  	[sflag:s15] =	ssyncadd.s32 $0xFFFFF200  }
0x104: {  	_ =	swait.ge [sflag:s15], $0xE00  }
0x105: {  	[sflag:s15] =	ssyncset.done $0x0  }
0x106: {  	[sflag:s15] =	ssyncadd.s32 $0xFFFFF200  }
0x107: {  	_ =	swait.ge [sflag:s15], $0xE00  }
0x108: {  	[sflag:s15] =	ssyncset.done $0x0  }
0x109: {  	[sflag:s15] =	ssyncadd.s32 $0xFFFFF200  }
0x10a: {  	_ =	swait.ge [sflag:s15], $0xE00  }
0x10b: {  	[sflag:s15] =	ssyncset.done $0x0  }
0x10c: {  	[sflag:s15] =	ssyncadd.s32 $0xFFFFF200  }
0x10d: {  	_ =	swait.ge [sflag:s15], $0xE00  }
0x10e: {  	[sflag:s15] =	ssyncset.done $0x0  }
0x10f: {  	[sflag:s15] =	ssyncadd.s32 $0xFFFFF200  }
0x110: {  	_ =	swait.ge [sflag:s15], $0xE00  }
0x111: {  	[sflag:s15] =	ssyncset.done $0x0  }
0x112: {  	[sflag:s15] =	ssyncadd.s32 $0xFFFFF200  }
0x113: {  	_ =	swait.ge [sflag:s15], $0xE00  }
0x114: {  	[sflag:s15] =	ssyncset.done $0x0  }
0x115: {  	[sflag:s15] =	ssyncadd.s32 $0xFFFFF200  }
0x116: {  	_ =	swait.ge [sflag:s15], $0xE00  }
0x117: {  	[sflag:s15] =	ssyncset.done $0x0  }
0x118: {  	s22 =	sadd.s32 $0xC80, s22;
	s21 =	rddreg [dreg:$0x11];
	[sflag:s15] =	ssyncadd.s32 $0xFFFFF200  }
0x119: {  	[hbm4b:s22+s3] =	stream.linear.scatter [tilespmem:s5], [sflag:$0x4], $0xC80, $0x38;
	[tilespmem:$0x12000] =	vst v63  }
0x11a: {  	s23 =	rddreg [dreg:$0x10];
	s2 =	sadd.s32 s18, s21  }
0x11b: {  	[hbm4b:s2+s3] =	stream.linear.scatter [tilespmem:s6], [sflag:$0x4], $0xC80, $0x38;
	[tilespmem:$0x12000] =	vst v63  }
0x11c: {  	s17 =	rddreg [dreg:$0xf];
	s22 =	sadd.s32 s18, s23  }
0x11d: {  	[hbm4b:s22+s3] =	stream.linear.scatter [tilespmem:s7], [sflag:$0x4], $0xC80, $0x38;
	[tilespmem:$0x12000] =	vst v63  }
0x11e: {  	s17 =	sadd.s32 s18, s17;
	s23 =	rddreg [dreg:$0xe]  }
0x11f: {  	[hbm4b:s17+s3] =	stream.linear.scatter [tilespmem:s8], [sflag:$0x4], $0xC80, $0x38;
	[tilespmem:$0x12000] =	vst v63  }
0x120: {  	s23 =	sadd.s32 s18, s23;
	s22 =	rddreg [dreg:$0xd]  }
0x121: {  	[hbm4b:s23+s3] =	stream.linear.scatter [tilespmem:s9], [sflag:$0x4], $0xC80, $0x38;
	[tilespmem:$0x12000] =	vst v63  }
0x122: {  	s21 =	rddreg [dreg:$0xc];
	s22 =	sadd.s32 s18, s22  }
0x123: {  	[hbm4b:s22+s3] =	stream.linear.scatter [tilespmem:s10], [sflag:$0x4], $0xC80, $0x38;
	[tilespmem:$0x12000] =	vst v63  }
0x124: {  	s22 =	sadd.s32 s18, s21  }
0x125: {  	[hbm4b:s22+s3] =	stream.linear.scatter [tilespmem:s11], [sflag:$0x4], $0xC80, $0x38;
	[tilespmem:$0x12000] =	vst v63  }
.Ltmp0:
0x126: {  	s23 =	rddreg [dreg:$0xb];
	(pc) =	sbr.rel @p0 .LBB2_2-.Ltmp0, $4  }
0x127: {  	s23 =	sadd.s32 s18, s23  }
0x128: {  	[hbm4b:s23+s3] =	stream.linear.scatter [tilespmem:s12], [sflag:$0x4], $0xC80, $0x38;
	[tilespmem:$0x12000] =	vst v63  }
0x129: {  	_ =	swait.ge [sflag:s16], $0x6400  }
0x12a: {  	s18 =	sadd.s32 $0x1900, s18;
	s22 =	smov.u32 s20;
	[sflag:s16] =	ssyncset.done $0x0  }
0x12b: {  	s19 =	sshra.s32 s19, $0x2  }
0x12c: {  	[sflag:s16] =	ssyncadd.s32 $0xFFFF9C00;
	s2 =	sadd.s32 $0x400, s19  }
0x12d: {  	[tilespmem:s5], [sflag:$0x2] =	stream.indirect.gather [hbm4b:s4+s24], $0x40, s2, s24, $0xb8;
	[tilespmem:$0x12000] =	vst v63  }
0x12e: {  	s23 =	sadd.s32 $0x480, s19  }
0x12f: {  	[tilespmem:s6], [sflag:$0x2] =	stream.indirect.gather [hbm4b:s4+s24], $0x40, s23, s24, $0xb8;
	[tilespmem:$0x12000] =	vst v63  }
0x130: {  	s17 =	sadd.s32 $0x500, s19  }
0x131: {  	[tilespmem:s7], [sflag:$0x2] =	stream.indirect.gather [hbm4b:s4+s24], $0x40, s17, s24, $0xb8;
	[tilespmem:$0x12000] =	vst v63  }
0x132: {  	s20 =	sadd.s32 $0x580, s19  }
0x133: {  	[tilespmem:s8], [sflag:$0x2] =	stream.indirect.gather [hbm4b:s4+s24], $0x40, s20, s24, $0xb8;
	[tilespmem:$0x12000] =	vst v63  }
0x134: {  	s21 =	sadd.s32 $0x600, s19  }
0x135: {  	[tilespmem:s9], [sflag:$0x2] =	stream.indirect.gather [hbm4b:s4+s24], $0x40, s21, s24, $0xb8;
	[tilespmem:$0x12000] =	vst v63  }
0x136: {  	s22 =	sadd.s32 $0x680, s19  }
0x137: {  	[tilespmem:s10], [sflag:$0x2] =	stream.indirect.gather [hbm4b:s4+s24], $0x40, s22, s24, $0xb8;
	[tilespmem:$0x12000] =	vst v63  }
0x138: {  	s23 =	sadd.s32 $0x700, s19  }
0x139: {  	[tilespmem:s11], [sflag:$0x2] =	stream.indirect.gather [hbm4b:s4+s24], $0x40, s23, s24, $0xb8;
	[tilespmem:$0x12000] =	vst v63  }
0x13a: {  	s17 =	sadd.s32 $0x780, s19  }
0x13b: {  	[tilespmem:s12], [sflag:$0x2] =	stream.indirect.gather [hbm4b:s4+s24], $0x40, s17, s24, $0xb8;
	[tilespmem:$0x12000] =	vst v63  }
0x13c: {  	_ =	swait.ge [sflag:s13], $0xE00  }
0x13d: {  	[sflag:s13] =	ssyncset.done $0x0  }
0x13e: {  	[sflag:s13] =	ssyncadd.s32 $0xFFFFF200  }
0x13f: {  	_ =	swait.ge [sflag:s13], $0xE00  }
0x140: {  	[sflag:s13] =	ssyncset.done $0x0  }
0x141: {  	[sflag:s13] =	ssyncadd.s32 $0xFFFFF200  }
0x142: {  	_ =	swait.ge [sflag:s13], $0xE00  }
0x143: {  	[sflag:s13] =	ssyncset.done $0x0  }
0x144: {  	[sflag:s13] =	ssyncadd.s32 $0xFFFFF200  }
0x145: {  	_ =	swait.ge [sflag:s13], $0xE00  }
0x146: {  	[sflag:s13] =	ssyncset.done $0x0  }
0x147: {  	[sflag:s13] =	ssyncadd.s32 $0xFFFFF200  }
0x148: {  	_ =	swait.ge [sflag:s13], $0xE00  }
0x149: {  	[sflag:s13] =	ssyncset.done $0x0  }
0x14a: {  	[sflag:s13] =	ssyncadd.s32 $0xFFFFF200  }
0x14b: {  	_ =	swait.ge [sflag:s13], $0xE00  }
0x14c: {  	[sflag:s13] =	ssyncset.done $0x0  }
0x14d: {  	[sflag:s13] =	ssyncadd.s32 $0xFFFFF200  }
0x14e: {  	_ =	swait.ge [sflag:s13], $0xE00  }
0x14f: {  	[sflag:s13] =	ssyncset.done $0x0  }
0x150: {  	[sflag:s13] =	ssyncadd.s32 $0xFFFFF200  }
0x151: {  	_ =	swait.ge [sflag:s13], $0xE00  }
0x152: {  	s20 =	rddreg [dreg:$0x3];
	[sflag:s13] =	ssyncset.done $0x0  }
0x153: {  	s17 =	rddreg [dreg:$0xa];
	[sflag:s13] =	ssyncadd.s32 $0xFFFFF200;
	s20 =	sadd.s32 s18, s20  }
0x154: {  	[hbm4b:s20+s3] =	stream.linear.scatter [tilespmem:s25], [sflag:$0x3], $0xC80, $0x38;
	[tilespmem:$0x12000] =	vst v63  }
0x155: {  	s21 =	rddreg [dreg:$0x9];
	s17 =	sadd.s32 s18, s17  }
0x156: {  	[hbm4b:s17+s3] =	stream.linear.scatter [tilespmem:s28], [sflag:$0x3], $0xC80, $0x38;
	[tilespmem:$0x12000] =	vst v63  }
0x157: {  	s22 =	rddreg [dreg:$0x8];
	s2 =	sadd.s32 s18, s21  }
0x158: {  	[hbm4b:s2+s3] =	stream.linear.scatter [tilespmem:s30], [sflag:$0x3], $0xC80, $0x38;
	[tilespmem:$0x12000] =	vst v63  }
0x159: {  	s23 =	rddreg [dreg:$0x7];
	s17 =	sadd.s32 s18, s22  }
0x15a: {  	[hbm4b:s17+s3] =	stream.linear.scatter [tilespmem:s1], [sflag:$0x3], $0xC80, $0x38;
	[tilespmem:$0x12000] =	vst v63  }
0x15b: {  	s21 =	rddreg [dreg:$0x6];
	s2 =	sadd.s32 s18, s23  }
0x15c: {  	[hbm4b:s2+s3] =	stream.linear.scatter [tilespmem:s26], [sflag:$0x3], $0xC80, $0x38;
	[tilespmem:$0x12000] =	vst v63  }
0x15d: {  	s22 =	rddreg [dreg:$0x5];
	s17 =	sadd.s32 s18, s21  }
0x15e: {  	[hbm4b:s17+s3] =	stream.linear.scatter [tilespmem:s31], [sflag:$0x3], $0xC80, $0x38;
	[tilespmem:$0x12000] =	vst v63  }
0x15f: {  	s23 =	rddreg [dreg:$0x4];
	s2 =	sadd.s32 s18, s22  }
0x160: {  	[hbm4b:s2+s3] =	stream.linear.scatter [tilespmem:s29], [sflag:$0x3], $0xC80, $0x38;
	[tilespmem:$0x12000] =	vst v63  }
0x161: {  	s21 =	sadd.s32 s18, s23  }
0x162: {  	[hbm4b:s21+s3] =	stream.linear.scatter [tilespmem:s0], [sflag:$0x3], $0xC80, $0x38;
	[tilespmem:$0x12000] =	vst v63  }
0x163: {  	_ =	swait.ge [sflag:s14], $0x6400  }
0x164: {  	[sflag:s14] =	ssyncset.done $0x0  }
0x165: {  	s22 =	sadd.s32 $0x800, s19;
	[sflag:s14] =	ssyncadd.s32 $0xFFFF9C00  }
0x166: {  	[tilespmem:s25], [sflag:$0x1] =	stream.indirect.gather [hbm4b:s4+s24], $0x40, s22, s24, $0xb8;
	[tilespmem:$0x12000] =	vst v63  }
0x167: {  	s23 =	sadd.s32 $0x880, s19  }
0x168: {  	[tilespmem:s28], [sflag:$0x1] =	stream.indirect.gather [hbm4b:s4+s24], $0x40, s23, s24, $0xb8;
	[tilespmem:$0x12000] =	vst v63  }
0x169: {  	s17 =	sadd.s32 $0x900, s19  }
0x16a: {  	[tilespmem:s30], [sflag:$0x1] =	stream.indirect.gather [hbm4b:s4+s24], $0x40, s17, s24, $0xb8;
	[tilespmem:$0x12000] =	vst v63  }
0x16b: {  	s21 =	sadd.s32 $0x980, s19  }
0x16c: {  	[tilespmem:s1], [sflag:$0x1] =	stream.indirect.gather [hbm4b:s4+s24], $0x40, s21, s24, $0xb8;
	[tilespmem:$0x12000] =	vst v63  }
0x16d: {  	s22 =	sadd.s32 $0xA00, s19  }
0x16e: {  	[tilespmem:s26], [sflag:$0x1] =	stream.indirect.gather [hbm4b:s4+s24], $0x40, s22, s24, $0xb8;
	[tilespmem:$0x12000] =	vst v63  }
0x16f: {  	s23 =	sadd.s32 $0xA80, s19  }
0x170: {  	[tilespmem:s31], [sflag:$0x1] =	stream.indirect.gather [hbm4b:s4+s24], $0x40, s23, s24, $0xb8;
	[tilespmem:$0x12000] =	vst v63  }
0x171: {  	s17 =	sadd.s32 $0xB00, s19  }
0x172: {  	[tilespmem:s29], [sflag:$0x1] =	stream.indirect.gather [hbm4b:s4+s24], $0x40, s17, s24, $0xb8;
	[tilespmem:$0x12000] =	vst v63  }
0x173: {  	s19 =	sadd.s32 $0xB80, s19  }
0x174: {  	[tilespmem:s0], [sflag:$0x1] =	stream.indirect.gather [hbm4b:s4+s24], $0x40, s19, s24, $0xb8;
	[tilespmem:$0x12000] =	vst v63  }
0x175: {  	_ =	swait.ge [sflag:s15], $0xE00  }
0x176: {  	[sflag:s15] =	ssyncset.done $0x0  }
0x177: {  	[sflag:s15] =	ssyncadd.s32 $0xFFFFF200  }
0x178: {  	_ =	swait.ge [sflag:s15], $0xE00  }
0x179: {  	[sflag:s15] =	ssyncset.done $0x0  }
0x17a: {  	[sflag:s15] =	ssyncadd.s32 $0xFFFFF200  }
0x17b: {  	_ =	swait.ge [sflag:s15], $0xE00  }
0x17c: {  	[sflag:s15] =	ssyncset.done $0x0  }
0x17d: {  	[sflag:s15] =	ssyncadd.s32 $0xFFFFF200  }
0x17e: {  	_ =	swait.ge [sflag:s15], $0xE00  }
0x17f: {  	[sflag:s15] =	ssyncset.done $0x0  }
0x180: {  	[sflag:s15] =	ssyncadd.s32 $0xFFFFF200  }
0x181: {  	_ =	swait.ge [sflag:s15], $0xE00  }
0x182: {  	[sflag:s15] =	ssyncset.done $0x0  }
0x183: {  	[sflag:s15] =	ssyncadd.s32 $0xFFFFF200  }
0x184: {  	_ =	swait.ge [sflag:s15], $0xE00  }
0x185: {  	[sflag:s15] =	ssyncset.done $0x0  }
0x186: {  	[sflag:s15] =	ssyncadd.s32 $0xFFFFF200  }
0x187: {  	_ =	swait.ge [sflag:s15], $0xE00  }
0x188: {  	[sflag:s15] =	ssyncset.done $0x0  }
0x189: {  	[sflag:s15] =	ssyncadd.s32 $0xFFFFF200  }
0x18a: {  	_ =	swait.ge [sflag:s15], $0xE00  }
0x18b: {  	[sflag:s15] =	ssyncset.done $0x0  }
0x18c: {  	s22 =	sadd.s32 $0xC80, s20;
	s21 =	rddreg [dreg:$0x11];
	[sflag:s15] =	ssyncadd.s32 $0xFFFFF200  }
0x18d: {  	[hbm4b:s22+s3] =	stream.linear.scatter [tilespmem:s5], [sflag:$0x4], $0xC80, $0x38;
	[tilespmem:$0x12000] =	vst v63  }
0x18e: {  	s23 =	rddreg [dreg:$0x10];
	s2 =	sadd.s32 s18, s21  }
0x18f: {  	[hbm4b:s2+s3] =	stream.linear.scatter [tilespmem:s6], [sflag:$0x4], $0xC80, $0x38;
	[tilespmem:$0x12000] =	vst v63  }
0x190: {  	s19 =	rddreg [dreg:$0xf];
	s17 =	sadd.s32 s18, s23  }
0x191: {  	[hbm4b:s17+s3] =	stream.linear.scatter [tilespmem:s7], [sflag:$0x4], $0xC80, $0x38;
	[tilespmem:$0x12000] =	vst v63  }
0x192: {  	s20 =	rddreg [dreg:$0xe];
	s2 =	sadd.s32 s18, s19  }
0x193: {  	[hbm4b:s2+s3] =	stream.linear.scatter [tilespmem:s8], [sflag:$0x4], $0xC80, $0x38;
	[tilespmem:$0x12000] =	vst v63  }
0x194: {  	s21 =	rddreg [dreg:$0xd];
	s17 =	sadd.s32 s18, s20  }
0x195: {  	[hbm4b:s17+s3] =	stream.linear.scatter [tilespmem:s9], [sflag:$0x4], $0xC80, $0x38;
	[tilespmem:$0x12000] =	vst v63  }
0x196: {  	s22 =	rddreg [dreg:$0xc];
	s2 =	sadd.s32 s18, s21  }
0x197: {  	[hbm4b:s2+s3] =	stream.linear.scatter [tilespmem:s10], [sflag:$0x4], $0xC80, $0x38;
	[tilespmem:$0x12000] =	vst v63  }
0x198: {  	s23 =	rddreg [dreg:$0xb];
	s17 =	sadd.s32 s18, s22  }
0x199: {  	[hbm4b:s17+s3] =	stream.linear.scatter [tilespmem:s11], [sflag:$0x4], $0xC80, $0x38;
	[tilespmem:$0x12000] =	vst v63  }
0x19a: {  	s2 =	sadd.s32 s18, s23  }
0x19b: {  	[hbm4b:s2+s3] =	stream.linear.scatter [tilespmem:s12], [sflag:$0x4], $0xC80, $0x38;
	[tilespmem:$0x12000] =	vst v63  }
0x19c: {  	_ =	swait.ge [sflag:s16], $0x6400  }
0x19d: {  	[sflag:s16] =	ssyncset.done $0x0  }
0x19e: {  	s19 =	simm.s32 $0x3C00;
	[sflag:s16] =	ssyncadd.s32 $0xFFFF9C00  }
0x19f: {  	[tilespmem:s5], [sflag:$0x2] =	stream.indirect.gather [hbm4b:s4+s24], $0x40, s19, s24, $0xb8;
	[tilespmem:$0x12000] =	vst v63  }
0x1a0: {  	s20 =	simm.s32 $0x3C80  }
0x1a1: {  	[tilespmem:s6], [sflag:$0x2] =	stream.indirect.gather [hbm4b:s4+s24], $0x40, s20, s24, $0xb8;
	[tilespmem:$0x12000] =	vst v63  }
0x1a2: {  	s21 =	simm.s32 $0x3D00  }
0x1a3: {  	[tilespmem:s7], [sflag:$0x2] =	stream.indirect.gather [hbm4b:s4+s24], $0x40, s21, s24, $0xb8;
	[tilespmem:$0x12000] =	vst v63  }
0x1a4: {  	s22 =	simm.s32 $0x3D80  }
0x1a5: {  	[tilespmem:s8], [sflag:$0x2] =	stream.indirect.gather [hbm4b:s4+s24], $0x40, s22, s24, $0xb8;
	[tilespmem:$0x12000] =	vst v63  }
0x1a6: {  	s23 =	simm.s32 $0x3E00  }
0x1a7: {  	[tilespmem:s9], [sflag:$0x2] =	stream.indirect.gather [hbm4b:s4+s24], $0x40, s23, s24, $0xb8;
	[tilespmem:$0x12000] =	vst v63  }
0x1a8: {  	s17 =	simm.s32 $0x3E80  }
0x1a9: {  	[tilespmem:s10], [sflag:$0x2] =	stream.indirect.gather [hbm4b:s4+s24], $0x40, s17, s24, $0xb8;
	[tilespmem:$0x12000] =	vst v63  }
0x1aa: {  	s18 =	simm.s32 $0x3F00  }
0x1ab: {  	[tilespmem:s11], [sflag:$0x2] =	stream.indirect.gather [hbm4b:s4+s24], $0x40, s18, s24, $0xb8;
	[tilespmem:$0x12000] =	vst v63  }
0x1ac: {  	s19 =	simm.s32 $0x3F80  }
0x1ad: {  	[tilespmem:s12], [sflag:$0x2] =	stream.indirect.gather [hbm4b:s4+s24], $0x40, s19, s24, $0xb8;
	[tilespmem:$0x12000] =	vst v63  }
0x1ae: {  	_ =	swait.ge [sflag:s13], $0xE00  }
0x1af: {  	[sflag:s13] =	ssyncset.done $0x0  }
0x1b0: {  	[sflag:s13] =	ssyncadd.s32 $0xFFFFF200  }
0x1b1: {  	_ =	swait.ge [sflag:s13], $0xE00  }
0x1b2: {  	[sflag:s13] =	ssyncset.done $0x0  }
0x1b3: {  	[sflag:s13] =	ssyncadd.s32 $0xFFFFF200  }
0x1b4: {  	_ =	swait.ge [sflag:s13], $0xE00  }
0x1b5: {  	[sflag:s13] =	ssyncset.done $0x0  }
0x1b6: {  	[sflag:s13] =	ssyncadd.s32 $0xFFFFF200  }
0x1b7: {  	_ =	swait.ge [sflag:s13], $0xE00  }
0x1b8: {  	[sflag:s13] =	ssyncset.done $0x0  }
0x1b9: {  	[sflag:s13] =	ssyncadd.s32 $0xFFFFF200  }
0x1ba: {  	_ =	swait.ge [sflag:s13], $0xE00  }
0x1bb: {  	[sflag:s13] =	ssyncset.done $0x0  }
0x1bc: {  	[sflag:s13] =	ssyncadd.s32 $0xFFFFF200  }
0x1bd: {  	_ =	swait.ge [sflag:s13], $0xE00  }
0x1be: {  	[sflag:s13] =	ssyncset.done $0x0  }
0x1bf: {  	[sflag:s13] =	ssyncadd.s32 $0xFFFFF200  }
0x1c0: {  	_ =	swait.ge [sflag:s13], $0xE00  }
0x1c1: {  	[sflag:s13] =	ssyncset.done $0x0  }
0x1c2: {  	[sflag:s13] =	ssyncadd.s32 $0xFFFFF200  }
0x1c3: {  	_ =	swait.ge [sflag:s13], $0xE00  }
0x1c4: {  	[sflag:s13] =	ssyncset.done $0x0  }
0x1c5: {  	s20 =	rddreg [dreg:$0x13];
	[sflag:s13] =	ssyncadd.s32 $0xFFFFF200  }
0x1c6: {  	[hbm4b:s20+s3] =	stream.linear.scatter [tilespmem:s25], [sflag:$0x3], $0xC80, $0x38;
	[tilespmem:$0x12000] =	vst v63  }
0x1c7: {  	s21 =	rddreg [dreg:$0x14]  }
0x1c8: {  	[hbm4b:s21+s3] =	stream.linear.scatter [tilespmem:s28], [sflag:$0x3], $0xC80, $0x38;
	[tilespmem:$0x12000] =	vst v63  }
0x1c9: {  	s22 =	rddreg [dreg:$0x15]  }
0x1ca: {  	[hbm4b:s22+s3] =	stream.linear.scatter [tilespmem:s30], [sflag:$0x3], $0xC80, $0x38;
	[tilespmem:$0x12000] =	vst v63  }
0x1cb: {  	s23 =	rddreg [dreg:$0x16]  }
0x1cc: {  	[hbm4b:s23+s3] =	stream.linear.scatter [tilespmem:s1], [sflag:$0x3], $0xC80, $0x38;
	[tilespmem:$0x12000] =	vst v63  }
0x1cd: {  	s17 =	rddreg [dreg:$0x17]  }
0x1ce: {  	[hbm4b:s17+s3] =	stream.linear.scatter [tilespmem:s26], [sflag:$0x3], $0xC80, $0x38;
	[tilespmem:$0x12000] =	vst v63  }
0x1cf: {  	s18 =	rddreg [dreg:$0x18]  }
0x1d0: {  	[hbm4b:s18+s3] =	stream.linear.scatter [tilespmem:s31], [sflag:$0x3], $0xC80, $0x38;
	[tilespmem:$0x12000] =	vst v63  }
0x1d1: {  	s19 =	rddreg [dreg:$0x19]  }
0x1d2: {  	[hbm4b:s19+s3] =	stream.linear.scatter [tilespmem:s29], [sflag:$0x3], $0xC80, $0x38;
	[tilespmem:$0x12000] =	vst v63  }
0x1d3: {  	s20 =	rddreg [dreg:$0x1a]  }
0x1d4: {  	[hbm4b:s20+s3] =	stream.linear.scatter [tilespmem:s0], [sflag:$0x3], $0xC80, $0x38;
	[tilespmem:$0x12000] =	vst v63  }
0x1d5: {  	_ =	swait.ge [sflag:s14], $0x6400  }
0x1d6: {  	[sflag:s14] =	ssyncset.done $0x0  }
0x1d7: {  	[sflag:s14] =	ssyncadd.s32 $0xFFFF9C00  }
0x1d8: {  	_ =	swait.ge [sflag:s15], $0xE00  }
0x1d9: {  	[sflag:s15] =	ssyncset.done $0x0  }
0x1da: {  	[sflag:s15] =	ssyncadd.s32 $0xFFFFF200  }
0x1db: {  	_ =	swait.ge [sflag:s15], $0xE00  }
0x1dc: {  	[sflag:s15] =	ssyncset.done $0x0  }
0x1dd: {  	[sflag:s15] =	ssyncadd.s32 $0xFFFFF200  }
0x1de: {  	_ =	swait.ge [sflag:s15], $0xE00  }
0x1df: {  	[sflag:s15] =	ssyncset.done $0x0  }
0x1e0: {  	[sflag:s15] =	ssyncadd.s32 $0xFFFFF200  }
0x1e1: {  	_ =	swait.ge [sflag:s15], $0xE00  }
0x1e2: {  	[sflag:s15] =	ssyncset.done $0x0  }
0x1e3: {  	[sflag:s15] =	ssyncadd.s32 $0xFFFFF200  }
0x1e4: {  	_ =	swait.ge [sflag:s15], $0xE00  }
0x1e5: {  	[sflag:s15] =	ssyncset.done $0x0  }
0x1e6: {  	[sflag:s15] =	ssyncadd.s32 $0xFFFFF200  }
0x1e7: {  	_ =	swait.ge [sflag:s15], $0xE00  }
0x1e8: {  	[sflag:s15] =	ssyncset.done $0x0  }
0x1e9: {  	[sflag:s15] =	ssyncadd.s32 $0xFFFFF200  }
0x1ea: {  	_ =	swait.ge [sflag:s15], $0xE00  }
0x1eb: {  	[sflag:s15] =	ssyncset.done $0x0  }
0x1ec: {  	[sflag:s15] =	ssyncadd.s32 $0xFFFFF200  }
0x1ed: {  	_ =	swait.ge [sflag:s15], $0xE00  }
0x1ee: {  	[sflag:s15] =	ssyncset.done $0x0;
	s21 =	rddreg [dreg:$0x1b]  }
0x1ef: {  	s22 =	rddreg [dreg:$0x1c];
	[sflag:s15] =	ssyncadd.s32 $0xFFFFF200  }
0x1f0: {  	[hbm4b:s21+s3] =	stream.linear.scatter [tilespmem:s5], [sflag:$0x4], $0xC80, $0x38;
	[tilespmem:$0x12000] =	vst v63  }
0x1f1: {  	s23 =	rddreg [dreg:$0x1d]  }
0x1f2: {  	[hbm4b:s22+s3] =	stream.linear.scatter [tilespmem:s6], [sflag:$0x4], $0xC80, $0x38;
	[tilespmem:$0x12000] =	vst v63  }
0x1f3: {  	s17 =	rddreg [dreg:$0x1e]  }
0x1f4: {  	[hbm4b:s23+s3] =	stream.linear.scatter [tilespmem:s7], [sflag:$0x4], $0xC80, $0x38;
	[tilespmem:$0x12000] =	vst v63  }
0x1f5: {  	s18 =	rddreg [dreg:$0x1f]  }
0x1f6: {  	[hbm4b:s17+s3] =	stream.linear.scatter [tilespmem:s8], [sflag:$0x4], $0xC80, $0x38;
	[tilespmem:$0x12000] =	vst v63  }
0x1f7: {  	s19 =	sld [smem:$0x7FA]  }
0x1f8: {  	[hbm4b:s18+s3] =	stream.linear.scatter [tilespmem:s9], [sflag:$0x4], $0xC80, $0x38;
	[tilespmem:$0x12000] =	vst v63  }
0x1f9: {  	s20 =	sld [smem:$0x7FB]  }
0x1fa: {  	[hbm4b:s19+s3] =	stream.linear.scatter [tilespmem:s10], [sflag:$0x4], $0xC80, $0x38;
	[tilespmem:$0x12000] =	vst v63  }
0x1fb: {  	s21 =	sld [smem:$0x7FC]  }
0x1fc: {  	[hbm4b:s20+s3] =	stream.linear.scatter [tilespmem:s11], [sflag:$0x4], $0xC80, $0x38;
	[tilespmem:$0x12000] =	vst v63  }
0x1fd: {  	_ = 	snop  }
0x1fe: {  	[hbm4b:s21+s3] =	stream.linear.scatter [tilespmem:s12], [sflag:$0x4], $0xC80, $0x38;
	[tilespmem:$0x12000] =	vst v63  }
0x1ff: {  	_ =	swait.ge [sflag:s16], $0x6400  }
0x200: {  	s22 =	sld [smem:$0x7F9]  }
0x201: {  	s23 =	sld [smem:$0x7FD];
	_ =	sdelay $0x1  }
0x202: {  	s17 =	sadd.s32 $0x1, s22  }
0x203: {  	p0 =	sne.s32 s17, s23  }
.Ltmp1:
0x204: {  	_ = 	snop;
	(pc) =	sbr.rel @p0 .LBB2_1-.Ltmp1, $3  }
0x205: {  	_ =	sdelay $0x1  }
0x206: {  	[sflag:s16] =	ssyncset.done $0x0  }
0x207: {  	[sflag:s16] =	ssyncadd.s32 $0xFFFF9C00  }
0x208: {  	_ =	sfence.sel $0x180000  }
0x209: {  	[bflag:$0x0] =	sbarrier.arrive $0xFFFF  }
0x20a: {  	_ =	strace $0x90000047  }
0x20b: {  	s0 =	stileid.u32;
	[bflag:$0x2] =	sbarrier.arrive $0xFFFF  }
0x20c: {  	p0 =	sne.s32 s0, $0x0;
	s0 =	rddreg [dreg:$0x2]  }
0x20d: {  	s0 =	sadd.s32 @!p0 $0x100000, s0  }
0x20e: {  	[sflag:s0] =	ssyncadd.tile.s32 @!p0 $0x1;
	_ =	shalt  }
.Lfunc_end2:
_tile_overlayer_lowered:
.L_overlay_start_2:
0x20f: {  	(tag) =	ssettag $0x2  }
0x210: {  	s0 =	rddreg [dreg:$0x0];
	s2 =	stileid.u32  }
0x211: {  	s1 =	rddreg [dreg:$0x1];
	p0 =	sne.s32 s2, $0x0  }
0x212: {  	s3 =	rddreg [dreg:$0x2];
	[bflag:$0x3] =	sbarrier.arrive $0xFFFF;
	s2 =	simm.s32 @!p0 $0x1C05  }
0x213: {  	[timem:s3], [sflag:s2] =	dma.local @!p0 [hbm:s0], s1  }
0x214: {  	s0 =	simm.s32 @!p0 $0x5  }
0x215: {  	_ =	swait.ge @!p0 [sflag:s0], s1  }
0x216: {  	s1 =	ssub.s32 @!p0 $0x0, s1;
	[sflag:s0] =	ssyncset.done @!p0 $0x0  }
0x217: {  	[sflag:s0] =	ssyncadd.s32 @!p0 s1  }
0x218: {  	[bflag:$0x3] =	sbarrier.arrive $0xFFFF  }
0x219: {  	_ =	shalt  }

// kernel: sparse-core-data-format-call.cloned.1.call-start
scs
called_computation_lowered:
.L_overlay_start_0:
0x0: {  	s2 =	sld [smem:$0x3FD9]  }
0x1: {  	s3 =	sld [smem:$0x3FFE];
	_ =	sdelay $0x1  }
0x2: {  	s1 =	srdreg.scid  }
0x3: {  	s0 =	sand.u32 $0x1, s1  }
0x4: {  	s18 =	sshll.u32 s0, $0xA;
	s2 =	sadd.s32 s3, s2  }
0x5: {  	s2 =	sadd.s32 s2, s18  }
0x6: {  	[smem:$0x3FC6] =	sst s2  }
0x7: {  	_ = 	snop  }
0x8: {  	s2 =	sld [smem:$0x3FD0];
	(tm) =	ssettm $0x1  }
0x9: {  	s19 =	sld [smem:$0x3FFB];
	_ =	sdelay $0x3  }
0xa: {  	_ =	strace s19  }
0xb: {  	s3 =	sld [smem:$0x3FFC];
	_ =	sdelay $0x3  }
0xc: {  	_ =	strace s3  }
0xd: {  	s3 =	sld [smem:$0x3FFD];
	_ =	sdelay $0x3  }
0xe: {  	_ =	strace s3  }
0xf: {  	_ =	strace $0x8FFFFFFF  }
0x10: {  	s20 =	sld [smem:$0x3FDB];
	_ =	sdelay $0x1  }
0x11: {  	s4 =	simm.s32 $_scs_section_size  }
0x12: {  	s5 =	simm.s32 $_size__tile_overlayer_lowered;
	s6 =	simm.s32 $_tile_overlayer_lowered  }
0x13: {  	s23 =	simm.s32 $0x1BFF;
	s22 =	sshll.u32 s6, $0x1;
	s3 =	sadd.s32 s4, s20  }
0x14: {  	s7 =	simm.s32 $0x0;
	s21 =	sshll.u32 s5, $0x1;
	s5 =	sadd.s32 s22, s3  }
0x15: {  	[timem:s7], [sflag:s23] =	dma.local [hbm:s5], s21  }
0x16: {  	_ =	swait.ge [sflag:s23], s21  }
0x17: {  	s4 =	ssub.s32 $0x0, s21;
	[sflag:s23] =	ssyncset.done $0x0  }
0x18: {  	[sflag:s23] =	ssyncadd.s32 s4;
	_ =	sdelay $0x1  }
0x19: {  	s24 =	simm.s32 $0x1B8B  }
0x1a: {  	_ =	swait.ge [sflag:s24], $0x1  }
0x1b: {  	[sflag:s24] =	ssyncset.done $0x0  }
0x1c: {  	s26 =	simm.s32 $0x1B8E;
	s25 =	sld [smem:$0x3FFE];
	[sflag:s24] =	ssyncadd.s32 $0xFFFFFFFF  }
0x1d: {  	s27 =	simm.s32 $execute0_lowered;
	[smem:$0x3FD2] =	sst s26  }
0x1e: {  	s5 =	sshll.u32 s27, $0x1;
	_ =	strace $0x80000049;
	[dreg:$0x1] =	wrdreg $0xFFFFFFFF  }
0x1f: {  	s28 =	simm.s32 $_size_execute0_lowered;
	s3 =	sadd.s32 s3, s5;
	[dreg:$0x0] =	wrdreg $0x0  }
0x20: {  	s5 =	sshll.u32 s28, $0x1;
	[dreg:$0x2] =	wrdreg s3  }
0x21: {  	[dreg:$0x3] =	wrdreg s5  }
0x22: {  	[dreg:$0x4] =	wrdreg $0xC0  }
0x23: {  	_ =	task [dreg:s7], $0x5FFFF  }
0x24: {  	[dreg:$0x1] =	wrdreg $0xFFFFFFFF  }
0x25: {  	[dreg:$0x0] =	wrdreg $0x60  }
0x26: {  	[dreg:$0x2] =	wrdreg s25  }
0x27: {  	[dreg:$0x3] =	wrdreg s2  }
0x28: {  	[dreg:$0x4] =	wrdreg $0x9  }
0x29: {  	_ =	task.clear_ibuf [dreg:s7], $0x5FFFF;
	_ =	strace $0x90000049  }
0x2a: {  	s29 =	simm.s32 $0x9;
	_ =	strace $0x8000004B  }
0x2b: {  	_ =	swait.ge [sflag:s29], $0x1  }
0x2c: {  	[sflag:s29] =	ssyncadd.s32 $0xFFFFFFFF  }
0x2d: {  	_ =	strace $0x9000004B  }
0x2e: {  	_ =	sfence  }
0x2f: {  	s30 =	sld [smem:$0x0];
	_ =	sdelay $0x2  }
0x30: {  	s31 =	sshll.u32 s1, $0xD;
	s1 =	sshrl.u32 s1, $0x2  }
0x31: {  	s3 =	sand.u32 $0x4000, s31;
	s1 =	sadd.s32 s1, s30  }
0x32: {  	s0 =	sor.u32 s3, s0;
	s1 =	sshll.u32 s1, $0x11  }
0x33: {  	s0 =	sor.u32 s1, s0  }
0x34: {  	s0 =	sadd.s32 $0x8F2B, s0  }
0x35: {  	[sflag:s0] =	ssyncadd.remote.s32 $0x1  }
0x36: {  	_ =	sfence.sel $0xFFFF  }
0x37: {  	[dreg:$0x0] =	wrdreg $0xFFFFFFFF;
	(pc) =	sbr.abs _section_cstart, $3  }
0x38: {  	[dreg:$0x1] =	wrdreg $0xFFFFFFFF  }
0x39: {  	_ =	task.clear_ibuf [dreg:s7], $0x2FFFF;
	_ =	strace $0x9FFFFFFF  }
0x3a: {  	(tm) =	ssettm $0x7FFFFFFF  }
0x3b: {  	_ =	shalt  }
tec
execute0_lowered:
.L_overlay_start_1:
0x0: {  	(tag) =	ssettag $0x1  }
0x1: {  	s0 =	srdreg.scid  }
0x2: {  	s1 =	sshll.u32 s0, $0x4  }
0x3: {  	s0 =	stileid.u32;
	s1 =	sand.u32 $0x10, s1  }
0x4: {  	s1 =	sor.u32 s0, s1  }
0x5: {  	s6 =	rddreg [dreg:$0x0];
	s4 =	simm.s32 $0x1;
	s2 =	sshll.u32 s1, $0x7  }
0x6: {  	s7 =	simm.s32 $0x2;
	s12 =	simm.s32 $0x0;
	s1 =	ssub.s32 $0x1000, s2  }
0x7: {  	s8 =	simm.s32 $0x8000;
	s13 =	simm.s32 $0x0;
	s3 =	sand.u32 $0xF80, s1  }
0x8: {  	s9 =	simm.s32 $0x0;
	s5 =	sshrl.u32 s1, $0xC;
	p0 =	sne.s32 s3, $0x0  }
.Ltmp0:
0x9: {  	s1 =	rddreg [dreg:$0x2];
	s4 =	simm.s32 @!p0 $0x0;
	(pc) =	sbr.rel .LBB1_1-.Ltmp0, $4  }
0xa: {  	s11 =	simm.s32 $0x0;
	s3 =	rddreg [dreg:$0x1];
	s5 =	sadd.s32 s4, s5  }
0xb: {  	_ =	strace $0x8000004A;
	s4 =	simm.s32 $0x1;
	s5 =	smul.u32 $0x32, s5  }
0xc: {  	s6 =	sadd.s32 $0x800, s6;
	s10 =	smov.u32 s2;
	[sflag:s4] =	ssyncpa.u1 $0x0  }
0xd: {  	p0 =	por $0x0, $0x0;
	[sflag:s7] =	ssyncpa.u1 $0x0;
	s7 =	sor.u32 $0x1, s5  }
.LBB1_4:
0xe: {  	s16 =	sshll.u32 s13, $0x3;
	s17 =	sand.u32 $0x78, s13  }
0xf: {  	s30 =	sand.u32 $0x7E00, s13;
	s12 =	sshll.u32 s12, $0xF;
	s16 =	sand.u32 $0xC00, s16  }
0x10: {  	[tilespmem:s15+$0x810 ss:$0x81] =	vst.msk $0xffff, v2;
	s31 =	sand.u32 $0x7, s13;
	s16 =	sor.u32 s17, s16;
	s17 =	sadd.s32 s3, s30  }
0x11: {  	[tilespmem:s15+$0x1020 ss:$0x81] =	vst.msk $0xffff, v0;
	s13 =	sshll.u32 s31, $0x12;
	s12 =	sadd.s32 s12, s17;
	s16 =	sshrl.u32 s16, $0x3  }
0x12: {  	[tilespmem:s15+$0x0 ss:$0x81] =	vst.msk $0xffff, v1;
	s13 =	sor.u32 $0x400, s13;
	s12 =	sadd.s32 s16, s12  }
0x13: {  	[hbm4b:s12+s13] =	stream.strided.scatter [tilespmem:s14], [sflag:$0x2], $0x2000, s8, s13, $0x20;
	[tilespmem:$0x8080] =	vst v63  }
.LBB1_5:
0x14: {  	s14 =	sadd.s32 $0x1, s9  }
0x15: {  	s12 =	sadd.s32 $0x1000, s10;
	s16 =	smov.u32 s10;
	p2 =	sgt.s32 s14, $0x31  }
0x16: {  	s16 =	smov.u32 @p2 s12  }
0x17: {  	s14 =	simm.s32 @p2 $0x0;
	p2 =	sgt.s32 s16, $0xFFF  }
0x18: {  	s16 =	smov.u32 @p2 s2;
	p2 =	sne.s32 s11, s7  }
.Ltmp1:
0x19: {  	p1 =	slt.u32 s11, $0x2;
	(pc) =	sbr.rel @!p2 .LBB1_6-.Ltmp1, $4  }
0x1a: {  	s15 =	simm.s32 @!p1 $0x2  }
0x1b: {  	s13 =	smov.u32 s10;
	p0 =	por !p0, !p0;
	_ =	swait.ge @!p1 [sflag:s15], $0x2000  }
0x1c: {  	s12 =	smov.u32 s9;
	[sflag:s15] =	ssyncset.done @!p1 $0x0;
	s9 =	smov.u32 s14  }
0x1d: {  	s11 =	sadd.s32 $0x1, s11;
	[sflag:s15] =	ssyncadd.s32 @!p1 $0xFFFFE000;
	s10 =	smov.u32 s16  }
.LBB1_1:
0x1e: {  	p1 =	sge.u32 s11, s5  }
0x1f: {  	s14 =	sand.u32 @!p1 $0x1FFFFFF, s9  }
0x20: {  	s15 =	smulhi.u32 @!p1 $0x4924925, s14;
	_ =	sdelay $0x1  }
0x21: {  	s15 =	smul.u32 @!p1 $0x38, s15  }
0x22: {  	s16 =	sxor.u32 @!p1 $0xFFFFFFFF, s11;
	s17 =	smul.u32 @!p1 $0x380, s10  }
0x23: {  	s31 =	sadd.s32 $0xFFFFFFFF, s11;
	s16 =	sshll.u32 @!p1 s16, $0xD;
	s14 =	ssub.s32 @!p1 s14, s15  }
0x24: {  	s15 =	sand.u32 @!p1 $0x2000, s16;
	s16 =	sadd.s32 @!p1 s6, s17;
	s14 =	sshll.u32 @!p1 s14, $0x4  }
0x25: {  	s17 =	simm.s32 @!p1 $0x1C00;
	s14 =	sadd.s32 @!p1 s14, s16;
	s16 =	simm.s32 @!p1 $0x40  }
0x26: {  	[tilespmem:s15], [sflag:$0x1] =	stream.strided.gather @!p1 [hbm4b:s14+s16], $0x2000, s17, s16, $0x38;
	[tilespmem:$0x8080] =	vst v63  }
0x27: {  	p1 =	sge.u32 s31, s5  }
.Ltmp2:
0x28: {  	_ = 	snop;
	(pc) =	sbr.rel @p1 .LBB1_5-.Ltmp2, $1  }
0x29: {  	_ =	sdelay $0x3  }
0x2a: {  	s14 =	simm.s32 $0x1  }
0x2b: {  	_ =	swait.ge [sflag:s4], $0x2000;
	s14 =	simm.s32 @!p0 $0x0  }
0x2c: {  	[sflag:s4] =	ssyncset.done $0x0;
	s15 =	sshll.u32 s14, $0xD  }
0x2d: {  	[sflag:s4] =	ssyncadd.s32 $0xFFFFE000;
	s18 =	sor.u32 $0x20, s15  }
0x2e: {  	s14 =	smul.u32 $0x8100, s14;
	v3 =	vld [tilespmem:s18+$0x10]  }
0x2f: {  	s30 =	sand.u32 $0x1, s11;
	v2 =	vld [tilespmem:s18+$0xFFFFFFF0]  }
0x30: {  	s15 =	smul.u32 $0x8100, s30;
	s14 =	sshrl.u32 s14, $0x2;
	v0 =	vld [tilespmem:s18+$0x0]  }
0x31: {  	v1 =	vld [tilespmem:s18+$0xFFFFFFE0];
	s16 =	sor.u32 $0x4000, s14  }
0x32: {  	s31 =	sshrl.u32 s15, $0x2;
	s15 =	sadd.s32 $0x0, s16  }
0x33: {  	s17 =	simm.s32 $0x4;
	s18 =	sadd.s32 $0x40, s18;
	s14 =	sor.u32 $0x4000, s31;
	[tilespmem:s15+$0x1830 ss:$0x81] =	vst.msk $0xffff, v3  }
.LBB1_3:
0x34: {  	v3 =	vld [tilespmem:s18+$0x10];
	p1 =	sne.s32 s17, $0x1FC;
	[tilespmem:s15+$0x810 ss:$0x81] =	vst.msk $0xffff, v2;
	s19 =	smov.u32 s17;
	s17 =	sadd.s32 $0x4, s17  }
.Ltmp3:
0x35: {  	v2 =	vld [tilespmem:s18+$0xFFFFFFF0];
	[tilespmem:s15+$0x1020 ss:$0x81] =	vst.msk $0xffff, v0;
	(pc) =	sbr.rel @p1 .LBB1_3-.Ltmp3, $4  }
0x36: {  	v0 =	vld [tilespmem:s18+$0x0];
	[tilespmem:s15+$0x0 ss:$0x81] =	vst.msk $0xffff, v1  }
0x37: {  	s15 =	sshra.s32 s19, $0x2;
	v1 =	vld [tilespmem:s18+$0xFFFFFFE0]  }
0x38: {  	s15 =	sadd.s32 s15, s16  }
0x39: {  	s18 =	sadd.s32 $0x40, s18;
	[tilespmem:s15+$0x1830 ss:$0x81] =	vst.msk $0xffff, v3  }
.Ltmp4:
0x3a: {  	_ = 	snop;
	(pc) =	sbr.rel .LBB1_4-.Ltmp4, $1  }
0x3b: {  	_ =	sdelay $0x3  }
.LBB1_6:
0x3c: {  	_ =	sfence.sel $0x180000  }
0x3d: {  	s2 =	simm.s32 $0x1;
	[bflag:$0x0] =	sbarrier.arrive $0xFFFF  }
0x3e: {  	s31 =	simm.s32 $0x2;
	[sflag:s2] =	ssyncpa.u1 $0x1  }
0x3f: {  	[sflag:s31] =	ssyncpa.u1 $0x1  }
0x40: {  	p0 =	sne.s32 s0, $0x0;
	_ =	strace $0x9000004A  }
0x41: {  	s0 =	sadd.s32 @!p0 $0x100000, s1;
	[bflag:$0x2] =	sbarrier.arrive $0xFFFF  }
0x42: {  	[sflag:s0] =	ssyncadd.tile.s32 @!p0 $0x1;
	_ =	shalt  }
.Lfunc_end1:
_tile_overlayer_lowered:
.L_overlay_start_2:
0x43: {  	(tag) =	ssettag $0x2  }
0x44: {  	s0 =	rddreg [dreg:$0x0];
	s2 =	stileid.u32  }
0x45: {  	s1 =	rddreg [dreg:$0x1];
	p0 =	sne.s32 s2, $0x0  }
0x46: {  	s3 =	rddreg [dreg:$0x2];
	[bflag:$0x3] =	sbarrier.arrive $0xFFFF;
	s2 =	simm.s32 @!p0 $0x1C01  }
0x47: {  	[timem:s3], [sflag:s2] =	dma.local @!p0 [hbm:s0], s1  }
0x48: {  	s0 =	simm.s32 @!p0 $0x1  }
0x49: {  	_ =	swait.ge @!p0 [sflag:s0], s1  }
0x4a: {  	s1 =	ssub.s32 @!p0 $0x0, s1;
	[sflag:s0] =	ssyncset.done @!p0 $0x0  }
0x4b: {  	[sflag:s0] =	ssyncadd.s32 @!p0 s1  }
0x4c: {  	[bflag:$0x3] =	sbarrier.arrive $0xFFFF  }
0x4d: {  	_ =	shalt  }

</sc_bundles>
